<compile_context>
chip_gen: v7x
topology: tpu7x:2x2x1
jax: 0.10.2.dev20260603
libtpu: 0.0.44.dev20260713+nightly
codegen_flags: <defaults>
</compile_context>

<pallas_src>
import functools

import jax
import jax.numpy as jnp
from jax import lax
from jax.experimental import pallas as pl
from jax.experimental.pallas import tpu as pltpu
from jax.experimental.pallas import tpu_sc as plsc

_N = 10000
_D = 128
_HD = 32
_E = 320000
_G = 8

_NC = 2
_NSC = 16
_NW = _NC * _NSC
_CB = 128
_NCHUNK = 2560
_EP = _NCHUNK * _CB
_CH = _NCHUNK
_CPW = _CH // _NW
_CPP = _CB // 4
_EPPH = _CH * _CPP
_NP = 10016
_NACC = 10240
_RPT = _NACC // _NSC

_sc_mesh = plsc.VectorSubcoreMesh(
    core_axis_name="c", subcore_axis_name="s", num_cores=_NC, num_subcores=_NSC)


def _k1_body(x_ref, g_ref, b_ref, wa_ref, wb_ref, a_ref, bb_ref):
    x = x_ref[...]
    mu = jnp.mean(x, axis=0, keepdims=True)
    xc = x - mu
    var = jnp.mean(xc * xc, axis=0, keepdims=True)
    xn = xc * (g_ref[...] * lax.rsqrt(var + 1e-5)) + b_ref[...]
    a_ref[pl.ds(0, _N), :] = jnp.dot(xn, wa_ref[...],
                                     preferred_element_type=jnp.float32)
    bb_ref[pl.ds(0, _N), :] = jnp.dot(xn, wb_ref[...],
                                      preferred_element_type=jnp.float32)
    pad = jnp.zeros((_NP - _N, _HD), jnp.float32)
    a_ref[pl.ds(_N, _NP - _N), :] = pad
    bb_ref[pl.ds(_N, _NP - _N), :] = pad


_k1 = pl.pallas_call(
    _k1_body,
    out_shape=(jax.ShapeDtypeStruct((_NP, _HD), jnp.float32),
               jax.ShapeDtypeStruct((_NP, _HD), jnp.float32)),
)


def _make_gather(half):
    gbase0 = half * _CH

    @functools.partial(
        pl.kernel,
        out_type=jax.ShapeDtypeStruct((_EPPH, 128), jnp.float32),
        mesh=_sc_mesh,
        scratch_types=(
            pltpu.VMEM((_CPW, _CB), jnp.int32),
            pltpu.VMEM((_CPW, _CB), jnp.int32),
            pltpu.VMEM((_CB, _HD), jnp.float32),
            pltpu.VMEM((_CB, _HD), jnp.float32),
            pltpu.VMEM((_CB, _HD), jnp.float32),
            pltpu.VMEM((_CB, _HD), jnp.float32),
            pltpu.VMEM((_CPP, 128), jnp.float32),
            pltpu.VMEM((_CPP, 128), jnp.float32),
            pltpu.VMEM_SHARED((_NP, _HD), jnp.float32),
            pltpu.VMEM_SHARED((_NP, _HD), jnp.float32),
            pltpu.SemaphoreType.DMA,
            pltpu.SemaphoreType.DMA,
            pltpu.SemaphoreType.DMA,
            pltpu.SemaphoreType.DMA,
            pltpu.SemaphoreType.DMA,
            pltpu.SemaphoreType.DMA,
        ),
        compiler_params=pltpu.CompilerParams(use_tc_tiling_on_sc=False),
    )
    def _gather_sc(dst_hbm, src_hbm, a_hbm, b_hbm, p_hbm,
                   dstv, srcv, bufa0, bufb0, bufa1, bufb1, bufp0, bufp1,
                   a_sh, b_sh, sa0, sb0, sa1, sb1, sw0, sw1):
        c = lax.axis_index("c")
        s = lax.axis_index("s")
        w = s * _NC + c
        lbase = w * _CPW
        rps = _NP // _NSC
        pltpu.sync_copy(a_hbm.at[pl.ds(s * rps, rps)],
                        a_sh.at[pl.ds(s * rps, rps)])
        pltpu.sync_copy(b_hbm.at[pl.ds(s * rps, rps)],
                        b_sh.at[pl.ds(s * rps, rps)])
        pltpu.sync_copy(dst_hbm.at[pl.ds(gbase0 + lbase, _CPW)], dstv)
        pltpu.sync_copy(src_hbm.at[pl.ds(gbase0 + lbase, _CPW)], srcv)
        plsc.subcore_barrier()

        rings = ((bufa0, bufb0, bufp0, sa0, sb0, sw0),
                 (bufa1, bufb1, bufp1, sa1, sb1, sw1))

        def fire(j, ba, bb, sa, sb):
            pltpu.async_copy(a_sh.at[dstv.at[j]], ba, sa)
            pltpu.async_copy(b_sh.at[srcv.at[j]], bb, sb)

        for b in range(2):
            ba, bb, _, sa, sb, _ = rings[b]
            fire(b, ba, bb, sa, sb)

        def pair(k, carry):
            for b in range(2):
                ba, bb, bp, sa, sb, sw = rings[b]
                j = k * 2 + b
                pltpu.make_async_copy(a_sh.at[dstv.at[j]], ba, sa).wait()
                pltpu.make_async_copy(b_sh.at[srcv.at[j]], bb, sb).wait()

                @pl.when(k > 0)
                def _():
                    pltpu.make_async_copy(
                        bp, p_hbm.at[pl.ds((lbase + j - 2) * _CPP, _CPP)], sw
                    ).wait()

                @plsc.parallel_loop(0, _CPP, unroll=8)
                def rp(r):
                    for l in range(8):
                        e = r * 4 + l // 2
                        f0 = (l % 2) * 16
                        bp[r, pl.ds(l * 16, 16)] = (
                            ba[e, pl.ds(f0, 16)] + bb[e, pl.ds(f0, 16)])

                pltpu.async_copy(
                    bp, p_hbm.at[pl.ds((lbase + j) * _CPP, _CPP)], sw)

                @pl.when(k < _CPW // 2 - 1)
                def _():
                    fire(j + 2, ba, bb, sa, sb)

            return carry

        lax.fori_loop(0, _CPW // 2, pair, 0)

        for b in range(2):
            _, _, bp, _, _, sw = rings[b]
            j = _CPW - 2 + b
            pltpu.make_async_copy(
                bp, p_hbm.at[pl.ds((lbase + j) * _CPP, _CPP)], sw).wait()

    return _gather_sc


_gather0 = _make_gather(0)


_RB = 16384


def _k3_body(p_ref, w2d_ref, b1_ref, b2_ref, o_ref):
    h = jnp.maximum(p_ref[...] + b1_ref[...], 0.0)
    h = jnp.dot(h, w2d_ref[...], preferred_element_type=jnp.float32) + b2_ref[...]
    o_ref[...] = jnp.maximum(h, 0.0)


_k3 = pl.pallas_call(
    _k3_body,
    grid=(_EPPH // _RB,),
    in_specs=[
        pl.BlockSpec((_RB, 128), lambda i: (i, 0)),
        pl.BlockSpec((128, 128), lambda i: (0, 0)),
        pl.BlockSpec((1, 128), lambda i: (0, 0)),
        pl.BlockSpec((1, 128), lambda i: (0, 0)),
    ],
    out_specs=pl.BlockSpec((_RB, 128), lambda i: (i, 0)),
    out_shape=jax.ShapeDtypeStruct((_EPPH, 128), jnp.float32),
)


def _make_scatter(half):
    gbase0 = half * _CH

    @functools.partial(
        pl.kernel,
        out_type=(jax.ShapeDtypeStruct((_NC, _NACC, _HD), jnp.float32),
                  jax.ShapeDtypeStruct((_NC, _NACC), jnp.float32)),
        mesh=_sc_mesh,
        scratch_types=(
            pltpu.VMEM((_CPW, _CB), jnp.int32),
            pltpu.VMEM((_CPP, 128), jnp.float32),
            pltpu.VMEM((_CPP, 128), jnp.float32),
            pltpu.VMEM((_CB, _HD), jnp.float32),
            pltpu.VMEM((_CB, _HD), jnp.float32),
            pltpu.VMEM((_CB, _HD), jnp.float32),
            pltpu.VMEM((_CB,), jnp.float32),
            pltpu.VMEM((_CB,), jnp.float32),
            pltpu.VMEM_SHARED((_NACC, _HD), jnp.float32),
            pltpu.VMEM_SHARED((_NACC,), jnp.float32),
            pltpu.SemaphoreType.DMA,
            pltpu.SemaphoreType.DMA,
            pltpu.SemaphoreType.DMA,
            pltpu.SemaphoreType.DMA,
            pltpu.SemaphoreType.DMA,
            pltpu.SemaphoreType.DMA,
        ),
        compiler_params=pltpu.CompilerParams(use_tc_tiling_on_sc=False),
    )
    def _scatter_sc(dst_hbm, h_hbm, s_out, c_out,
                    dstv, bufp0, bufp1, bufh0, bufh1, zero2d, ones1, zero1,
                    s_sh, c_sh, sr0, sr1, ss0, ss1, sc0, sc1):
        c = lax.axis_index("c")
        s = lax.axis_index("s")
        w = s * _NC + c
        lbase = w * _CPW
        rbase = s * _RPT

        rings = ((bufp0, bufh0, sr0, ss0, sc0), (bufp1, bufh1, sr1, ss1, sc1))

        for b in range(2):
            bp, _, sr, _, _ = rings[b]
            pltpu.async_copy(h_hbm.at[pl.ds((lbase + b) * _CPP, _CPP)], bp, sr)

        def fill2(i, carry):
            zero2d[i, pl.ds(0, 16)] = jnp.zeros((16,), jnp.float32)
            zero2d[i, pl.ds(16, 16)] = jnp.zeros((16,), jnp.float32)
            return carry

        lax.fori_loop(0, _CB, fill2, 0)

        def fill1(i, carry):
            ones1[pl.ds(i * 16, 16)] = jnp.ones((16,), jnp.float32)
            zero1[pl.ds(i * 16, 16)] = jnp.zeros((16,), jnp.float32)
            return carry

        lax.fori_loop(0, _CB // 16, fill1, 0)

        def zz(k, carry):
            pltpu.sync_copy(zero2d, s_sh.at[pl.ds(rbase + k * _CB, _CB)])
            pltpu.sync_copy(zero1, c_sh.at[pl.ds(rbase + k * _CB, _CB)])
            return carry

        lax.fori_loop(0, _RPT // _CB, zz, 0)
        pltpu.sync_copy(dst_hbm.at[pl.ds(gbase0 + lbase, _CPW)], dstv)
        plsc.subcore_barrier()

        def pair(k, carry):
            for b in range(2):
                bp, bh, sr, ss, sc2 = rings[b]
                j = k * 2 + b
                pltpu.make_async_copy(
                    h_hbm.at[pl.ds((lbase + j) * _CPP, _CPP)], bp, sr).wait()

                @pl.when(k > 0)
                def _():
                    pltpu.make_async_copy(
                        bh, s_sh.at[dstv.at[j - 2]], ss).wait()
                    pltpu.make_async_copy(
                        ones1, c_sh.at[dstv.at[j - 2]], sc2).wait()

                @plsc.parallel_loop(0, _CPP, unroll=8)
                def rp(r):
                    for l in range(8):
                        e = r * 4 + l // 2
                        f0 = (l % 2) * 16
                        bh[e, pl.ds(f0, 16)] = bp[r, pl.ds(l * 16, 16)]

                pltpu.async_copy(bh, s_sh.at[dstv.at[j]], ss, add=True)
                pltpu.async_copy(ones1, c_sh.at[dstv.at[j]], sc2, add=True)

                @pl.when(k < _CPW // 2 - 1)
                def _():
                    pltpu.async_copy(
                        h_hbm.at[pl.ds((lbase + j + 2) * _CPP, _CPP)], bp, sr)

            return carry

        lax.fori_loop(0, _CPW // 2, pair, 0)

        for b in range(2):
            bp, bh, sr, ss, sc2 = rings[b]
            j = _CPW - 2 + b
            pltpu.make_async_copy(bh, s_sh.at[dstv.at[j]], ss).wait()
            pltpu.make_async_copy(ones1, c_sh.at[dstv.at[j]], sc2).wait()
        plsc.subcore_barrier()

        def co(k, carry):
            pltpu.sync_copy(s_sh.at[pl.ds(rbase + k * _CB, _CB)],
                            s_out.at[c].at[pl.ds(rbase + k * _CB, _CB)])
            pltpu.sync_copy(c_sh.at[pl.ds(rbase + k * _CB, _CB)],
                            c_out.at[c].at[pl.ds(rbase + k * _CB, _CB)])
            return carry

        lax.fori_loop(0, _RPT // _CB, co, 0)

    return _scatter_sc


_scatter0 = _make_scatter(0)


def _k5_body(s0_ref, c0_ref, batch_ref, u_ref, gg_ref, gb_ref,
             w3_ref, b3_ref, wo1_ref, bo1_ref, wo2_ref, bo2_ref, wo3_ref,
             bo3_ref, o_ref):
    sv0 = s0_ref[...]
    big = (sv0[0] + sv0[1])[0:_N]
    sw = jnp.dot(big, w3_ref[...], preferred_element_type=jnp.float32)
    cv0 = c0_ref[...]
    crow = cv0[0:1, 0:_N] + cv0[1:2, 0:_N]
    recip = 1.0 / jnp.maximum(crow, 1.0)
    ind = (crow > 0.0).astype(jnp.float32)
    bt = batch_ref[...]
    gi = lax.broadcasted_iota(jnp.int32, (_G, _N), 0)
    m = (gi == bt).astype(jnp.float32)
    gs = jnp.dot(m * recip, sw, preferred_element_type=jnp.float32)
    nb = jnp.sum(m * ind, axis=1, keepdims=True)
    gcnt = jnp.sum(m, axis=1, keepdims=True)
    u2 = (gs + nb * b3_ref[...]) / jnp.maximum(gcnt, 1.0)
    uv = u_ref[...]
    mu = jnp.mean(uv, axis=0, keepdims=True)
    uc = uv - mu
    var = jnp.mean(uc * uc, axis=0, keepdims=True)
    u1 = uc * (gg_ref[...] * lax.rsqrt(var + 1e-5)) + gb_ref[...]
    uu = jnp.concatenate([u1, u2], axis=1)
    h = jnp.maximum(jnp.dot(uu, wo1_ref[...],
                            preferred_element_type=jnp.float32) + bo1_ref[...], 0.0)
    h = jnp.maximum(jnp.dot(h, wo2_ref[...],
                            preferred_element_type=jnp.float32) + bo2_ref[...], 0.0)
    o_ref[...] = jnp.dot(h, wo3_ref[...],
                         preferred_element_type=jnp.float32) + bo3_ref[...]


_k5 = pl.pallas_call(
    _k5_body,
    out_shape=jax.ShapeDtypeStruct((_G, 1), jnp.float32),
)


def kernel(x, edge_index, u, batch, bn_g, bn_b, bng_g, bng_b,
           w1, b1, w2, b2, w3, b3, wo1, bo1, wo2, bo2, wo3, bo3):
    wa = w1[:_D] - w1[_D:]
    wb = w1[_D:]
    a_t, b_t = _k1(x, bn_g.reshape(1, _D), bn_b.reshape(1, _D), wa, wb)

    pad = jnp.full((_EP - _E,), _N, jnp.int32)
    dst2 = jnp.concatenate([edge_index[1], pad]).reshape(_NCHUNK, _CB)
    src2 = jnp.concatenate([edge_index[0], pad]).reshape(_NCHUNK, _CB)

    w2d = jnp.kron(jnp.eye(4, dtype=jnp.float32), w2)
    b1t = jnp.tile(b1, 4).reshape(1, 128)
    b2t = jnp.tile(b2, 4).reshape(1, 128)

    p0 = _gather0(dst2, src2, a_t, b_t)
    h0 = _k3(p0, w2d, b1t, b2t)
    s_p0, c_p0 = _scatter0(dst2, h0)

    return _k5(s_p0, c_p0, batch.reshape(1, _N), u,
               bng_g.reshape(1, 2), bng_b.reshape(1, 2),
               w3, b3.reshape(1, _HD),
               wo1, bo1.reshape(1, -1), wo2, bo2.reshape(1, -1),
               wo3, bo3.reshape(1, 1))

# --- scband reference (transcript-rebuilt; emitter-appended) ---
"""Pipeline reference for scband-edge-net-44358422233174 (READ-ONLY COPY).

The authoritative reference and input builder live on the scoring server;
editing this copy changes nothing except your own understanding.
"""

import jax, jax.numpy as jnp
import numpy as np

N = 10000
E = 320000
D = 128
BIG = 32
BIGGER = 128
GDIM = 2
OUTD = 1
G = 8


def setup_inputs(seed: int = 0) -> dict:
    key = jax.random.key(seed)
    ks = jax.random.split(key, 24)
    inp = {}
    inp['x'] = jax.random.normal(ks[0], (N, D), dtype=jnp.float32)
    inp['edge_index'] = jax.random.randint(ks[1], (2, E), 0, N, dtype=jnp.int32)
    inp['u'] = jax.random.normal(ks[2], (G, GDIM), dtype=jnp.float32)
    inp['batch'] = jnp.sort(jax.random.randint(ks[3], (N,), 0, G, dtype=jnp.int32))
    # BatchNorm params
    inp['bn_g'] = jnp.ones((D,), dtype=jnp.float32)
    inp['bn_b'] = jnp.zeros((D,), dtype=jnp.float32)
    inp['bng_g'] = jnp.ones((GDIM,), dtype=jnp.float32)
    inp['bng_b'] = jnp.zeros((GDIM,), dtype=jnp.float32)
    # EdgeConv nn: Linear(2D,BIG) ReLU Linear(BIG,BIG) ReLU Linear(BIG,BIG)
    inp['w1'] = jax.random.normal(ks[4], (2 * D, BIG), dtype=jnp.float32) * 0.05
    inp['b1'] = jnp.zeros((BIG,), dtype=jnp.float32)
    inp['w2'] = jax.random.normal(ks[5], (BIG, BIG), dtype=jnp.float32) * 0.05
    inp['b2'] = jnp.zeros((BIG,), dtype=jnp.float32)
    inp['w3'] = jax.random.normal(ks[6], (BIG, BIG), dtype=jnp.float32) * 0.05
    inp['b3'] = jnp.zeros((BIG,), dtype=jnp.float32)
    # outnn: Linear(BIG+GDIM,BIGGER) ReLU Linear(BIGGER,BIGGER) ReLU Linear(BIGGER,OUTD)
    inp['wo1'] = jax.random.normal(ks[7], (BIG + GDIM, BIGGER), dtype=jnp.float32) * 0.05
    inp['bo1'] = jnp.zeros((BIGGER,), dtype=jnp.float32)
    inp['wo2'] = jax.random.normal(ks[8], (BIGGER, BIGGER), dtype=jnp.float32) * 0.05
    inp['bo2'] = jnp.zeros((BIGGER,), dtype=jnp.float32)
    inp['wo3'] = jax.random.normal(ks[9], (BIGGER, OUTD), dtype=jnp.float32) * 0.05
    inp['bo3'] = jnp.zeros((OUTD,), dtype=jnp.float32)
    return inp


def _batchnorm(x, g, b, eps=1e-5):
    mu = jnp.mean(x, axis=0)
    var = jnp.var(x, axis=0)
    return (x - mu) / jnp.sqrt(var + eps) * g + b


def reference(x, edge_index, u, batch, bn_g, bn_b, bng_g, bng_b,
              w1, b1, w2, b2, w3, b3, wo1, bo1, wo2, bo2, wo3, bo3):
    # BatchNorm1d on node features (training-mode batch stats)
    xn = _batchnorm(x, bn_g, bn_b)
    # EdgeConv: message = nn(cat([x_i, x_j - x_i])), mean-aggregated at dst i
    src = edge_index[0]
    dst = edge_index[1]
    x_i = jnp.take(xn, dst, axis=0)
    x_j = jnp.take(xn, src, axis=0)
    m = jnp.concatenate([x_i, x_j - x_i], axis=-1)
    h = jax.nn.relu(m @ w1 + b1)
    h = jax.nn.relu(h @ w2 + b2)
    h = h @ w3 + b3
    s = jax.ops.segment_sum(h, dst, num_segments=xn.shape[0])
    cnt = jax.ops.segment_sum(jnp.ones((h.shape[0], 1), dtype=h.dtype), dst, num_segments=xn.shape[0])
    xc = s / jnp.clip(cnt, 1.0, None)
    # globals
    u1 = _batchnorm(u, bng_g, bng_b)
    gs = jax.ops.segment_sum(xc, batch, num_segments=u.shape[0])
    gc = jax.ops.segment_sum(jnp.ones((xc.shape[0], 1), dtype=xc.dtype), batch, num_segments=u.shape[0])
    u2 = gs / jnp.clip(gc, 1.0, None)
    uu = jnp.concatenate([u1, u2], axis=-1)
    h2 = jax.nn.relu(uu @ wo1 + bo1)
    h2 = jax.nn.relu(h2 @ wo2 + bo2)
    return h2 @ wo3 + bo3

if __name__ == "__main__":
    import jax
    _d = setup_inputs()
    print(jax.jit(kernel)(*tuple(_d.values())))

</pallas_src>

<mosaic_0001>
#map = affine_map<(d0, d1) -> (0, 0)>
module attributes {stable_mosaic.version = 14 : i64} {
  func.func @_gather_sc(%arg0: i32, %arg1: i32, %arg2: memref<2560x128xi32, #tpu.memory_space<hbm>>, %arg3: memref<2560x128xi32, #tpu.memory_space<hbm>>, %arg4: memref<10016x32xf32, #tpu.memory_space<hbm>>, %arg5: memref<10016x32xf32, #tpu.memory_space<hbm>>, %arg6: memref<81920x128xf32, #tpu.memory_space<hbm>>, %arg7: memref<80x128xi32, #tpu.memory_space<vmem>>, %arg8: memref<80x128xi32, #tpu.memory_space<vmem>>, %arg9: memref<128x32xf32, #tpu.memory_space<vmem>>, %arg10: memref<128x32xf32, #tpu.memory_space<vmem>>, %arg11: memref<128x32xf32, #tpu.memory_space<vmem>>, %arg12: memref<128x32xf32, #tpu.memory_space<vmem>>, %arg13: memref<32x128xf32, #tpu.memory_space<vmem>>, %arg14: memref<32x128xf32, #tpu.memory_space<vmem>>, %arg15: memref<10016x32xf32, #tpu.memory_space<vmem_shared>>, %arg16: memref<10016x32xf32, #tpu.memory_space<vmem_shared>>, %arg17: memref<!tpu.dma_semaphore, #tpu.memory_space<semaphore_mem>>, %arg18: memref<!tpu.dma_semaphore, #tpu.memory_space<semaphore_mem>>, %arg19: memref<!tpu.dma_semaphore, #tpu.memory_space<semaphore_mem>>, %arg20: memref<!tpu.dma_semaphore, #tpu.memory_space<semaphore_mem>>, %arg21: memref<!tpu.dma_semaphore, #tpu.memory_space<semaphore_mem>>, %arg22: memref<!tpu.dma_semaphore, #tpu.memory_space<semaphore_mem>>) attributes {dimension_semantics = [#tpu.dimension_semantics<core_parallel>, #tpu.dimension_semantics<subcore_parallel>], iteration_bounds = array<i64: 2, 16>, scalar_prefetch = 0 : i64, scratch_operands = 16 : i64, tpu.core_type = #tpu.core_type<sc_vector_subcore>, window_params = [{transform_indices = #map}, {transform_indices = #map}, {transform_indices = #map}, {transform_indices = #map}, {transform_indices = #map}]} {
    %mul3A = arith.constant 2 : i32
    %mul3A_0 = arith.muli %arg1, %mul3A : i32
    %add3A = arith.addi %mul3A_0, %arg0 : i32
    %mul3A_1 = arith.constant 80 : i32
    %mul3A_2 = arith.muli %add3A, %mul3A_1 : i32
    %mul3A_3 = arith.constant 626 : i32
    %mul3A_4 = arith.muli %arg1, %mul3A_3 : i32
    %mul3A_5 = arith.constant 626 : i32
    %mul3A_6 = arith.muli %arg1, %mul3A_5 : i32
    "tpu.region"() ({
      %run_scoped3A = tpu.sem_alloc : memref<!tpu.dma_semaphore, #tpu.memory_space<semaphore_mem>>
      %dma_start3A_62 = arith.constant 0 : i32
      %dma_start3A_63 = tpu.memref_slice %arg15[%mul3A_6, %dma_start3A_62] : memref<10016x32xf32, #tpu.memory_space<vmem_shared>> -> memref<626x32xf32, #tpu.memory_space<vmem_shared>>
      %dma_start3A_64 = arith.constant 0 : i32
      %dma_start3A_65 = tpu.memref_slice %arg4[%mul3A_4, %dma_start3A_64] : memref<10016x32xf32, #tpu.memory_space<hbm>> -> memref<626x32xf32, #tpu.memory_space<hbm>>
      tpu.enqueue_dma source(%dma_start3A_65 : memref<626x32xf32, #tpu.memory_space<hbm>>) target(%dma_start3A_63 : memref<626x32xf32, #tpu.memory_space<vmem_shared>>) target_semaphore(%run_scoped3A : memref<!tpu.dma_semaphore, #tpu.memory_space<semaphore_mem>>)
      %dma_wait3A_66 = arith.constant 0 : i32
      %dma_wait3A_67 = tpu.memref_slice %arg15[%mul3A_6, %dma_wait3A_66] : memref<10016x32xf32, #tpu.memory_space<vmem_shared>> -> memref<626x32xf32, #tpu.memory_space<vmem_shared>>
      %dma_wait3A_68 = arith.constant 0 : i32
      %dma_wait3A_69 = tpu.memref_slice %arg4[%mul3A_4, %dma_wait3A_68] : memref<10016x32xf32, #tpu.memory_space<hbm>> -> memref<626x32xf32, #tpu.memory_space<hbm>>
      tpu.wait_dma2 semaphore(%run_scoped3A : memref<!tpu.dma_semaphore, #tpu.memory_space<semaphore_mem>>) src(%dma_wait3A_69 : memref<626x32xf32, #tpu.memory_space<hbm>>) dst(%dma_wait3A_67 : memref<626x32xf32, #tpu.memory_space<vmem_shared>>)
      tpu.yield
    }) : () -> ()
    %mul3A_7 = arith.constant 626 : i32
    %mul3A_8 = arith.muli %arg1, %mul3A_7 : i32
    %mul3A_9 = arith.constant 626 : i32
    %mul3A_10 = arith.muli %arg1, %mul3A_9 : i32
    "tpu.region"() ({
      %run_scoped3A = tpu.sem_alloc : memref<!tpu.dma_semaphore, #tpu.memory_space<semaphore_mem>>
      %dma_start3A_62 = arith.constant 0 : i32
      %dma_start3A_63 = tpu.memref_slice %arg16[%mul3A_10, %dma_start3A_62] : memref<10016x32xf32, #tpu.memory_space<vmem_shared>> -> memref<626x32xf32, #tpu.memory_space<vmem_shared>>
      %dma_start3A_64 = arith.constant 0 : i32
      %dma_start3A_65 = tpu.memref_slice %arg5[%mul3A_8, %dma_start3A_64] : memref<10016x32xf32, #tpu.memory_space<hbm>> -> memref<626x32xf32, #tpu.memory_space<hbm>>
      tpu.enqueue_dma source(%dma_start3A_65 : memref<626x32xf32, #tpu.memory_space<hbm>>) target(%dma_start3A_63 : memref<626x32xf32, #tpu.memory_space<vmem_shared>>) target_semaphore(%run_scoped3A : memref<!tpu.dma_semaphore, #tpu.memory_space<semaphore_mem>>)
      %dma_wait3A_66 = arith.constant 0 : i32
      %dma_wait3A_67 = tpu.memref_slice %arg16[%mul3A_10, %dma_wait3A_66] : memref<10016x32xf32, #tpu.memory_space<vmem_shared>> -> memref<626x32xf32, #tpu.memory_space<vmem_shared>>
      %dma_wait3A_68 = arith.constant 0 : i32
      %dma_wait3A_69 = tpu.memref_slice %arg5[%mul3A_8, %dma_wait3A_68] : memref<10016x32xf32, #tpu.memory_space<hbm>> -> memref<626x32xf32, #tpu.memory_space<hbm>>
      tpu.wait_dma2 semaphore(%run_scoped3A : memref<!tpu.dma_semaphore, #tpu.memory_space<semaphore_mem>>) src(%dma_wait3A_69 : memref<626x32xf32, #tpu.memory_space<hbm>>) dst(%dma_wait3A_67 : memref<626x32xf32, #tpu.memory_space<vmem_shared>>)
      tpu.yield
    }) : () -> ()
    %add3A_11 = arith.constant 0 : i32
    %add3A_12 = arith.addi %add3A_11, %mul3A_2 : i32
    "tpu.region"() ({
      %run_scoped3A = tpu.sem_alloc : memref<!tpu.dma_semaphore, #tpu.memory_space<semaphore_mem>>
      %dma_start3A_62 = arith.constant 0 : i32
      %dma_start3A_63 = tpu.memref_slice %arg2[%add3A_12, %dma_start3A_62] : memref<2560x128xi32, #tpu.memory_space<hbm>> -> memref<80x128xi32, #tpu.memory_space<hbm>>
      %dma_start3A_64 = arith.constant 0 : i32
      %dma_start3A_65 = tpu.memref_slice %arg2[%add3A_12, %dma_start3A_64] : memref<2560x128xi32, #tpu.memory_space<hbm>> -> memref<80x128xi32, #tpu.memory_space<hbm>>
      tpu.enqueue_dma source(%dma_start3A_65 : memref<80x128xi32, #tpu.memory_space<hbm>>) target(%arg7 : memref<80x128xi32, #tpu.memory_space<vmem>>) target_semaphore(%run_scoped3A : memref<!tpu.dma_semaphore, #tpu.memory_space<semaphore_mem>>)
      %dma_wait3A_66 = arith.constant 0 : i32
      %dma_wait3A_67 = tpu.memref_slice %arg2[%add3A_12, %dma_wait3A_66] : memref<2560x128xi32, #tpu.memory_space<hbm>> -> memref<80x128xi32, #tpu.memory_space<hbm>>
      %dma_wait3A_68 = arith.constant 0 : i32
      %dma_wait3A_69 = tpu.memref_slice %arg2[%add3A_12, %dma_wait3A_68] : memref<2560x128xi32, #tpu.memory_space<hbm>> -> memref<80x128xi32, #tpu.memory_space<hbm>>
      tpu.wait_dma2 semaphore(%run_scoped3A : memref<!tpu.dma_semaphore, #tpu.memory_space<semaphore_mem>>) src(%dma_wait3A_69 : memref<80x128xi32, #tpu.memory_space<hbm>>) dst(%arg7 : memref<80x128xi32, #tpu.memory_space<vmem>>)
      tpu.yield
    }) : () -> ()
    %add3A_13 = arith.constant 0 : i32
    %add3A_14 = arith.addi %add3A_13, %mul3A_2 : i32
    "tpu.region"() ({
      %run_scoped3A = tpu.sem_alloc : memref<!tpu.dma_semaphore, #tpu.memory_space<semaphore_mem>>
      %dma_start3A_62 = arith.constant 0 : i32
      %dma_start3A_63 = tpu.memref_slice %arg3[%add3A_14, %dma_start3A_62] : memref<2560x128xi32, #tpu.memory_space<hbm>> -> memref<80x128xi32, #tpu.memory_space<hbm>>
      %dma_start3A_64 = arith.constant 0 : i32
      %dma_start3A_65 = tpu.memref_slice %arg3[%add3A_14, %dma_start3A_64] : memref<2560x128xi32, #tpu.memory_space<hbm>> -> memref<80x128xi32, #tpu.memory_space<hbm>>
      tpu.enqueue_dma source(%dma_start3A_65 : memref<80x128xi32, #tpu.memory_space<hbm>>) target(%arg8 : memref<80x128xi32, #tpu.memory_space<vmem>>) target_semaphore(%run_scoped3A : memref<!tpu.dma_semaphore, #tpu.memory_space<semaphore_mem>>)
      %dma_wait3A_66 = arith.constant 0 : i32
      %dma_wait3A_67 = tpu.memref_slice %arg3[%add3A_14, %dma_wait3A_66] : memref<2560x128xi32, #tpu.memory_space<hbm>> -> memref<80x128xi32, #tpu.memory_space<hbm>>
      %dma_wait3A_68 = arith.constant 0 : i32
      %dma_wait3A_69 = tpu.memref_slice %arg3[%add3A_14, %dma_wait3A_68] : memref<2560x128xi32, #tpu.memory_space<hbm>> -> memref<80x128xi32, #tpu.memory_space<hbm>>
      tpu.wait_dma2 semaphore(%run_scoped3A : memref<!tpu.dma_semaphore, #tpu.memory_space<semaphore_mem>>) src(%dma_wait3A_69 : memref<80x128xi32, #tpu.memory_space<hbm>>) dst(%arg8 : memref<80x128xi32, #tpu.memory_space<vmem>>)
      tpu.yield
    }) : () -> ()
    %barrier3A = arith.constant 0 : index
    tpu.barrier barrier_id(%barrier3A)
    %dma_start3A = arith.constant 0 : i32
    %dma_start3A_15 = arith.constant 0 : i32
    %dma_start3A_16 = tpu.memref_slice %arg7[%dma_start3A, %dma_start3A_15] : memref<80x128xi32, #tpu.memory_space<vmem>> -> memref<1x128xi32, #tpu.memory_space<vmem>>
    %dma_start3A_17 = tpu.memref_squeeze %dma_start3A_16 : memref<1x128xi32, #tpu.memory_space<vmem>> -> memref<128xi32, #tpu.memory_space<vmem>>
    %dma_start3A_18 = arith.constant 0 : i32
    %dma_start3A_19 = arith.constant 0 : i32
    %dma_start3A_20 = tpu.memref_slice %arg15[%dma_start3A_18, %dma_start3A_19] : memref<10016x32xf32, #tpu.memory_space<vmem_shared>> -> memref<10016x32xf32, #tpu.memory_space<vmem_shared>>
    tpu.enqueue_indirect_dma source(%dma_start3A_20 : memref<10016x32xf32, #tpu.memory_space<vmem_shared>>) target(%arg9 : memref<128x32xf32, #tpu.memory_space<vmem>>) offsets(%dma_start3A_17 : memref<128xi32, #tpu.memory_space<vmem>>) semaphore(%arg17 : memref<!tpu.dma_semaphore, #tpu.memory_space<semaphore_mem>>)
    %dma_start3A_21 = arith.constant 0 : i32
    %dma_start3A_22 = arith.constant 0 : i32
    %dma_start3A_23 = tpu.memref_slice %arg8[%dma_start3A_21, %dma_start3A_22] : memref<80x128xi32, #tpu.memory_space<vmem>> -> memref<1x128xi32, #tpu.memory_space<vmem>>
    %dma_start3A_24 = tpu.memref_squeeze %dma_start3A_23 : memref<1x128xi32, #tpu.memory_space<vmem>> -> memref<128xi32, #tpu.memory_space<vmem>>
    %dma_start3A_25 = arith.constant 0 : i32
    %dma_start3A_26 = arith.constant 0 : i32
    %dma_start3A_27 = tpu.memref_slice %arg16[%dma_start3A_25, %dma_start3A_26] : memref<10016x32xf32, #tpu.memory_space<vmem_shared>> -> memref<10016x32xf32, #tpu.memory_space<vmem_shared>>
    tpu.enqueue_indirect_dma source(%dma_start3A_27 : memref<10016x32xf32, #tpu.memory_space<vmem_shared>>) target(%arg10 : memref<128x32xf32, #tpu.memory_space<vmem>>) offsets(%dma_start3A_24 : memref<128xi32, #tpu.memory_space<vmem>>) semaphore(%arg18 : memref<!tpu.dma_semaphore, #tpu.memory_space<semaphore_mem>>)
    %dma_start3A_28 = arith.constant 1 : i32
    %dma_start3A_29 = arith.constant 0 : i32
    %dma_start3A_30 = tpu.memref_slice %arg7[%dma_start3A_28, %dma_start3A_29] : memref<80x128xi32, #tpu.memory_space<vmem>> -> memref<1x128xi32, #tpu.memory_space<vmem>>
    %dma_start3A_31 = tpu.memref_squeeze %dma_start3A_30 : memref<1x128xi32, #tpu.memory_space<vmem>> -> memref<128xi32, #tpu.memory_space<vmem>>
    %dma_start3A_32 = arith.constant 0 : i32
    %dma_start3A_33 = arith.constant 0 : i32
    %dma_start3A_34 = tpu.memref_slice %arg15[%dma_start3A_32, %dma_start3A_33] : memref<10016x32xf32, #tpu.memory_space<vmem_shared>> -> memref<10016x32xf32, #tpu.memory_space<vmem_shared>>
    tpu.enqueue_indirect_dma source(%dma_start3A_34 : memref<10016x32xf32, #tpu.memory_space<vmem_shared>>) target(%arg11 : memref<128x32xf32, #tpu.memory_space<vmem>>) offsets(%dma_start3A_31 : memref<128xi32, #tpu.memory_space<vmem>>) semaphore(%arg19 : memref<!tpu.dma_semaphore, #tpu.memory_space<semaphore_mem>>)
    %dma_start3A_35 = arith.constant 1 : i32
    %dma_start3A_36 = arith.constant 0 : i32
    %dma_start3A_37 = tpu.memref_slice %arg8[%dma_start3A_35, %dma_start3A_36] : memref<80x128xi32, #tpu.memory_space<vmem>> -> memref<1x128xi32, #tpu.memory_space<vmem>>
    %dma_start3A_38 = tpu.memref_squeeze %dma_start3A_37 : memref<1x128xi32, #tpu.memory_space<vmem>> -> memref<128xi32, #tpu.memory_space<vmem>>
    %dma_start3A_39 = arith.constant 0 : i32
    %dma_start3A_40 = arith.constant 0 : i32
    %dma_start3A_41 = tpu.memref_slice %arg16[%dma_start3A_39, %dma_start3A_40] : memref<10016x32xf32, #tpu.memory_space<vmem_shared>> -> memref<10016x32xf32, #tpu.memory_space<vmem_shared>>
    tpu.enqueue_indirect_dma source(%dma_start3A_41 : memref<10016x32xf32, #tpu.memory_space<vmem_shared>>) target(%arg12 : memref<128x32xf32, #tpu.memory_space<vmem>>) offsets(%dma_start3A_38 : memref<128xi32, #tpu.memory_space<vmem>>) semaphore(%arg20 : memref<!tpu.dma_semaphore, #tpu.memory_space<semaphore_mem>>)
    %scan3A = arith.constant 0 : i32
    %scan3A_42 = arith.constant 0 : i32
    %scan3A_43 = arith.constant 40 : i32
    %scan3A_44 = arith.addi %scan3A_42, %scan3A_43 : i32
    %scan3A_45 = arith.constant 1 : i32
    scf.for %scan3A_62 = %scan3A_42 to %scan3A_44 step %scan3A_45  : i32 {
      %mul3A_63 = arith.constant 2 : i32
      %mul3A_64 = arith.muli %scan3A_62, %mul3A_63 : i32
      %add3A_65 = arith.constant 0 : i32
      %add3A_66 = arith.addi %mul3A_64, %add3A_65 : i32
      %dma_wait3A_67 = arith.constant 0 : i32
      %dma_wait3A_68 = tpu.memref_slice %arg7[%add3A_66, %dma_wait3A_67] : memref<80x128xi32, #tpu.memory_space<vmem>> -> memref<1x128xi32, #tpu.memory_space<vmem>>
      %dma_wait3A_69 = tpu.memref_squeeze %dma_wait3A_68 : memref<1x128xi32, #tpu.memory_space<vmem>> -> memref<128xi32, #tpu.memory_space<vmem>>
      %dma_wait3A_70 = arith.constant 0 : i32
      %dma_wait3A_71 = arith.constant 0 : i32
      %dma_wait3A_72 = tpu.memref_slice %arg15[%dma_wait3A_70, %dma_wait3A_71] : memref<10016x32xf32, #tpu.memory_space<vmem_shared>> -> memref<10016x32xf32, #tpu.memory_space<vmem_shared>>
      tpu.wait_indirect_dma semaphore(%arg17 : memref<!tpu.dma_semaphore, #tpu.memory_space<semaphore_mem>>) src(%dma_wait3A_72 : memref<10016x32xf32, #tpu.memory_space<vmem_shared>>) dst(%arg9 : memref<128x32xf32, #tpu.memory_space<vmem>>)
      %dma_wait3A_73 = arith.constant 0 : i32
      %dma_wait3A_74 = tpu.memref_slice %arg8[%add3A_66, %dma_wait3A_73] : memref<80x128xi32, #tpu.memory_space<vmem>> -> memref<1x128xi32, #tpu.memory_space<vmem>>
      %dma_wait3A_75 = tpu.memref_squeeze %dma_wait3A_74 : memref<1x128xi32, #tpu.memory_space<vmem>> -> memref<128xi32, #tpu.memory_space<vmem>>
      %dma_wait3A_76 = arith.constant 0 : i32
      %dma_wait3A_77 = arith.constant 0 : i32
      %dma_wait3A_78 = tpu.memref_slice %arg16[%dma_wait3A_76, %dma_wait3A_77] : memref<10016x32xf32, #tpu.memory_space<vmem_shared>> -> memref<10016x32xf32, #tpu.memory_space<vmem_shared>>
      tpu.wait_indirect_dma semaphore(%arg18 : memref<!tpu.dma_semaphore, #tpu.memory_space<semaphore_mem>>) src(%dma_wait3A_78 : memref<10016x32xf32, #tpu.memory_space<vmem_shared>>) dst(%arg10 : memref<128x32xf32, #tpu.memory_space<vmem>>)
      %gt3A = arith.constant 0 : i32
      %gt3A_79 = arith.cmpi sgt, %scan3A_62, %gt3A : i32
      %convert_element_type3A = arith.extui %gt3A_79 : i1 to i32
      %cond3A = arith.constant 0 : i32
      %cond3A_80 = arith.cmpi ne, %convert_element_type3A, %cond3A : i32
      scf.if %cond3A_80 {
        %add3A_130 = arith.addi %mul3A_2, %add3A_66 : i32
        %sub3A = arith.constant 2 : i32
        %sub3A_131 = arith.subi %add3A_130, %sub3A : i32
        %mul3A_132 = arith.constant 32 : i32
        %mul3A_133 = arith.muli %sub3A_131, %mul3A_132 : i32
        %dma_wait3A_134 = arith.constant 0 : i32
        %dma_wait3A_135 = tpu.memref_slice %arg6[%mul3A_133, %dma_wait3A_134] : memref<81920x128xf32, #tpu.memory_space<hbm>> -> memref<32x128xf32, #tpu.memory_space<hbm>>
        %dma_wait3A_136 = arith.constant 0 : i32
        %dma_wait3A_137 = tpu.memref_slice %arg6[%mul3A_133, %dma_wait3A_136] : memref<81920x128xf32, #tpu.memory_space<hbm>> -> memref<32x128xf32, #tpu.memory_space<hbm>>
        tpu.wait_dma2 semaphore(%arg21 : memref<!tpu.dma_semaphore, #tpu.memory_space<semaphore_mem>>) src(%arg13 : memref<32x128xf32, #tpu.memory_space<vmem>>) dst(%dma_wait3A_137 : memref<32x128xf32, #tpu.memory_space<hbm>>)
      } else {
      }
      %parallel_loop3A = arith.constant 0 : i32
      %parallel_loop3A_81 = arith.constant 32 : i32
      %parallel_loop3A_82 = arith.constant 1 : i32
      scf.for %parallel_loop3A_130 = %parallel_loop3A to %parallel_loop3A_81 step %parallel_loop3A_82  : i32 {
        %parallel_loop3A_131 = arith.constant 4 : i32
        %parallel_loop3A_132 = arith.muli %parallel_loop3A_130, %parallel_loop3A_131 : i32
        %parallel_loop3A_133 = arith.constant 0 : i32
        %parallel_loop3A_134 = arith.addi %parallel_loop3A_132, %parallel_loop3A_133 : i32
        %parallel_loop3A_135 = arith.index_cast %parallel_loop3A_134 : i32 to index
        %parallel_loop3A_136 = arith.constant 0 : index
        %parallel_loop3A_137 = tpu.vector_load %arg9[%parallel_loop3A_135, %parallel_loop3A_136] {strides = array<i32>} : memref<128x32xf32, #tpu.memory_space<vmem>>, vector<1x16xf32>,
        %parallel_loop3A_138 = vector.shape_cast %parallel_loop3A_137 : vector<1x16xf32> to vector<16xf32>
        %parallel_loop3A_139 = arith.index_cast %parallel_loop3A_134 : i32 to index
        %parallel_loop3A_140 = arith.constant 0 : index
        %parallel_loop3A_141 = tpu.vector_load %arg10[%parallel_loop3A_139, %parallel_loop3A_140] {strides = array<i32>} : memref<128x32xf32, #tpu.memory_space<vmem>>, vector<1x16xf32>,
        %parallel_loop3A_142 = vector.shape_cast %parallel_loop3A_141 : vector<1x16xf32> to vector<16xf32>
        %parallel_loop3A_143 = arith.addf %parallel_loop3A_138, %parallel_loop3A_142 : vector<16xf32>
        %parallel_loop3A_144 = arith.index_cast %parallel_loop3A_130 : i32 to index
        %parallel_loop3A_145 = arith.constant 0 : index
        %parallel_loop3A_146 = tpu.vector_load %arg13[%parallel_loop3A_144, %parallel_loop3A_145] {strides = array<i32>} : memref<32x128xf32, #tpu.memory_space<vmem>>, vector<1x16xf32>,
        %parallel_loop3A_147 = vector.shape_cast %parallel_loop3A_146 : vector<1x16xf32> to vector<16xf32>
        %parallel_loop3A_148 = vector.shape_cast %parallel_loop3A_143 : vector<16xf32> to vector<1x16xf32>
        tpu.vector_store %arg13[%parallel_loop3A_144, %parallel_loop3A_145], %parallel_loop3A_148 {strides = array<i32>} : memref<32x128xf32, #tpu.memory_space<vmem>>, vector<1x16xf32>,
        %parallel_loop3A_149 = arith.constant 4 : i32
        %parallel_loop3A_150 = arith.muli %parallel_loop3A_130, %parallel_loop3A_149 : i32
        %parallel_loop3A_151 = arith.constant 0 : i32
        %parallel_loop3A_152 = arith.addi %parallel_loop3A_150, %parallel_loop3A_151 : i32
        %parallel_loop3A_153 = arith.index_cast %parallel_loop3A_152 : i32 to index
        %parallel_loop3A_154 = arith.constant 16 : index
        %parallel_loop3A_155 = tpu.vector_load %arg9[%parallel_loop3A_153, %parallel_loop3A_154] {strides = array<i32>} : memref<128x32xf32, #tpu.memory_space<vmem>>, vector<1x16xf32>,
        %parallel_loop3A_156 = vector.shape_cast %parallel_loop3A_155 : vector<1x16xf32> to vector<16xf32>
        %parallel_loop3A_157 = arith.index_cast %parallel_loop3A_152 : i32 to index
        %parallel_loop3A_158 = arith.constant 16 : index
        %parallel_loop3A_159 = tpu.vector_load %arg10[%parallel_loop3A_157, %parallel_loop3A_158] {strides = array<i32>} : memref<128x32xf32, #tpu.memory_space<vmem>>, vector<1x16xf32>,
        %parallel_loop3A_160 = vector.shape_cast %parallel_loop3A_159 : vector<1x16xf32> to vector<16xf32>
        %parallel_loop3A_161 = arith.addf %parallel_loop3A_156, %parallel_loop3A_160 : vector<16xf32>
        %parallel_loop3A_162 = arith.index_cast %parallel_loop3A_130 : i32 to index
        %parallel_loop3A_163 = arith.constant 16 : index
        %parallel_loop3A_164 = tpu.vector_load %arg13[%parallel_loop3A_162, %parallel_loop3A_163] {strides = array<i32>} : memref<32x128xf32, #tpu.memory_space<vmem>>, vector<1x16xf32>,
        %parallel_loop3A_165 = vector.shape_cast %parallel_loop3A_164 : vector<1x16xf32> to vector<16xf32>
        %parallel_loop3A_166 = vector.shape_cast %parallel_loop3A_161 : vector<16xf32> to vector<1x16xf32>
        tpu.vector_store %arg13[%parallel_loop3A_162, %parallel_loop3A_163], %parallel_loop3A_166 {strides = array<i32>} : memref<32x128xf32, #tpu.memory_space<vmem>>, vector<1x16xf32>,
        %parallel_loop3A_167 = arith.constant 4 : i32
        %parallel_loop3A_168 = arith.muli %parallel_loop3A_130, %parallel_loop3A_167 : i32
        %parallel_loop3A_169 = arith.constant 1 : i32
        %parallel_loop3A_170 = arith.addi %parallel_loop3A_168, %parallel_loop3A_169 : i32
        %parallel_loop3A_171 = arith.index_cast %parallel_loop3A_170 : i32 to index
        %parallel_loop3A_172 = arith.constant 0 : index
        %parallel_loop3A_173 = tpu.vector_load %arg9[%parallel_loop3A_171, %parallel_loop3A_172] {strides = array<i32>} : memref<128x32xf32, #tpu.memory_space<vmem>>, vector<1x16xf32>,
        %parallel_loop3A_174 = vector.shape_cast %parallel_loop3A_173 : vector<1x16xf32> to vector<16xf32>
        %parallel_loop3A_175 = arith.index_cast %parallel_loop3A_170 : i32 to index
        %parallel_loop3A_176 = arith.constant 0 : index
        %parallel_loop3A_177 = tpu.vector_load %arg10[%parallel_loop3A_175, %parallel_loop3A_176] {strides = array<i32>} : memref<128x32xf32, #tpu.memory_space<vmem>>, vector<1x16xf32>,
        %parallel_loop3A_178 = vector.shape_cast %parallel_loop3A_177 : vector<1x16xf32> to vector<16xf32>
        %parallel_loop3A_179 = arith.addf %parallel_loop3A_174, %parallel_loop3A_178 : vector<16xf32>
        %parallel_loop3A_180 = arith.index_cast %parallel_loop3A_130 : i32 to index
        %parallel_loop3A_181 = arith.constant 32 : index
        %parallel_loop3A_182 = tpu.vector_load %arg13[%parallel_loop3A_180, %parallel_loop3A_181] {strides = array<i32>} : memref<32x128xf32, #tpu.memory_space<vmem>>, vector<1x16xf32>,
        %parallel_loop3A_183 = vector.shape_cast %parallel_loop3A_182 : vector<1x16xf32> to vector<16xf32>
        %parallel_loop3A_184 = vector.shape_cast %parallel_loop3A_179 : vector<16xf32> to vector<1x16xf32>
        tpu.vector_store %arg13[%parallel_loop3A_180, %parallel_loop3A_181], %parallel_loop3A_184 {strides = array<i32>} : memref<32x128xf32, #tpu.memory_space<vmem>>, vector<1x16xf32>,
        %parallel_loop3A_185 = arith.constant 4 : i32
        %parallel_loop3A_186 = arith.muli %parallel_loop3A_130, %parallel_loop3A_185 : i32
        %parallel_loop3A_187 = arith.constant 1 : i32
        %parallel_loop3A_188 = arith.addi %parallel_loop3A_186, %parallel_loop3A_187 : i32
        %parallel_loop3A_189 = arith.index_cast %parallel_loop3A_188 : i32 to index
        %parallel_loop3A_190 = arith.constant 16 : index
        %parallel_loop3A_191 = tpu.vector_load %arg9[%parallel_loop3A_189, %parallel_loop3A_190] {strides = array<i32>} : memref<128x32xf32, #tpu.memory_space<vmem>>, vector<1x16xf32>,
        %parallel_loop3A_192 = vector.shape_cast %parallel_loop3A_191 : vector<1x16xf32> to vector<16xf32>
        %parallel_loop3A_193 = arith.index_cast %parallel_loop3A_188 : i32 to index
        %parallel_loop3A_194 = arith.constant 16 : index
        %parallel_loop3A_195 = tpu.vector_load %arg10[%parallel_loop3A_193, %parallel_loop3A_194] {strides = array<i32>} : memref<128x32xf32, #tpu.memory_space<vmem>>, vector<1x16xf32>,
        %parallel_loop3A_196 = vector.shape_cast %parallel_loop3A_195 : vector<1x16xf32> to vector<16xf32>
        %parallel_loop3A_197 = arith.addf %parallel_loop3A_192, %parallel_loop3A_196 : vector<16xf32>
        %parallel_loop3A_198 = arith.index_cast %parallel_loop3A_130 : i32 to index
        %parallel_loop3A_199 = arith.constant 48 : index
        %parallel_loop3A_200 = tpu.vector_load %arg13[%parallel_loop3A_198, %parallel_loop3A_199] {strides = array<i32>} : memref<32x128xf32, #tpu.memory_space<vmem>>, vector<1x16xf32>,
        %parallel_loop3A_201 = vector.shape_cast %parallel_loop3A_200 : vector<1x16xf32> to vector<16xf32>
        %parallel_loop3A_202 = vector.shape_cast %parallel_loop3A_197 : vector<16xf32> to vector<1x16xf32>
        tpu.vector_store %arg13[%parallel_loop3A_198, %parallel_loop3A_199], %parallel_loop3A_202 {strides = array<i32>} : memref<32x128xf32, #tpu.memory_space<vmem>>, vector<1x16xf32>,
        %parallel_loop3A_203 = arith.constant 4 : i32
        %parallel_loop3A_204 = arith.muli %parallel_loop3A_130, %parallel_loop3A_203 : i32
        %parallel_loop3A_205 = arith.constant 2 : i32
        %parallel_loop3A_206 = arith.addi %parallel_loop3A_204, %parallel_loop3A_205 : i32
        %parallel_loop3A_207 = arith.index_cast %parallel_loop3A_206 : i32 to index
        %parallel_loop3A_208 = arith.constant 0 : index
        %parallel_loop3A_209 = tpu.vector_load %arg9[%parallel_loop3A_207, %parallel_loop3A_208] {strides = array<i32>} : memref<128x32xf32, #tpu.memory_space<vmem>>, vector<1x16xf32>,
        %parallel_loop3A_210 = vector.shape_cast %parallel_loop3A_209 : vector<1x16xf32> to vector<16xf32>
        %parallel_loop3A_211 = arith.index_cast %parallel_loop3A_206 : i32 to index
        %parallel_loop3A_212 = arith.constant 0 : index
        %parallel_loop3A_213 = tpu.vector_load %arg10[%parallel_loop3A_211, %parallel_loop3A_212] {strides = array<i32>} : memref<128x32xf32, #tpu.memory_space<vmem>>, vector<1x16xf32>,
        %parallel_loop3A_214 = vector.shape_cast %parallel_loop3A_213 : vector<1x16xf32> to vector<16xf32>
        %parallel_loop3A_215 = arith.addf %parallel_loop3A_210, %parallel_loop3A_214 : vector<16xf32>
        %parallel_loop3A_216 = arith.index_cast %parallel_loop3A_130 : i32 to index
        %parallel_loop3A_217 = arith.constant 64 : index
        %parallel_loop3A_218 = tpu.vector_load %arg13[%parallel_loop3A_216, %parallel_loop3A_217] {strides = array<i32>} : memref<32x128xf32, #tpu.memory_space<vmem>>, vector<1x16xf32>,
        %parallel_loop3A_219 = vector.shape_cast %parallel_loop3A_218 : vector<1x16xf32> to vector<16xf32>
        %parallel_loop3A_220 = vector.shape_cast %parallel_loop3A_215 : vector<16xf32> to vector<1x16xf32>
        tpu.vector_store %arg13[%parallel_loop3A_216, %parallel_loop3A_217], %parallel_loop3A_220 {strides = array<i32>} : memref<32x128xf32, #tpu.memory_space<vmem>>, vector<1x16xf32>,
        %parallel_loop3A_221 = arith.constant 4 : i32
        %parallel_loop3A_222 = arith.muli %parallel_loop3A_130, %parallel_loop3A_221 : i32
        %parallel_loop3A_223 = arith.constant 2 : i32
        %parallel_loop3A_224 = arith.addi %parallel_loop3A_222, %parallel_loop3A_223 : i32
        %parallel_loop3A_225 = arith.index_cast %parallel_loop3A_224 : i32 to index
        %parallel_loop3A_226 = arith.constant 16 : index
        %parallel_loop3A_227 = tpu.vector_load %arg9[%parallel_loop3A_225, %parallel_loop3A_226] {strides = array<i32>} : memref<128x32xf32, #tpu.memory_space<vmem>>, vector<1x16xf32>,
        %parallel_loop3A_228 = vector.shape_cast %parallel_loop3A_227 : vector<1x16xf32> to vector<16xf32>
        %parallel_loop3A_229 = arith.index_cast %parallel_loop3A_224 : i32 to index
        %parallel_loop3A_230 = arith.constant 16 : index
        %parallel_loop3A_231 = tpu.vector_load %arg10[%parallel_loop3A_229, %parallel_loop3A_230] {strides = array<i32>} : memref<128x32xf32, #tpu.memory_space<vmem>>, vector<1x16xf32>,
        %parallel_loop3A_232 = vector.shape_cast %parallel_loop3A_231 : vector<1x16xf32> to vector<16xf32>
        %parallel_loop3A_233 = arith.addf %parallel_loop3A_228, %parallel_loop3A_232 : vector<16xf32>
        %parallel_loop3A_234 = arith.index_cast %parallel_loop3A_130 : i32 to index
        %parallel_loop3A_235 = arith.constant 80 : index
        %parallel_loop3A_236 = tpu.vector_load %arg13[%parallel_loop3A_234, %parallel_loop3A_235] {strides = array<i32>} : memref<32x128xf32, #tpu.memory_space<vmem>>, vector<1x16xf32>,
        %parallel_loop3A_237 = vector.shape_cast %parallel_loop3A_236 : vector<1x16xf32> to vector<16xf32>
        %parallel_loop3A_238 = vector.shape_cast %parallel_loop3A_233 : vector<16xf32> to vector<1x16xf32>
        tpu.vector_store %arg13[%parallel_loop3A_234, %parallel_loop3A_235], %parallel_loop3A_238 {strides = array<i32>} : memref<32x128xf32, #tpu.memory_space<vmem>>, vector<1x16xf32>,
        %parallel_loop3A_239 = arith.constant 4 : i32
        %parallel_loop3A_240 = arith.muli %parallel_loop3A_130, %parallel_loop3A_239 : i32
        %parallel_loop3A_241 = arith.constant 3 : i32
        %parallel_loop3A_242 = arith.addi %parallel_loop3A_240, %parallel_loop3A_241 : i32
        %parallel_loop3A_243 = arith.index_cast %parallel_loop3A_242 : i32 to index
        %parallel_loop3A_244 = arith.constant 0 : index
        %parallel_loop3A_245 = tpu.vector_load %arg9[%parallel_loop3A_243, %parallel_loop3A_244] {strides = array<i32>} : memref<128x32xf32, #tpu.memory_space<vmem>>, vector<1x16xf32>,
        %parallel_loop3A_246 = vector.shape_cast %parallel_loop3A_245 : vector<1x16xf32> to vector<16xf32>
        %parallel_loop3A_247 = arith.index_cast %parallel_loop3A_242 : i32 to index
        %parallel_loop3A_248 = arith.constant 0 : index
        %parallel_loop3A_249 = tpu.vector_load %arg10[%parallel_loop3A_247, %parallel_loop3A_248] {strides = array<i32>} : memref<128x32xf32, #tpu.memory_space<vmem>>, vector<1x16xf32>,
        %parallel_loop3A_250 = vector.shape_cast %parallel_loop3A_249 : vector<1x16xf32> to vector<16xf32>
        %parallel_loop3A_251 = arith.addf %parallel_loop3A_246, %parallel_loop3A_250 : vector<16xf32>
        %parallel_loop3A_252 = arith.index_cast %parallel_loop3A_130 : i32 to index
        %parallel_loop3A_253 = arith.constant 96 : index
        %parallel_loop3A_254 = tpu.vector_load %arg13[%parallel_loop3A_252, %parallel_loop3A_253] {strides = array<i32>} : memref<32x128xf32, #tpu.memory_space<vmem>>, vector<1x16xf32>,
        %parallel_loop3A_255 = vector.shape_cast %parallel_loop3A_254 : vector<1x16xf32> to vector<16xf32>
        %parallel_loop3A_256 = vector.shape_cast %parallel_loop3A_251 : vector<16xf32> to vector<1x16xf32>
        tpu.vector_store %arg13[%parallel_loop3A_252, %parallel_loop3A_253], %parallel_loop3A_256 {strides = array<i32>} : memref<32x128xf32, #tpu.memory_space<vmem>>, vector<1x16xf32>,
        %parallel_loop3A_257 = arith.constant 4 : i32
        %parallel_loop3A_258 = arith.muli %parallel_loop3A_130, %parallel_loop3A_257 : i32
        %parallel_loop3A_259 = arith.constant 3 : i32
        %parallel_loop3A_260 = arith.addi %parallel_loop3A_258, %parallel_loop3A_259 : i32
        %parallel_loop3A_261 = arith.index_cast %parallel_loop3A_260 : i32 to index
        %parallel_loop3A_262 = arith.constant 16 : index
        %parallel_loop3A_263 = tpu.vector_load %arg9[%parallel_loop3A_261, %parallel_loop3A_262] {strides = array<i32>} : memref<128x32xf32, #tpu.memory_space<vmem>>, vector<1x16xf32>,
        %parallel_loop3A_264 = vector.shape_cast %parallel_loop3A_263 : vector<1x16xf32> to vector<16xf32>
        %parallel_loop3A_265 = arith.index_cast %parallel_loop3A_260 : i32 to index
        %parallel_loop3A_266 = arith.constant 16 : index
        %parallel_loop3A_267 = tpu.vector_load %arg10[%parallel_loop3A_265, %parallel_loop3A_266] {strides = array<i32>} : memref<128x32xf32, #tpu.memory_space<vmem>>, vector<1x16xf32>,
        %parallel_loop3A_268 = vector.shape_cast %parallel_loop3A_267 : vector<1x16xf32> to vector<16xf32>
        %parallel_loop3A_269 = arith.addf %parallel_loop3A_264, %parallel_loop3A_268 : vector<16xf32>
        %parallel_loop3A_270 = arith.index_cast %parallel_loop3A_130 : i32 to index
        %parallel_loop3A_271 = arith.constant 112 : index
        %parallel_loop3A_272 = tpu.vector_load %arg13[%parallel_loop3A_270, %parallel_loop3A_271] {strides = array<i32>} : memref<32x128xf32, #tpu.memory_space<vmem>>, vector<1x16xf32>,
        %parallel_loop3A_273 = vector.shape_cast %parallel_loop3A_272 : vector<1x16xf32> to vector<16xf32>
        %parallel_loop3A_274 = vector.shape_cast %parallel_loop3A_269 : vector<16xf32> to vector<1x16xf32>
        tpu.vector_store %arg13[%parallel_loop3A_270, %parallel_loop3A_271], %parallel_loop3A_274 {strides = array<i32>} : memref<32x128xf32, #tpu.memory_space<vmem>>, vector<1x16xf32>,
      } {sc.loop_unroll_factor = 8 : i64, sc.parallel_access}
      %add3A_83 = arith.addi %mul3A_2, %add3A_66 : i32
      %mul3A_84 = arith.constant 32 : i32
      %mul3A_85 = arith.muli %add3A_83, %mul3A_84 : i32
      %dma_start3A_86 = arith.constant 0 : i32
      %dma_start3A_87 = tpu.memref_slice %arg6[%mul3A_85, %dma_start3A_86] : memref<81920x128xf32, #tpu.memory_space<hbm>> -> memref<32x128xf32, #tpu.memory_space<hbm>>
      %dma_start3A_88 = arith.constant 0 : i32
      %dma_start3A_89 = tpu.memref_slice %arg6[%mul3A_85, %dma_start3A_88] : memref<81920x128xf32, #tpu.memory_space<hbm>> -> memref<32x128xf32, #tpu.memory_space<hbm>>
      tpu.enqueue_dma source(%arg13 : memref<32x128xf32, #tpu.memory_space<vmem>>) target(%dma_start3A_89 : memref<32x128xf32, #tpu.memory_space<hbm>>) target_semaphore(%arg21 : memref<!tpu.dma_semaphore, #tpu.memory_space<semaphore_mem>>)
      %lt3A = arith.constant 39 : i32
      %lt3A_90 = arith.cmpi slt, %scan3A_62, %lt3A : i32
      %convert_element_type3A_91 = arith.extui %lt3A_90 : i1 to i32
      %cond3A_92 = arith.constant 0 : i32
      %cond3A_93 = arith.cmpi ne, %convert_element_type3A_91, %cond3A_92 : i32
      scf.if %cond3A_93 {
        %add3A_130 = arith.constant 2 : i32
        %add3A_131 = arith.addi %add3A_66, %add3A_130 : i32
        %dma_start3A_132 = arith.constant 0 : i32
        %dma_start3A_133 = tpu.memref_slice %arg7[%add3A_131, %dma_start3A_132] : memref<80x128xi32, #tpu.memory_space<vmem>> -> memref<1x128xi32, #tpu.memory_space<vmem>>
        %dma_start3A_134 = tpu.memref_squeeze %dma_start3A_133 : memref<1x128xi32, #tpu.memory_space<vmem>> -> memref<128xi32, #tpu.memory_space<vmem>>
        %dma_start3A_135 = arith.constant 0 : i32
        %dma_start3A_136 = arith.constant 0 : i32
        %dma_start3A_137 = tpu.memref_slice %arg15[%dma_start3A_135, %dma_start3A_136] : memref<10016x32xf32, #tpu.memory_space<vmem_shared>> -> memref<10016x32xf32, #tpu.memory_space<vmem_shared>>
        tpu.enqueue_indirect_dma source(%dma_start3A_137 : memref<10016x32xf32, #tpu.memory_space<vmem_shared>>) target(%arg9 : memref<128x32xf32, #tpu.memory_space<vmem>>) offsets(%dma_start3A_134 : memref<128xi32, #tpu.memory_space<vmem>>) semaphore(%arg17 : memref<!tpu.dma_semaphore, #tpu.memory_space<semaphore_mem>>)
        %dma_start3A_138 = arith.constant 0 : i32
        %dma_start3A_139 = tpu.memref_slice %arg8[%add3A_131, %dma_start3A_138] : memref<80x128xi32, #tpu.memory_space<vmem>> -> memref<1x128xi32, #tpu.memory_space<vmem>>
        %dma_start3A_140 = tpu.memref_squeeze %dma_start3A_139 : memref<1x128xi32, #tpu.memory_space<vmem>> -> memref<128xi32, #tpu.memory_space<vmem>>
        %dma_start3A_141 = arith.constant 0 : i32
        %dma_start3A_142 = arith.constant 0 : i32
        %dma_start3A_143 = tpu.memref_slice %arg16[%dma_start3A_141, %dma_start3A_142] : memref<10016x32xf32, #tpu.memory_space<vmem_shared>> -> memref<10016x32xf32, #tpu.memory_space<vmem_shared>>
        tpu.enqueue_indirect_dma source(%dma_start3A_143 : memref<10016x32xf32, #tpu.memory_space<vmem_shared>>) target(%arg10 : memref<128x32xf32, #tpu.memory_space<vmem>>) offsets(%dma_start3A_140 : memref<128xi32, #tpu.memory_space<vmem>>) semaphore(%arg18 : memref<!tpu.dma_semaphore, #tpu.memory_space<semaphore_mem>>)
      } else {
      }
      %mul3A_94 = arith.constant 2 : i32
      %mul3A_95 = arith.muli %scan3A_62, %mul3A_94 : i32
      %add3A_96 = arith.constant 1 : i32
      %add3A_97 = arith.addi %mul3A_95, %add3A_96 : i32
      %dma_wait3A_98 = arith.constant 0 : i32
      %dma_wait3A_99 = tpu.memref_slice %arg7[%add3A_97, %dma_wait3A_98] : memref<80x128xi32, #tpu.memory_space<vmem>> -> memref<1x128xi32, #tpu.memory_space<vmem>>
      %dma_wait3A_100 = tpu.memref_squeeze %dma_wait3A_99 : memref<1x128xi32, #tpu.memory_space<vmem>> -> memref<128xi32, #tpu.memory_space<vmem>>
      %dma_wait3A_101 = arith.constant 0 : i32
      %dma_wait3A_102 = arith.constant 0 : i32
      %dma_wait3A_103 = tpu.memref_slice %arg15[%dma_wait3A_101, %dma_wait3A_102] : memref<10016x32xf32, #tpu.memory_space<vmem_shared>> -> memref<10016x32xf32, #tpu.memory_space<vmem_shared>>
      tpu.wait_indirect_dma semaphore(%arg19 : memref<!tpu.dma_semaphore, #tpu.memory_space<semaphore_mem>>) src(%dma_wait3A_103 : memref<10016x32xf32, #tpu.memory_space<vmem_shared>>) dst(%arg11 : memref<128x32xf32, #tpu.memory_space<vmem>>)
      %dma_wait3A_104 = arith.constant 0 : i32
      %dma_wait3A_105 = tpu.memref_slice %arg8[%add3A_97, %dma_wait3A_104] : memref<80x128xi32, #tpu.memory_space<vmem>> -> memref<1x128xi32, #tpu.memory_space<vmem>>
      %dma_wait3A_106 = tpu.memref_squeeze %dma_wait3A_105 : memref<1x128xi32, #tpu.memory_space<vmem>> -> memref<128xi32, #tpu.memory_space<vmem>>
      %dma_wait3A_107 = arith.constant 0 : i32
      %dma_wait3A_108 = arith.constant 0 : i32
      %dma_wait3A_109 = tpu.memref_slice %arg16[%dma_wait3A_107, %dma_wait3A_108] : memref<10016x32xf32, #tpu.memory_space<vmem_shared>> -> memref<10016x32xf32, #tpu.memory_space<vmem_shared>>
      tpu.wait_indirect_dma semaphore(%arg20 : memref<!tpu.dma_semaphore, #tpu.memory_space<semaphore_mem>>) src(%dma_wait3A_109 : memref<10016x32xf32, #tpu.memory_space<vmem_shared>>) dst(%arg12 : memref<128x32xf32, #tpu.memory_space<vmem>>)
      %gt3A_110 = arith.constant 0 : i32
      %gt3A_111 = arith.cmpi sgt, %scan3A_62, %gt3A_110 : i32
      %convert_element_type3A_112 = arith.extui %gt3A_111 : i1 to i32
      %cond3A_113 = arith.constant 0 : i32
      %cond3A_114 = arith.cmpi ne, %convert_element_type3A_112, %cond3A_113 : i32
      scf.if %cond3A_114 {
        %add3A_130 = arith.addi %mul3A_2, %add3A_97 : i32
        %sub3A = arith.constant 2 : i32
        %sub3A_131 = arith.subi %add3A_130, %sub3A : i32
        %mul3A_132 = arith.constant 32 : i32
        %mul3A_133 = arith.muli %sub3A_131, %mul3A_132 : i32
        %dma_wait3A_134 = arith.constant 0 : i32
        %dma_wait3A_135 = tpu.memref_slice %arg6[%mul3A_133, %dma_wait3A_134] : memref<81920x128xf32, #tpu.memory_space<hbm>> -> memref<32x128xf32, #tpu.memory_space<hbm>>
        %dma_wait3A_136 = arith.constant 0 : i32
        %dma_wait3A_137 = tpu.memref_slice %arg6[%mul3A_133, %dma_wait3A_136] : memref<81920x128xf32, #tpu.memory_space<hbm>> -> memref<32x128xf32, #tpu.memory_space<hbm>>
        tpu.wait_dma2 semaphore(%arg22 : memref<!tpu.dma_semaphore, #tpu.memory_space<semaphore_mem>>) src(%arg14 : memref<32x128xf32, #tpu.memory_space<vmem>>) dst(%dma_wait3A_137 : memref<32x128xf32, #tpu.memory_space<hbm>>)
      } else {
      }
      %parallel_loop3A_115 = arith.constant 0 : i32
      %parallel_loop3A_116 = arith.constant 32 : i32
      %parallel_loop3A_117 = arith.constant 1 : i32
      scf.for %parallel_loop3A_130 = %parallel_loop3A_115 to %parallel_loop3A_116 step %parallel_loop3A_117  : i32 {
        %parallel_loop3A_131 = arith.constant 4 : i32
        %parallel_loop3A_132 = arith.muli %parallel_loop3A_130, %parallel_loop3A_131 : i32
        %parallel_loop3A_133 = arith.constant 0 : i32
        %parallel_loop3A_134 = arith.addi %parallel_loop3A_132, %parallel_loop3A_133 : i32
        %parallel_loop3A_135 = arith.index_cast %parallel_loop3A_134 : i32 to index
        %parallel_loop3A_136 = arith.constant 0 : index
        %parallel_loop3A_137 = tpu.vector_load %arg11[%parallel_loop3A_135, %parallel_loop3A_136] {strides = array<i32>} : memref<128x32xf32, #tpu.memory_space<vmem>>, vector<1x16xf32>,
        %parallel_loop3A_138 = vector.shape_cast %parallel_loop3A_137 : vector<1x16xf32> to vector<16xf32>
        %parallel_loop3A_139 = arith.index_cast %parallel_loop3A_134 : i32 to index
        %parallel_loop3A_140 = arith.constant 0 : index
        %parallel_loop3A_141 = tpu.vector_load %arg12[%parallel_loop3A_139, %parallel_loop3A_140] {strides = array<i32>} : memref<128x32xf32, #tpu.memory_space<vmem>>, vector<1x16xf32>,
        %parallel_loop3A_142 = vector.shape_cast %parallel_loop3A_141 : vector<1x16xf32> to vector<16xf32>
        %parallel_loop3A_143 = arith.addf %parallel_loop3A_138, %parallel_loop3A_142 : vector<16xf32>
        %parallel_loop3A_144 = arith.index_cast %parallel_loop3A_130 : i32 to index
        %parallel_loop3A_145 = arith.constant 0 : index
        %parallel_loop3A_146 = tpu.vector_load %arg14[%parallel_loop3A_144, %parallel_loop3A_145] {strides = array<i32>} : memref<32x128xf32, #tpu.memory_space<vmem>>, vector<1x16xf32>,
        %parallel_loop3A_147 = vector.shape_cast %parallel_loop3A_146 : vector<1x16xf32> to vector<16xf32>
        %parallel_loop3A_148 = vector.shape_cast %parallel_loop3A_143 : vector<16xf32> to vector<1x16xf32>
        tpu.vector_store %arg14[%parallel_loop3A_144, %parallel_loop3A_145], %parallel_loop3A_148 {strides = array<i32>} : memref<32x128xf32, #tpu.memory_space<vmem>>, vector<1x16xf32>,
        %parallel_loop3A_149 = arith.constant 4 : i32
        %parallel_loop3A_150 = arith.muli %parallel_loop3A_130, %parallel_loop3A_149 : i32
        %parallel_loop3A_151 = arith.constant 0 : i32
        %parallel_loop3A_152 = arith.addi %parallel_loop3A_150, %parallel_loop3A_151 : i32
        %parallel_loop3A_153 = arith.index_cast %parallel_loop3A_152 : i32 to index
        %parallel_loop3A_154 = arith.constant 16 : index
        %parallel_loop3A_155 = tpu.vector_load %arg11[%parallel_loop3A_153, %parallel_loop3A_154] {strides = array<i32>} : memref<128x32xf32, #tpu.memory_space<vmem>>, vector<1x16xf32>,
        %parallel_loop3A_156 = vector.shape_cast %parallel_loop3A_155 : vector<1x16xf32> to vector<16xf32>
        %parallel_loop3A_157 = arith.index_cast %parallel_loop3A_152 : i32 to index
        %parallel_loop3A_158 = arith.constant 16 : index
        %parallel_loop3A_159 = tpu.vector_load %arg12[%parallel_loop3A_157, %parallel_loop3A_158] {strides = array<i32>} : memref<128x32xf32, #tpu.memory_space<vmem>>, vector<1x16xf32>,
        %parallel_loop3A_160 = vector.shape_cast %parallel_loop3A_159 : vector<1x16xf32> to vector<16xf32>
        %parallel_loop3A_161 = arith.addf %parallel_loop3A_156, %parallel_loop3A_160 : vector<16xf32>
        %parallel_loop3A_162 = arith.index_cast %parallel_loop3A_130 : i32 to index
        %parallel_loop3A_163 = arith.constant 16 : index
        %parallel_loop3A_164 = tpu.vector_load %arg14[%parallel_loop3A_162, %parallel_loop3A_163] {strides = array<i32>} : memref<32x128xf32, #tpu.memory_space<vmem>>, vector<1x16xf32>,
        %parallel_loop3A_165 = vector.shape_cast %parallel_loop3A_164 : vector<1x16xf32> to vector<16xf32>
        %parallel_loop3A_166 = vector.shape_cast %parallel_loop3A_161 : vector<16xf32> to vector<1x16xf32>
        tpu.vector_store %arg14[%parallel_loop3A_162, %parallel_loop3A_163], %parallel_loop3A_166 {strides = array<i32>} : memref<32x128xf32, #tpu.memory_space<vmem>>, vector<1x16xf32>,
        %parallel_loop3A_167 = arith.constant 4 : i32
        %parallel_loop3A_168 = arith.muli %parallel_loop3A_130, %parallel_loop3A_167 : i32
        %parallel_loop3A_169 = arith.constant 1 : i32
        %parallel_loop3A_170 = arith.addi %parallel_loop3A_168, %parallel_loop3A_169 : i32
        %parallel_loop3A_171 = arith.index_cast %parallel_loop3A_170 : i32 to index
        %parallel_loop3A_172 = arith.constant 0 : index
        %parallel_loop3A_173 = tpu.vector_load %arg11[%parallel_loop3A_171, %parallel_loop3A_172] {strides = array<i32>} : memref<128x32xf32, #tpu.memory_space<vmem>>, vector<1x16xf32>,
        %parallel_loop3A_174 = vector.shape_cast %parallel_loop3A_173 : vector<1x16xf32> to vector<16xf32>
        %parallel_loop3A_175 = arith.index_cast %parallel_loop3A_170 : i32 to index
        %parallel_loop3A_176 = arith.constant 0 : index
        %parallel_loop3A_177 = tpu.vector_load %arg12[%parallel_loop3A_175, %parallel_loop3A_176] {strides = array<i32>} : memref<128x32xf32, #tpu.memory_space<vmem>>, vector<1x16xf32>,
        %parallel_loop3A_178 = vector.shape_cast %parallel_loop3A_177 : vector<1x16xf32> to vector<16xf32>
        %parallel_loop3A_179 = arith.addf %parallel_loop3A_174, %parallel_loop3A_178 : vector<16xf32>
        %parallel_loop3A_180 = arith.index_cast %parallel_loop3A_130 : i32 to index
        %parallel_loop3A_181 = arith.constant 32 : index
        %parallel_loop3A_182 = tpu.vector_load %arg14[%parallel_loop3A_180, %parallel_loop3A_181] {strides = array<i32>} : memref<32x128xf32, #tpu.memory_space<vmem>>, vector<1x16xf32>,
        %parallel_loop3A_183 = vector.shape_cast %parallel_loop3A_182 : vector<1x16xf32> to vector<16xf32>
        %parallel_loop3A_184 = vector.shape_cast %parallel_loop3A_179 : vector<16xf32> to vector<1x16xf32>
        tpu.vector_store %arg14[%parallel_loop3A_180, %parallel_loop3A_181], %parallel_loop3A_184 {strides = array<i32>} : memref<32x128xf32, #tpu.memory_space<vmem>>, vector<1x16xf32>,
        %parallel_loop3A_185 = arith.constant 4 : i32
        %parallel_loop3A_186 = arith.muli %parallel_loop3A_130, %parallel_loop3A_185 : i32
        %parallel_loop3A_187 = arith.constant 1 : i32
        %parallel_loop3A_188 = arith.addi %parallel_loop3A_186, %parallel_loop3A_187 : i32
        %parallel_loop3A_189 = arith.index_cast %parallel_loop3A_188 : i32 to index
        %parallel_loop3A_190 = arith.constant 16 : index
        %parallel_loop3A_191 = tpu.vector_load %arg11[%parallel_loop3A_189, %parallel_loop3A_190] {strides = array<i32>} : memref<128x32xf32, #tpu.memory_space<vmem>>, vector<1x16xf32>,
        %parallel_loop3A_192 = vector.shape_cast %parallel_loop3A_191 : vector<1x16xf32> to vector<16xf32>
        %parallel_loop3A_193 = arith.index_cast %parallel_loop3A_188 : i32 to index
        %parallel_loop3A_194 = arith.constant 16 : index
        %parallel_loop3A_195 = tpu.vector_load %arg12[%parallel_loop3A_193, %parallel_loop3A_194] {strides = array<i32>} : memref<128x32xf32, #tpu.memory_space<vmem>>, vector<1x16xf32>,
        %parallel_loop3A_196 = vector.shape_cast %parallel_loop3A_195 : vector<1x16xf32> to vector<16xf32>
        %parallel_loop3A_197 = arith.addf %parallel_loop3A_192, %parallel_loop3A_196 : vector<16xf32>
        %parallel_loop3A_198 = arith.index_cast %parallel_loop3A_130 : i32 to index
        %parallel_loop3A_199 = arith.constant 48 : index
        %parallel_loop3A_200 = tpu.vector_load %arg14[%parallel_loop3A_198, %parallel_loop3A_199] {strides = array<i32>} : memref<32x128xf32, #tpu.memory_space<vmem>>, vector<1x16xf32>,
        %parallel_loop3A_201 = vector.shape_cast %parallel_loop3A_200 : vector<1x16xf32> to vector<16xf32>
        %parallel_loop3A_202 = vector.shape_cast %parallel_loop3A_197 : vector<16xf32> to vector<1x16xf32>
        tpu.vector_store %arg14[%parallel_loop3A_198, %parallel_loop3A_199], %parallel_loop3A_202 {strides = array<i32>} : memref<32x128xf32, #tpu.memory_space<vmem>>, vector<1x16xf32>,
        %parallel_loop3A_203 = arith.constant 4 : i32
        %parallel_loop3A_204 = arith.muli %parallel_loop3A_130, %parallel_loop3A_203 : i32
        %parallel_loop3A_205 = arith.constant 2 : i32
        %parallel_loop3A_206 = arith.addi %parallel_loop3A_204, %parallel_loop3A_205 : i32
        %parallel_loop3A_207 = arith.index_cast %parallel_loop3A_206 : i32 to index
        %parallel_loop3A_208 = arith.constant 0 : index
        %parallel_loop3A_209 = tpu.vector_load %arg11[%parallel_loop3A_207, %parallel_loop3A_208] {strides = array<i32>} : memref<128x32xf32, #tpu.memory_space<vmem>>, vector<1x16xf32>,
        %parallel_loop3A_210 = vector.shape_cast %parallel_loop3A_209 : vector<1x16xf32> to vector<16xf32>
        %parallel_loop3A_211 = arith.index_cast %parallel_loop3A_206 : i32 to index
        %parallel_loop3A_212 = arith.constant 0 : index
        %parallel_loop3A_213 = tpu.vector_load %arg12[%parallel_loop3A_211, %parallel_loop3A_212] {strides = array<i32>} : memref<128x32xf32, #tpu.memory_space<vmem>>, vector<1x16xf32>,
        %parallel_loop3A_214 = vector.shape_cast %parallel_loop3A_213 : vector<1x16xf32> to vector<16xf32>
        %parallel_loop3A_215 = arith.addf %parallel_loop3A_210, %parallel_loop3A_214 : vector<16xf32>
        %parallel_loop3A_216 = arith.index_cast %parallel_loop3A_130 : i32 to index
        %parallel_loop3A_217 = arith.constant 64 : index
        %parallel_loop3A_218 = tpu.vector_load %arg14[%parallel_loop3A_216, %parallel_loop3A_217] {strides = array<i32>} : memref<32x128xf32, #tpu.memory_space<vmem>>, vector<1x16xf32>,
        %parallel_loop3A_219 = vector.shape_cast %parallel_loop3A_218 : vector<1x16xf32> to vector<16xf32>
        %parallel_loop3A_220 = vector.shape_cast %parallel_loop3A_215 : vector<16xf32> to vector<1x16xf32>
        tpu.vector_store %arg14[%parallel_loop3A_216, %parallel_loop3A_217], %parallel_loop3A_220 {strides = array<i32>} : memref<32x128xf32, #tpu.memory_space<vmem>>, vector<1x16xf32>,
        %parallel_loop3A_221 = arith.constant 4 : i32
        %parallel_loop3A_222 = arith.muli %parallel_loop3A_130, %parallel_loop3A_221 : i32
        %parallel_loop3A_223 = arith.constant 2 : i32
        %parallel_loop3A_224 = arith.addi %parallel_loop3A_222, %parallel_loop3A_223 : i32
        %parallel_loop3A_225 = arith.index_cast %parallel_loop3A_224 : i32 to index
        %parallel_loop3A_226 = arith.constant 16 : index
        %parallel_loop3A_227 = tpu.vector_load %arg11[%parallel_loop3A_225, %parallel_loop3A_226] {strides = array<i32>} : memref<128x32xf32, #tpu.memory_space<vmem>>, vector<1x16xf32>,
        %parallel_loop3A_228 = vector.shape_cast %parallel_loop3A_227 : vector<1x16xf32> to vector<16xf32>
        %parallel_loop3A_229 = arith.index_cast %parallel_loop3A_224 : i32 to index
        %parallel_loop3A_230 = arith.constant 16 : index
        %parallel_loop3A_231 = tpu.vector_load %arg12[%parallel_loop3A_229, %parallel_loop3A_230] {strides = array<i32>} : memref<128x32xf32, #tpu.memory_space<vmem>>, vector<1x16xf32>,
        %parallel_loop3A_232 = vector.shape_cast %parallel_loop3A_231 : vector<1x16xf32> to vector<16xf32>
        %parallel_loop3A_233 = arith.addf %parallel_loop3A_228, %parallel_loop3A_232 : vector<16xf32>
        %parallel_loop3A_234 = arith.index_cast %parallel_loop3A_130 : i32 to index
        %parallel_loop3A_235 = arith.constant 80 : index
        %parallel_loop3A_236 = tpu.vector_load %arg14[%parallel_loop3A_234, %parallel_loop3A_235] {strides = array<i32>} : memref<32x128xf32, #tpu.memory_space<vmem>>, vector<1x16xf32>,
        %parallel_loop3A_237 = vector.shape_cast %parallel_loop3A_236 : vector<1x16xf32> to vector<16xf32>
        %parallel_loop3A_238 = vector.shape_cast %parallel_loop3A_233 : vector<16xf32> to vector<1x16xf32>
        tpu.vector_store %arg14[%parallel_loop3A_234, %parallel_loop3A_235], %parallel_loop3A_238 {strides = array<i32>} : memref<32x128xf32, #tpu.memory_space<vmem>>, vector<1x16xf32>,
        %parallel_loop3A_239 = arith.constant 4 : i32
        %parallel_loop3A_240 = arith.muli %parallel_loop3A_130, %parallel_loop3A_239 : i32
        %parallel_loop3A_241 = arith.constant 3 : i32
        %parallel_loop3A_242 = arith.addi %parallel_loop3A_240, %parallel_loop3A_241 : i32
        %parallel_loop3A_243 = arith.index_cast %parallel_loop3A_242 : i32 to index
        %parallel_loop3A_244 = arith.constant 0 : index
        %parallel_loop3A_245 = tpu.vector_load %arg11[%parallel_loop3A_243, %parallel_loop3A_244] {strides = array<i32>} : memref<128x32xf32, #tpu.memory_space<vmem>>, vector<1x16xf32>,
        %parallel_loop3A_246 = vector.shape_cast %parallel_loop3A_245 : vector<1x16xf32> to vector<16xf32>
        %parallel_loop3A_247 = arith.index_cast %parallel_loop3A_242 : i32 to index
        %parallel_loop3A_248 = arith.constant 0 : index
        %parallel_loop3A_249 = tpu.vector_load %arg12[%parallel_loop3A_247, %parallel_loop3A_248] {strides = array<i32>} : memref<128x32xf32, #tpu.memory_space<vmem>>, vector<1x16xf32>,
        %parallel_loop3A_250 = vector.shape_cast %parallel_loop3A_249 : vector<1x16xf32> to vector<16xf32>
        %parallel_loop3A_251 = arith.addf %parallel_loop3A_246, %parallel_loop3A_250 : vector<16xf32>
        %parallel_loop3A_252 = arith.index_cast %parallel_loop3A_130 : i32 to index
        %parallel_loop3A_253 = arith.constant 96 : index
        %parallel_loop3A_254 = tpu.vector_load %arg14[%parallel_loop3A_252, %parallel_loop3A_253] {strides = array<i32>} : memref<32x128xf32, #tpu.memory_space<vmem>>, vector<1x16xf32>,
        %parallel_loop3A_255 = vector.shape_cast %parallel_loop3A_254 : vector<1x16xf32> to vector<16xf32>
        %parallel_loop3A_256 = vector.shape_cast %parallel_loop3A_251 : vector<16xf32> to vector<1x16xf32>
        tpu.vector_store %arg14[%parallel_loop3A_252, %parallel_loop3A_253], %parallel_loop3A_256 {strides = array<i32>} : memref<32x128xf32, #tpu.memory_space<vmem>>, vector<1x16xf32>,
        %parallel_loop3A_257 = arith.constant 4 : i32
        %parallel_loop3A_258 = arith.muli %parallel_loop3A_130, %parallel_loop3A_257 : i32
        %parallel_loop3A_259 = arith.constant 3 : i32
        %parallel_loop3A_260 = arith.addi %parallel_loop3A_258, %parallel_loop3A_259 : i32
        %parallel_loop3A_261 = arith.index_cast %parallel_loop3A_260 : i32 to index
        %parallel_loop3A_262 = arith.constant 16 : index
        %parallel_loop3A_263 = tpu.vector_load %arg11[%parallel_loop3A_261, %parallel_loop3A_262] {strides = array<i32>} : memref<128x32xf32, #tpu.memory_space<vmem>>, vector<1x16xf32>,
        %parallel_loop3A_264 = vector.shape_cast %parallel_loop3A_263 : vector<1x16xf32> to vector<16xf32>
        %parallel_loop3A_265 = arith.index_cast %parallel_loop3A_260 : i32 to index
        %parallel_loop3A_266 = arith.constant 16 : index
        %parallel_loop3A_267 = tpu.vector_load %arg12[%parallel_loop3A_265, %parallel_loop3A_266] {strides = array<i32>} : memref<128x32xf32, #tpu.memory_space<vmem>>, vector<1x16xf32>,
        %parallel_loop3A_268 = vector.shape_cast %parallel_loop3A_267 : vector<1x16xf32> to vector<16xf32>
        %parallel_loop3A_269 = arith.addf %parallel_loop3A_264, %parallel_loop3A_268 : vector<16xf32>
        %parallel_loop3A_270 = arith.index_cast %parallel_loop3A_130 : i32 to index
        %parallel_loop3A_271 = arith.constant 112 : index
        %parallel_loop3A_272 = tpu.vector_load %arg14[%parallel_loop3A_270, %parallel_loop3A_271] {strides = array<i32>} : memref<32x128xf32, #tpu.memory_space<vmem>>, vector<1x16xf32>,
        %parallel_loop3A_273 = vector.shape_cast %parallel_loop3A_272 : vector<1x16xf32> to vector<16xf32>
        %parallel_loop3A_274 = vector.shape_cast %parallel_loop3A_269 : vector<16xf32> to vector<1x16xf32>
        tpu.vector_store %arg14[%parallel_loop3A_270, %parallel_loop3A_271], %parallel_loop3A_274 {strides = array<i32>} : memref<32x128xf32, #tpu.memory_space<vmem>>, vector<1x16xf32>,
      } {sc.loop_unroll_factor = 8 : i64, sc.parallel_access}
      %add3A_118 = arith.addi %mul3A_2, %add3A_97 : i32
      %mul3A_119 = arith.constant 32 : i32
      %mul3A_120 = arith.muli %add3A_118, %mul3A_119 : i32
      %dma_start3A_121 = arith.constant 0 : i32
      %dma_start3A_122 = tpu.memref_slice %arg6[%mul3A_120, %dma_start3A_121] : memref<81920x128xf32, #tpu.memory_space<hbm>> -> memref<32x128xf32, #tpu.memory_space<hbm>>
      %dma_start3A_123 = arith.constant 0 : i32
      %dma_start3A_124 = tpu.memref_slice %arg6[%mul3A_120, %dma_start3A_123] : memref<81920x128xf32, #tpu.memory_space<hbm>> -> memref<32x128xf32, #tpu.memory_space<hbm>>
      tpu.enqueue_dma source(%arg14 : memref<32x128xf32, #tpu.memory_space<vmem>>) target(%dma_start3A_124 : memref<32x128xf32, #tpu.memory_space<hbm>>) target_semaphore(%arg22 : memref<!tpu.dma_semaphore, #tpu.memory_space<semaphore_mem>>)
      %lt3A_125 = arith.constant 39 : i32
      %lt3A_126 = arith.cmpi slt, %scan3A_62, %lt3A_125 : i32
      %convert_element_type3A_127 = arith.extui %lt3A_126 : i1 to i32
      %cond3A_128 = arith.constant 0 : i32
      %cond3A_129 = arith.cmpi ne, %convert_element_type3A_127, %cond3A_128 : i32
      scf.if %cond3A_129 {
        %add3A_130 = arith.constant 2 : i32
        %add3A_131 = arith.addi %add3A_97, %add3A_130 : i32
        %dma_start3A_132 = arith.constant 0 : i32
        %dma_start3A_133 = tpu.memref_slice %arg7[%add3A_131, %dma_start3A_132] : memref<80x128xi32, #tpu.memory_space<vmem>> -> memref<1x128xi32, #tpu.memory_space<vmem>>
        %dma_start3A_134 = tpu.memref_squeeze %dma_start3A_133 : memref<1x128xi32, #tpu.memory_space<vmem>> -> memref<128xi32, #tpu.memory_space<vmem>>
        %dma_start3A_135 = arith.constant 0 : i32
        %dma_start3A_136 = arith.constant 0 : i32
        %dma_start3A_137 = tpu.memref_slice %arg15[%dma_start3A_135, %dma_start3A_136] : memref<10016x32xf32, #tpu.memory_space<vmem_shared>> -> memref<10016x32xf32, #tpu.memory_space<vmem_shared>>
        tpu.enqueue_indirect_dma source(%dma_start3A_137 : memref<10016x32xf32, #tpu.memory_space<vmem_shared>>) target(%arg11 : memref<128x32xf32, #tpu.memory_space<vmem>>) offsets(%dma_start3A_134 : memref<128xi32, #tpu.memory_space<vmem>>) semaphore(%arg19 : memref<!tpu.dma_semaphore, #tpu.memory_space<semaphore_mem>>)
        %dma_start3A_138 = arith.constant 0 : i32
        %dma_start3A_139 = tpu.memref_slice %arg8[%add3A_131, %dma_start3A_138] : memref<80x128xi32, #tpu.memory_space<vmem>> -> memref<1x128xi32, #tpu.memory_space<vmem>>
        %dma_start3A_140 = tpu.memref_squeeze %dma_start3A_139 : memref<1x128xi32, #tpu.memory_space<vmem>> -> memref<128xi32, #tpu.memory_space<vmem>>
        %dma_start3A_141 = arith.constant 0 : i32
        %dma_start3A_142 = arith.constant 0 : i32
        %dma_start3A_143 = tpu.memref_slice %arg16[%dma_start3A_141, %dma_start3A_142] : memref<10016x32xf32, #tpu.memory_space<vmem_shared>> -> memref<10016x32xf32, #tpu.memory_space<vmem_shared>>
        tpu.enqueue_indirect_dma source(%dma_start3A_143 : memref<10016x32xf32, #tpu.memory_space<vmem_shared>>) target(%arg12 : memref<128x32xf32, #tpu.memory_space<vmem>>) offsets(%dma_start3A_140 : memref<128xi32, #tpu.memory_space<vmem>>) semaphore(%arg20 : memref<!tpu.dma_semaphore, #tpu.memory_space<semaphore_mem>>)
      } else {
      }
    }
    %scan3A_46 = arith.constant 40 : i32
    %add3A_47 = arith.constant 78 : i32
    %add3A_48 = arith.addi %mul3A_2, %add3A_47 : i32
    %mul3A_49 = arith.constant 32 : i32
    %mul3A_50 = arith.muli %add3A_48, %mul3A_49 : i32
    %dma_wait3A = arith.constant 0 : i32
    %dma_wait3A_51 = tpu.memref_slice %arg6[%mul3A_50, %dma_wait3A] : memref<81920x128xf32, #tpu.memory_space<hbm>> -> memref<32x128xf32, #tpu.memory_space<hbm>>
    %dma_wait3A_52 = arith.constant 0 : i32
    %dma_wait3A_53 = tpu.memref_slice %arg6[%mul3A_50, %dma_wait3A_52] : memref<81920x128xf32, #tpu.memory_space<hbm>> -> memref<32x128xf32, #tpu.memory_space<hbm>>
    tpu.wait_dma2 semaphore(%arg21 : memref<!tpu.dma_semaphore, #tpu.memory_space<semaphore_mem>>) src(%arg13 : memref<32x128xf32, #tpu.memory_space<vmem>>) dst(%dma_wait3A_53 : memref<32x128xf32, #tpu.memory_space<hbm>>)
    %add3A_54 = arith.constant 79 : i32
    %add3A_55 = arith.addi %mul3A_2, %add3A_54 : i32
    %mul3A_56 = arith.constant 32 : i32
    %mul3A_57 = arith.muli %add3A_55, %mul3A_56 : i32
    %dma_wait3A_58 = arith.constant 0 : i32
    %dma_wait3A_59 = tpu.memref_slice %arg6[%mul3A_57, %dma_wait3A_58] : memref<81920x128xf32, #tpu.memory_space<hbm>> -> memref<32x128xf32, #tpu.memory_space<hbm>>
    %dma_wait3A_60 = arith.constant 0 : i32
    %dma_wait3A_61 = tpu.memref_slice %arg6[%mul3A_57, %dma_wait3A_60] : memref<81920x128xf32, #tpu.memory_space<hbm>> -> memref<32x128xf32, #tpu.memory_space<hbm>>
    tpu.wait_dma2 semaphore(%arg22 : memref<!tpu.dma_semaphore, #tpu.memory_space<semaphore_mem>>) src(%arg14 : memref<32x128xf32, #tpu.memory_space<vmem>>) dst(%dma_wait3A_61 : memref<32x128xf32, #tpu.memory_space<hbm>>)
    return
  }
}

#map = affine_map<(d0, d1) -> (0, 0)>
#map1 = affine_map<(d0, d1) -> (0, 0, 0)>
module attributes {stable_mosaic.version = 14 : i64} {
  func.func @_scatter_sc(%arg0: i32, %arg1: i32, %arg2: memref<2560x128xi32, #tpu.memory_space<hbm>>, %arg3: memref<81920x128xf32, #tpu.memory_space<hbm>>, %arg4: memref<2x10240x32xf32, #tpu.memory_space<hbm>>, %arg5: memref<2x10240xf32, #tpu.memory_space<hbm>>, %arg6: memref<80x128xi32, #tpu.memory_space<vmem>>, %arg7: memref<32x128xf32, #tpu.memory_space<vmem>>, %arg8: memref<32x128xf32, #tpu.memory_space<vmem>>, %arg9: memref<128x32xf32, #tpu.memory_space<vmem>>, %arg10: memref<128x32xf32, #tpu.memory_space<vmem>>, %arg11: memref<128x32xf32, #tpu.memory_space<vmem>>, %arg12: memref<128xf32, #tpu.memory_space<vmem>>, %arg13: memref<128xf32, #tpu.memory_space<vmem>>, %arg14: memref<10240x32xf32, #tpu.memory_space<vmem_shared>>, %arg15: memref<10240xf32, #tpu.memory_space<vmem_shared>>, %arg16: memref<!tpu.dma_semaphore, #tpu.memory_space<semaphore_mem>>, %arg17: memref<!tpu.dma_semaphore, #tpu.memory_space<semaphore_mem>>, %arg18: memref<!tpu.dma_semaphore, #tpu.memory_space<semaphore_mem>>, %arg19: memref<!tpu.dma_semaphore, #tpu.memory_space<semaphore_mem>>, %arg20: memref<!tpu.dma_semaphore, #tpu.memory_space<semaphore_mem>>, %arg21: memref<!tpu.dma_semaphore, #tpu.memory_space<semaphore_mem>>) attributes {dimension_semantics = [#tpu.dimension_semantics<core_parallel>, #tpu.dimension_semantics<subcore_parallel>], iteration_bounds = array<i64: 2, 16>, scalar_prefetch = 0 : i64, scratch_operands = 16 : i64, tpu.core_type = #tpu.core_type<sc_vector_subcore>, window_params = [{transform_indices = #map}, {transform_indices = #map}, {transform_indices = #map1}, {transform_indices = #map}]} {
    %mul3A = arith.constant 2 : i32
    %mul3A_0 = arith.muli %arg1, %mul3A : i32
    %add3A = arith.addi %mul3A_0, %arg0 : i32
    %mul3A_1 = arith.constant 80 : i32
    %mul3A_2 = arith.muli %add3A, %mul3A_1 : i32
    %mul3A_3 = arith.constant 640 : i32
    %mul3A_4 = arith.muli %arg1, %mul3A_3 : i32
    %add3A_5 = arith.constant 0 : i32
    %add3A_6 = arith.addi %mul3A_2, %add3A_5 : i32
    %mul3A_7 = arith.constant 32 : i32
    %mul3A_8 = arith.muli %add3A_6, %mul3A_7 : i32
    %dma_start3A = arith.constant 0 : i32
    %dma_start3A_9 = tpu.memref_slice %arg3[%mul3A_8, %dma_start3A] : memref<81920x128xf32, #tpu.memory_space<hbm>> -> memref<32x128xf32, #tpu.memory_space<hbm>>
    %dma_start3A_10 = arith.constant 0 : i32
    %dma_start3A_11 = tpu.memref_slice %arg3[%mul3A_8, %dma_start3A_10] : memref<81920x128xf32, #tpu.memory_space<hbm>> -> memref<32x128xf32, #tpu.memory_space<hbm>>
    tpu.enqueue_dma source(%dma_start3A_11 : memref<32x128xf32, #tpu.memory_space<hbm>>) target(%arg7 : memref<32x128xf32, #tpu.memory_space<vmem>>) target_semaphore(%arg16 : memref<!tpu.dma_semaphore, #tpu.memory_space<semaphore_mem>>)
    %add3A_12 = arith.constant 1 : i32
    %add3A_13 = arith.addi %mul3A_2, %add3A_12 : i32
    %mul3A_14 = arith.constant 32 : i32
    %mul3A_15 = arith.muli %add3A_13, %mul3A_14 : i32
    %dma_start3A_16 = arith.constant 0 : i32
    %dma_start3A_17 = tpu.memref_slice %arg3[%mul3A_15, %dma_start3A_16] : memref<81920x128xf32, #tpu.memory_space<hbm>> -> memref<32x128xf32, #tpu.memory_space<hbm>>
    %dma_start3A_18 = arith.constant 0 : i32
    %dma_start3A_19 = tpu.memref_slice %arg3[%mul3A_15, %dma_start3A_18] : memref<81920x128xf32, #tpu.memory_space<hbm>> -> memref<32x128xf32, #tpu.memory_space<hbm>>
    tpu.enqueue_dma source(%dma_start3A_19 : memref<32x128xf32, #tpu.memory_space<hbm>>) target(%arg8 : memref<32x128xf32, #tpu.memory_space<vmem>>) target_semaphore(%arg17 : memref<!tpu.dma_semaphore, #tpu.memory_space<semaphore_mem>>)
    %scan3A = arith.constant 0 : i32
    %scan3A_20 = arith.constant 0 : i32
    %scan3A_21 = arith.constant 128 : i32
    %scan3A_22 = arith.addi %scan3A_20, %scan3A_21 : i32
    %scan3A_23 = arith.constant 1 : i32
    scf.for %scan3A_77 = %scan3A_20 to %scan3A_22 step %scan3A_23  : i32 {
      %broadcast_in_dim3A = arith.constant 0.000000e+00 : f32
      %broadcast_in_dim3A_78 = vector.broadcast %broadcast_in_dim3A : f32 to vector<16xf32>
      %swap3A = arith.index_cast %scan3A_77 : i32 to index
      %swap3A_79 = arith.constant 0 : index
      %swap3A_80 = tpu.vector_load %arg11[%swap3A, %swap3A_79] {strides = array<i32>} : memref<128x32xf32, #tpu.memory_space<vmem>>, vector<1x16xf32>,
      %swap3A_81 = vector.shape_cast %swap3A_80 : vector<1x16xf32> to vector<16xf32>
      %swap3A_82 = vector.shape_cast %broadcast_in_dim3A_78 : vector<16xf32> to vector<1x16xf32>
      tpu.vector_store %arg11[%swap3A, %swap3A_79], %swap3A_82 {strides = array<i32>} : memref<128x32xf32, #tpu.memory_space<vmem>>, vector<1x16xf32>,
      %broadcast_in_dim3A_83 = arith.constant 0.000000e+00 : f32
      %broadcast_in_dim3A_84 = vector.broadcast %broadcast_in_dim3A_83 : f32 to vector<16xf32>
      %swap3A_85 = arith.index_cast %scan3A_77 : i32 to index
      %swap3A_86 = arith.constant 16 : index
      %swap3A_87 = tpu.vector_load %arg11[%swap3A_85, %swap3A_86] {strides = array<i32>} : memref<128x32xf32, #tpu.memory_space<vmem>>, vector<1x16xf32>,
      %swap3A_88 = vector.shape_cast %swap3A_87 : vector<1x16xf32> to vector<16xf32>
      %swap3A_89 = vector.shape_cast %broadcast_in_dim3A_84 : vector<16xf32> to vector<1x16xf32>
      tpu.vector_store %arg11[%swap3A_85, %swap3A_86], %swap3A_89 {strides = array<i32>} : memref<128x32xf32, #tpu.memory_space<vmem>>, vector<1x16xf32>,
    }
    %scan3A_24 = arith.constant 128 : i32
    %scan3A_25 = arith.constant 0 : i32
    %scan3A_26 = arith.constant 0 : i32
    %scan3A_27 = arith.constant 8 : i32
    %scan3A_28 = arith.addi %scan3A_26, %scan3A_27 : i32
    %scan3A_29 = arith.constant 1 : i32
    scf.for %scan3A_77 = %scan3A_26 to %scan3A_28 step %scan3A_29  : i32 {
      %broadcast_in_dim3A = arith.constant 1.000000e+00 : f32
      %broadcast_in_dim3A_78 = vector.broadcast %broadcast_in_dim3A : f32 to vector<16xf32>
      %mul3A_79 = arith.constant 16 : i32
      %mul3A_80 = arith.muli %scan3A_77, %mul3A_79 : i32
      %swap3A = arith.index_cast %mul3A_80 : i32 to index
      %swap3A_81 = tpu.vector_load %arg12[%swap3A] {strides = array<i32>} : memref<128xf32, #tpu.memory_space<vmem>>, vector<16xf32>,
      %swap3A_82 = vector.shape_cast %swap3A_81 : vector<16xf32> to vector<16xf32>
      %swap3A_83 = vector.shape_cast %broadcast_in_dim3A_78 : vector<16xf32> to vector<16xf32>
      tpu.vector_store %arg12[%swap3A], %swap3A_83 {strides = array<i32>} : memref<128xf32, #tpu.memory_space<vmem>>, vector<16xf32>,
      %broadcast_in_dim3A_84 = arith.constant 0.000000e+00 : f32
      %broadcast_in_dim3A_85 = vector.broadcast %broadcast_in_dim3A_84 : f32 to vector<16xf32>
      %mul3A_86 = arith.constant 16 : i32
      %mul3A_87 = arith.muli %scan3A_77, %mul3A_86 : i32
      %swap3A_88 = arith.index_cast %mul3A_87 : i32 to index
      %swap3A_89 = tpu.vector_load %arg13[%swap3A_88] {strides = array<i32>} : memref<128xf32, #tpu.memory_space<vmem>>, vector<16xf32>,
      %swap3A_90 = vector.shape_cast %swap3A_89 : vector<16xf32> to vector<16xf32>
      %swap3A_91 = vector.shape_cast %broadcast_in_dim3A_85 : vector<16xf32> to vector<16xf32>
      tpu.vector_store %arg13[%swap3A_88], %swap3A_91 {strides = array<i32>} : memref<128xf32, #tpu.memory_space<vmem>>, vector<16xf32>,
    }
    %scan3A_30 = arith.constant 8 : i32
    %scan3A_31 = arith.constant 0 : i32
    %scan3A_32 = arith.constant 0 : i32
    %scan3A_33 = arith.constant 5 : i32
    %scan3A_34 = arith.addi %scan3A_32, %scan3A_33 : i32
    %scan3A_35 = arith.constant 1 : i32
    scf.for %scan3A_77 = %scan3A_32 to %scan3A_34 step %scan3A_35  : i32 {
      %mul3A_78 = arith.constant 128 : i32
      %mul3A_79 = arith.muli %scan3A_77, %mul3A_78 : i32
      %add3A_80 = arith.addi %mul3A_4, %mul3A_79 : i32
      "tpu.region"() ({
        %run_scoped3A = tpu.sem_alloc : memref<!tpu.dma_semaphore, #tpu.memory_space<semaphore_mem>>
        %dma_start3A_84 = arith.constant 0 : i32
        %dma_start3A_85 = tpu.memref_slice %arg14[%add3A_80, %dma_start3A_84] : memref<10240x32xf32, #tpu.memory_space<vmem_shared>> -> memref<128x32xf32, #tpu.memory_space<vmem_shared>>
        %dma_start3A_86 = arith.constant 0 : i32
        %dma_start3A_87 = tpu.memref_slice %arg14[%add3A_80, %dma_start3A_86] : memref<10240x32xf32, #tpu.memory_space<vmem_shared>> -> memref<128x32xf32, #tpu.memory_space<vmem_shared>>
        tpu.enqueue_dma source(%arg11 : memref<128x32xf32, #tpu.memory_space<vmem>>) target(%dma_start3A_87 : memref<128x32xf32, #tpu.memory_space<vmem_shared>>) target_semaphore(%run_scoped3A : memref<!tpu.dma_semaphore, #tpu.memory_space<semaphore_mem>>)
        %dma_wait3A_88 = arith.constant 0 : i32
        %dma_wait3A_89 = tpu.memref_slice %arg14[%add3A_80, %dma_wait3A_88] : memref<10240x32xf32, #tpu.memory_space<vmem_shared>> -> memref<128x32xf32, #tpu.memory_space<vmem_shared>>
        %dma_wait3A_90 = arith.constant 0 : i32
        %dma_wait3A_91 = tpu.memref_slice %arg14[%add3A_80, %dma_wait3A_90] : memref<10240x32xf32, #tpu.memory_space<vmem_shared>> -> memref<128x32xf32, #tpu.memory_space<vmem_shared>>
        tpu.wait_dma2 semaphore(%run_scoped3A : memref<!tpu.dma_semaphore, #tpu.memory_space<semaphore_mem>>) src(%arg11 : memref<128x32xf32, #tpu.memory_space<vmem>>) dst(%dma_wait3A_91 : memref<128x32xf32, #tpu.memory_space<vmem_shared>>)
        tpu.yield
      }) : () -> ()
      %mul3A_81 = arith.constant 128 : i32
      %mul3A_82 = arith.muli %scan3A_77, %mul3A_81 : i32
      %add3A_83 = arith.addi %mul3A_4, %mul3A_82 : i32
      "tpu.region"() ({
        %run_scoped3A = tpu.sem_alloc : memref<!tpu.dma_semaphore, #tpu.memory_space<semaphore_mem>>
        %dma_start3A_84 = tpu.memref_slice %arg15[%add3A_83] : memref<10240xf32, #tpu.memory_space<vmem_shared>> -> memref<128xf32, #tpu.memory_space<vmem_shared>>
        %dma_start3A_85 = tpu.memref_slice %arg15[%add3A_83] : memref<10240xf32, #tpu.memory_space<vmem_shared>> -> memref<128xf32, #tpu.memory_space<vmem_shared>>
        tpu.enqueue_dma source(%arg13 : memref<128xf32, #tpu.memory_space<vmem>>) target(%dma_start3A_85 : memref<128xf32, #tpu.memory_space<vmem_shared>>) target_semaphore(%run_scoped3A : memref<!tpu.dma_semaphore, #tpu.memory_space<semaphore_mem>>)
        %dma_wait3A_86 = tpu.memref_slice %arg15[%add3A_83] : memref<10240xf32, #tpu.memory_space<vmem_shared>> -> memref<128xf32, #tpu.memory_space<vmem_shared>>
        %dma_wait3A_87 = tpu.memref_slice %arg15[%add3A_83] : memref<10240xf32, #tpu.memory_space<vmem_shared>> -> memref<128xf32, #tpu.memory_space<vmem_shared>>
        tpu.wait_dma2 semaphore(%run_scoped3A : memref<!tpu.dma_semaphore, #tpu.memory_space<semaphore_mem>>) src(%arg13 : memref<128xf32, #tpu.memory_space<vmem>>) dst(%dma_wait3A_87 : memref<128xf32, #tpu.memory_space<vmem_shared>>)
        tpu.yield
      }) : () -> ()
    }
    %scan3A_36 = arith.constant 5 : i32
    %add3A_37 = arith.constant 0 : i32
    %add3A_38 = arith.addi %add3A_37, %mul3A_2 : i32
    "tpu.region"() ({
      %run_scoped3A = tpu.sem_alloc : memref<!tpu.dma_semaphore, #tpu.memory_space<semaphore_mem>>
      %dma_start3A_77 = arith.constant 0 : i32
      %dma_start3A_78 = tpu.memref_slice %arg2[%add3A_38, %dma_start3A_77] : memref<2560x128xi32, #tpu.memory_space<hbm>> -> memref<80x128xi32, #tpu.memory_space<hbm>>
      %dma_start3A_79 = arith.constant 0 : i32
      %dma_start3A_80 = tpu.memref_slice %arg2[%add3A_38, %dma_start3A_79] : memref<2560x128xi32, #tpu.memory_space<hbm>> -> memref<80x128xi32, #tpu.memory_space<hbm>>
      tpu.enqueue_dma source(%dma_start3A_80 : memref<80x128xi32, #tpu.memory_space<hbm>>) target(%arg6 : memref<80x128xi32, #tpu.memory_space<vmem>>) target_semaphore(%run_scoped3A : memref<!tpu.dma_semaphore, #tpu.memory_space<semaphore_mem>>)
      %dma_wait3A_81 = arith.constant 0 : i32
      %dma_wait3A_82 = tpu.memref_slice %arg2[%add3A_38, %dma_wait3A_81] : memref<2560x128xi32, #tpu.memory_space<hbm>> -> memref<80x128xi32, #tpu.memory_space<hbm>>
      %dma_wait3A_83 = arith.constant 0 : i32
      %dma_wait3A_84 = tpu.memref_slice %arg2[%add3A_38, %dma_wait3A_83] : memref<2560x128xi32, #tpu.memory_space<hbm>> -> memref<80x128xi32, #tpu.memory_space<hbm>>
      tpu.wait_dma2 semaphore(%run_scoped3A : memref<!tpu.dma_semaphore, #tpu.memory_space<semaphore_mem>>) src(%dma_wait3A_84 : memref<80x128xi32, #tpu.memory_space<hbm>>) dst(%arg6 : memref<80x128xi32, #tpu.memory_space<vmem>>)
      tpu.yield
    }) : () -> ()
    %barrier3A = arith.constant 0 : index
    tpu.barrier barrier_id(%barrier3A)
    %scan3A_39 = arith.constant 0 : i32
    %scan3A_40 = arith.constant 0 : i32
    %scan3A_41 = arith.constant 40 : i32
    %scan3A_42 = arith.addi %scan3A_40, %scan3A_41 : i32
    %scan3A_43 = arith.constant 1 : i32
    scf.for %scan3A_77 = %scan3A_40 to %scan3A_42 step %scan3A_43  : i32 {
      %mul3A_78 = arith.constant 2 : i32
      %mul3A_79 = arith.muli %scan3A_77, %mul3A_78 : i32
      %add3A_80 = arith.constant 0 : i32
      %add3A_81 = arith.addi %mul3A_79, %add3A_80 : i32
      %add3A_82 = arith.addi %mul3A_2, %add3A_81 : i32
      %mul3A_83 = arith.constant 32 : i32
      %mul3A_84 = arith.muli %add3A_82, %mul3A_83 : i32
      %dma_wait3A_85 = arith.constant 0 : i32
      %dma_wait3A_86 = tpu.memref_slice %arg3[%mul3A_84, %dma_wait3A_85] : memref<81920x128xf32, #tpu.memory_space<hbm>> -> memref<32x128xf32, #tpu.memory_space<hbm>>
      %dma_wait3A_87 = arith.constant 0 : i32
      %dma_wait3A_88 = tpu.memref_slice %arg3[%mul3A_84, %dma_wait3A_87] : memref<81920x128xf32, #tpu.memory_space<hbm>> -> memref<32x128xf32, #tpu.memory_space<hbm>>
      tpu.wait_dma2 semaphore(%arg16 : memref<!tpu.dma_semaphore, #tpu.memory_space<semaphore_mem>>) src(%dma_wait3A_88 : memref<32x128xf32, #tpu.memory_space<hbm>>) dst(%arg7 : memref<32x128xf32, #tpu.memory_space<vmem>>)
      %gt3A = arith.constant 0 : i32
      %gt3A_89 = arith.cmpi sgt, %scan3A_77, %gt3A : i32
      %convert_element_type3A = arith.extui %gt3A_89 : i1 to i32
      %cond3A = arith.constant 0 : i32
      %cond3A_90 = arith.cmpi ne, %convert_element_type3A, %cond3A : i32
      scf.if %cond3A_90 {
        %sub3A = arith.constant 2 : i32
        %sub3A_143 = arith.subi %add3A_81, %sub3A : i32
        %dma_wait3A_144 = arith.constant 0 : i32
        %dma_wait3A_145 = tpu.memref_slice %arg6[%sub3A_143, %dma_wait3A_144] : memref<80x128xi32, #tpu.memory_space<vmem>> -> memref<1x128xi32, #tpu.memory_space<vmem>>
        %dma_wait3A_146 = tpu.memref_squeeze %dma_wait3A_145 : memref<1x128xi32, #tpu.memory_space<vmem>> -> memref<128xi32, #tpu.memory_space<vmem>>
        %dma_wait3A_147 = arith.constant 0 : i32
        %dma_wait3A_148 = arith.constant 0 : i32
        %dma_wait3A_149 = tpu.memref_slice %arg14[%dma_wait3A_147, %dma_wait3A_148] : memref<10240x32xf32, #tpu.memory_space<vmem_shared>> -> memref<10240x32xf32, #tpu.memory_space<vmem_shared>>
        tpu.wait_indirect_dma semaphore(%arg18 : memref<!tpu.dma_semaphore, #tpu.memory_space<semaphore_mem>>) src(%arg9 : memref<128x32xf32, #tpu.memory_space<vmem>>) dst(%dma_wait3A_149 : memref<10240x32xf32, #tpu.memory_space<vmem_shared>>)
        %sub3A_150 = arith.constant 2 : i32
        %sub3A_151 = arith.subi %add3A_81, %sub3A_150 : i32
        %dma_wait3A_152 = arith.constant 0 : i32
        %dma_wait3A_153 = tpu.memref_slice %arg6[%sub3A_151, %dma_wait3A_152] : memref<80x128xi32, #tpu.memory_space<vmem>> -> memref<1x128xi32, #tpu.memory_space<vmem>>
        %dma_wait3A_154 = tpu.memref_squeeze %dma_wait3A_153 : memref<1x128xi32, #tpu.memory_space<vmem>> -> memref<128xi32, #tpu.memory_space<vmem>>
        %dma_wait3A_155 = arith.constant 0 : i32
        %dma_wait3A_156 = tpu.memref_slice %arg15[%dma_wait3A_155] : memref<10240xf32, #tpu.memory_space<vmem_shared>> -> memref<10240xf32, #tpu.memory_space<vmem_shared>>
        tpu.wait_indirect_dma semaphore(%arg20 : memref<!tpu.dma_semaphore, #tpu.memory_space<semaphore_mem>>) src(%arg12 : memref<128xf32, #tpu.memory_space<vmem>>) dst(%dma_wait3A_156 : memref<10240xf32, #tpu.memory_space<vmem_shared>>)
      } else {
      }
      %parallel_loop3A = arith.constant 0 : i32
      %parallel_loop3A_91 = arith.constant 32 : i32
      %parallel_loop3A_92 = arith.constant 1 : i32
      scf.for %parallel_loop3A_143 = %parallel_loop3A to %parallel_loop3A_91 step %parallel_loop3A_92  : i32 {
        %parallel_loop3A_144 = arith.constant 4 : i32
        %parallel_loop3A_145 = arith.muli %parallel_loop3A_143, %parallel_loop3A_144 : i32
        %parallel_loop3A_146 = arith.constant 0 : i32
        %parallel_loop3A_147 = arith.addi %parallel_loop3A_145, %parallel_loop3A_146 : i32
        %parallel_loop3A_148 = arith.index_cast %parallel_loop3A_143 : i32 to index
        %parallel_loop3A_149 = arith.constant 0 : index
        %parallel_loop3A_150 = tpu.vector_load %arg7[%parallel_loop3A_148, %parallel_loop3A_149] {strides = array<i32>} : memref<32x128xf32, #tpu.memory_space<vmem>>, vector<1x16xf32>,
        %parallel_loop3A_151 = vector.shape_cast %parallel_loop3A_150 : vector<1x16xf32> to vector<16xf32>
        %parallel_loop3A_152 = arith.index_cast %parallel_loop3A_147 : i32 to index
        %parallel_loop3A_153 = arith.constant 0 : index
        %parallel_loop3A_154 = tpu.vector_load %arg9[%parallel_loop3A_152, %parallel_loop3A_153] {strides = array<i32>} : memref<128x32xf32, #tpu.memory_space<vmem>>, vector<1x16xf32>,
        %parallel_loop3A_155 = vector.shape_cast %parallel_loop3A_154 : vector<1x16xf32> to vector<16xf32>
        %parallel_loop3A_156 = vector.shape_cast %parallel_loop3A_151 : vector<16xf32> to vector<1x16xf32>
        tpu.vector_store %arg9[%parallel_loop3A_152, %parallel_loop3A_153], %parallel_loop3A_156 {strides = array<i32>} : memref<128x32xf32, #tpu.memory_space<vmem>>, vector<1x16xf32>,
        %parallel_loop3A_157 = arith.constant 4 : i32
        %parallel_loop3A_158 = arith.muli %parallel_loop3A_143, %parallel_loop3A_157 : i32
        %parallel_loop3A_159 = arith.constant 0 : i32
        %parallel_loop3A_160 = arith.addi %parallel_loop3A_158, %parallel_loop3A_159 : i32
        %parallel_loop3A_161 = arith.index_cast %parallel_loop3A_143 : i32 to index
        %parallel_loop3A_162 = arith.constant 16 : index
        %parallel_loop3A_163 = tpu.vector_load %arg7[%parallel_loop3A_161, %parallel_loop3A_162] {strides = array<i32>} : memref<32x128xf32, #tpu.memory_space<vmem>>, vector<1x16xf32>,
        %parallel_loop3A_164 = vector.shape_cast %parallel_loop3A_163 : vector<1x16xf32> to vector<16xf32>
        %parallel_loop3A_165 = arith.index_cast %parallel_loop3A_160 : i32 to index
        %parallel_loop3A_166 = arith.constant 16 : index
        %parallel_loop3A_167 = tpu.vector_load %arg9[%parallel_loop3A_165, %parallel_loop3A_166] {strides = array<i32>} : memref<128x32xf32, #tpu.memory_space<vmem>>, vector<1x16xf32>,
        %parallel_loop3A_168 = vector.shape_cast %parallel_loop3A_167 : vector<1x16xf32> to vector<16xf32>
        %parallel_loop3A_169 = vector.shape_cast %parallel_loop3A_164 : vector<16xf32> to vector<1x16xf32>
        tpu.vector_store %arg9[%parallel_loop3A_165, %parallel_loop3A_166], %parallel_loop3A_169 {strides = array<i32>} : memref<128x32xf32, #tpu.memory_space<vmem>>, vector<1x16xf32>,
        %parallel_loop3A_170 = arith.constant 4 : i32
        %parallel_loop3A_171 = arith.muli %parallel_loop3A_143, %parallel_loop3A_170 : i32
        %parallel_loop3A_172 = arith.constant 1 : i32
        %parallel_loop3A_173 = arith.addi %parallel_loop3A_171, %parallel_loop3A_172 : i32
        %parallel_loop3A_174 = arith.index_cast %parallel_loop3A_143 : i32 to index
        %parallel_loop3A_175 = arith.constant 32 : index
        %parallel_loop3A_176 = tpu.vector_load %arg7[%parallel_loop3A_174, %parallel_loop3A_175] {strides = array<i32>} : memref<32x128xf32, #tpu.memory_space<vmem>>, vector<1x16xf32>,
        %parallel_loop3A_177 = vector.shape_cast %parallel_loop3A_176 : vector<1x16xf32> to vector<16xf32>
        %parallel_loop3A_178 = arith.index_cast %parallel_loop3A_173 : i32 to index
        %parallel_loop3A_179 = arith.constant 0 : index
        %parallel_loop3A_180 = tpu.vector_load %arg9[%parallel_loop3A_178, %parallel_loop3A_179] {strides = array<i32>} : memref<128x32xf32, #tpu.memory_space<vmem>>, vector<1x16xf32>,
        %parallel_loop3A_181 = vector.shape_cast %parallel_loop3A_180 : vector<1x16xf32> to vector<16xf32>
        %parallel_loop3A_182 = vector.shape_cast %parallel_loop3A_177 : vector<16xf32> to vector<1x16xf32>
        tpu.vector_store %arg9[%parallel_loop3A_178, %parallel_loop3A_179], %parallel_loop3A_182 {strides = array<i32>} : memref<128x32xf32, #tpu.memory_space<vmem>>, vector<1x16xf32>,
        %parallel_loop3A_183 = arith.constant 4 : i32
        %parallel_loop3A_184 = arith.muli %parallel_loop3A_143, %parallel_loop3A_183 : i32
        %parallel_loop3A_185 = arith.constant 1 : i32
        %parallel_loop3A_186 = arith.addi %parallel_loop3A_184, %parallel_loop3A_185 : i32
        %parallel_loop3A_187 = arith.index_cast %parallel_loop3A_143 : i32 to index
        %parallel_loop3A_188 = arith.constant 48 : index
        %parallel_loop3A_189 = tpu.vector_load %arg7[%parallel_loop3A_187, %parallel_loop3A_188] {strides = array<i32>} : memref<32x128xf32, #tpu.memory_space<vmem>>, vector<1x16xf32>,
        %parallel_loop3A_190 = vector.shape_cast %parallel_loop3A_189 : vector<1x16xf32> to vector<16xf32>
        %parallel_loop3A_191 = arith.index_cast %parallel_loop3A_186 : i32 to index
        %parallel_loop3A_192 = arith.constant 16 : index
        %parallel_loop3A_193 = tpu.vector_load %arg9[%parallel_loop3A_191, %parallel_loop3A_192] {strides = array<i32>} : memref<128x32xf32, #tpu.memory_space<vmem>>, vector<1x16xf32>,
        %parallel_loop3A_194 = vector.shape_cast %parallel_loop3A_193 : vector<1x16xf32> to vector<16xf32>
        %parallel_loop3A_195 = vector.shape_cast %parallel_loop3A_190 : vector<16xf32> to vector<1x16xf32>
        tpu.vector_store %arg9[%parallel_loop3A_191, %parallel_loop3A_192], %parallel_loop3A_195 {strides = array<i32>} : memref<128x32xf32, #tpu.memory_space<vmem>>, vector<1x16xf32>,
        %parallel_loop3A_196 = arith.constant 4 : i32
        %parallel_loop3A_197 = arith.muli %parallel_loop3A_143, %parallel_loop3A_196 : i32
        %parallel_loop3A_198 = arith.constant 2 : i32
        %parallel_loop3A_199 = arith.addi %parallel_loop3A_197, %parallel_loop3A_198 : i32
        %parallel_loop3A_200 = arith.index_cast %parallel_loop3A_143 : i32 to index
        %parallel_loop3A_201 = arith.constant 64 : index
        %parallel_loop3A_202 = tpu.vector_load %arg7[%parallel_loop3A_200, %parallel_loop3A_201] {strides = array<i32>} : memref<32x128xf32, #tpu.memory_space<vmem>>, vector<1x16xf32>,
        %parallel_loop3A_203 = vector.shape_cast %parallel_loop3A_202 : vector<1x16xf32> to vector<16xf32>
        %parallel_loop3A_204 = arith.index_cast %parallel_loop3A_199 : i32 to index
        %parallel_loop3A_205 = arith.constant 0 : index
        %parallel_loop3A_206 = tpu.vector_load %arg9[%parallel_loop3A_204, %parallel_loop3A_205] {strides = array<i32>} : memref<128x32xf32, #tpu.memory_space<vmem>>, vector<1x16xf32>,
        %parallel_loop3A_207 = vector.shape_cast %parallel_loop3A_206 : vector<1x16xf32> to vector<16xf32>
        %parallel_loop3A_208 = vector.shape_cast %parallel_loop3A_203 : vector<16xf32> to vector<1x16xf32>
        tpu.vector_store %arg9[%parallel_loop3A_204, %parallel_loop3A_205], %parallel_loop3A_208 {strides = array<i32>} : memref<128x32xf32, #tpu.memory_space<vmem>>, vector<1x16xf32>,
        %parallel_loop3A_209 = arith.constant 4 : i32
        %parallel_loop3A_210 = arith.muli %parallel_loop3A_143, %parallel_loop3A_209 : i32
        %parallel_loop3A_211 = arith.constant 2 : i32
        %parallel_loop3A_212 = arith.addi %parallel_loop3A_210, %parallel_loop3A_211 : i32
        %parallel_loop3A_213 = arith.index_cast %parallel_loop3A_143 : i32 to index
        %parallel_loop3A_214 = arith.constant 80 : index
        %parallel_loop3A_215 = tpu.vector_load %arg7[%parallel_loop3A_213, %parallel_loop3A_214] {strides = array<i32>} : memref<32x128xf32, #tpu.memory_space<vmem>>, vector<1x16xf32>,
        %parallel_loop3A_216 = vector.shape_cast %parallel_loop3A_215 : vector<1x16xf32> to vector<16xf32>
        %parallel_loop3A_217 = arith.index_cast %parallel_loop3A_212 : i32 to index
        %parallel_loop3A_218 = arith.constant 16 : index
        %parallel_loop3A_219 = tpu.vector_load %arg9[%parallel_loop3A_217, %parallel_loop3A_218] {strides = array<i32>} : memref<128x32xf32, #tpu.memory_space<vmem>>, vector<1x16xf32>,
        %parallel_loop3A_220 = vector.shape_cast %parallel_loop3A_219 : vector<1x16xf32> to vector<16xf32>
        %parallel_loop3A_221 = vector.shape_cast %parallel_loop3A_216 : vector<16xf32> to vector<1x16xf32>
        tpu.vector_store %arg9[%parallel_loop3A_217, %parallel_loop3A_218], %parallel_loop3A_221 {strides = array<i32>} : memref<128x32xf32, #tpu.memory_space<vmem>>, vector<1x16xf32>,
        %parallel_loop3A_222 = arith.constant 4 : i32
        %parallel_loop3A_223 = arith.muli %parallel_loop3A_143, %parallel_loop3A_222 : i32
        %parallel_loop3A_224 = arith.constant 3 : i32
        %parallel_loop3A_225 = arith.addi %parallel_loop3A_223, %parallel_loop3A_224 : i32
        %parallel_loop3A_226 = arith.index_cast %parallel_loop3A_143 : i32 to index
        %parallel_loop3A_227 = arith.constant 96 : index
        %parallel_loop3A_228 = tpu.vector_load %arg7[%parallel_loop3A_226, %parallel_loop3A_227] {strides = array<i32>} : memref<32x128xf32, #tpu.memory_space<vmem>>, vector<1x16xf32>,
        %parallel_loop3A_229 = vector.shape_cast %parallel_loop3A_228 : vector<1x16xf32> to vector<16xf32>
        %parallel_loop3A_230 = arith.index_cast %parallel_loop3A_225 : i32 to index
        %parallel_loop3A_231 = arith.constant 0 : index
        %parallel_loop3A_232 = tpu.vector_load %arg9[%parallel_loop3A_230, %parallel_loop3A_231] {strides = array<i32>} : memref<128x32xf32, #tpu.memory_space<vmem>>, vector<1x16xf32>,
        %parallel_loop3A_233 = vector.shape_cast %parallel_loop3A_232 : vector<1x16xf32> to vector<16xf32>
        %parallel_loop3A_234 = vector.shape_cast %parallel_loop3A_229 : vector<16xf32> to vector<1x16xf32>
        tpu.vector_store %arg9[%parallel_loop3A_230, %parallel_loop3A_231], %parallel_loop3A_234 {strides = array<i32>} : memref<128x32xf32, #tpu.memory_space<vmem>>, vector<1x16xf32>,
        %parallel_loop3A_235 = arith.constant 4 : i32
        %parallel_loop3A_236 = arith.muli %parallel_loop3A_143, %parallel_loop3A_235 : i32
        %parallel_loop3A_237 = arith.constant 3 : i32
        %parallel_loop3A_238 = arith.addi %parallel_loop3A_236, %parallel_loop3A_237 : i32
        %parallel_loop3A_239 = arith.index_cast %parallel_loop3A_143 : i32 to index
        %parallel_loop3A_240 = arith.constant 112 : index
        %parallel_loop3A_241 = tpu.vector_load %arg7[%parallel_loop3A_239, %parallel_loop3A_240] {strides = array<i32>} : memref<32x128xf32, #tpu.memory_space<vmem>>, vector<1x16xf32>,
        %parallel_loop3A_242 = vector.shape_cast %parallel_loop3A_241 : vector<1x16xf32> to vector<16xf32>
        %parallel_loop3A_243 = arith.index_cast %parallel_loop3A_238 : i32 to index
        %parallel_loop3A_244 = arith.constant 16 : index
        %parallel_loop3A_245 = tpu.vector_load %arg9[%parallel_loop3A_243, %parallel_loop3A_244] {strides = array<i32>} : memref<128x32xf32, #tpu.memory_space<vmem>>, vector<1x16xf32>,
        %parallel_loop3A_246 = vector.shape_cast %parallel_loop3A_245 : vector<1x16xf32> to vector<16xf32>
        %parallel_loop3A_247 = vector.shape_cast %parallel_loop3A_242 : vector<16xf32> to vector<1x16xf32>
        tpu.vector_store %arg9[%parallel_loop3A_243, %parallel_loop3A_244], %parallel_loop3A_247 {strides = array<i32>} : memref<128x32xf32, #tpu.memory_space<vmem>>, vector<1x16xf32>,
      } {sc.loop_unroll_factor = 8 : i64, sc.parallel_access}
      %dma_start3A_93 = arith.constant 0 : i32
      %dma_start3A_94 = tpu.memref_slice %arg6[%add3A_81, %dma_start3A_93] : memref<80x128xi32, #tpu.memory_space<vmem>> -> memref<1x128xi32, #tpu.memory_space<vmem>>
      %dma_start3A_95 = tpu.memref_squeeze %dma_start3A_94 : memref<1x128xi32, #tpu.memory_space<vmem>> -> memref<128xi32, #tpu.memory_space<vmem>>
      %dma_start3A_96 = arith.constant 0 : i32
      %dma_start3A_97 = arith.constant 0 : i32
      %dma_start3A_98 = tpu.memref_slice %arg14[%dma_start3A_96, %dma_start3A_97] : memref<10240x32xf32, #tpu.memory_space<vmem_shared>> -> memref<10240x32xf32, #tpu.memory_space<vmem_shared>>
      tpu.enqueue_indirect_dma source(%arg9 : memref<128x32xf32, #tpu.memory_space<vmem>>) target(%dma_start3A_98 : memref<10240x32xf32, #tpu.memory_space<vmem_shared>>) offsets(%dma_start3A_95 : memref<128xi32, #tpu.memory_space<vmem>>) semaphore(%arg18 : memref<!tpu.dma_semaphore, #tpu.memory_space<semaphore_mem>>) {add = true}
      %dma_start3A_99 = arith.constant 0 : i32
      %dma_start3A_100 = tpu.memref_slice %arg6[%add3A_81, %dma_start3A_99] : memref<80x128xi32, #tpu.memory_space<vmem>> -> memref<1x128xi32, #tpu.memory_space<vmem>>
      %dma_start3A_101 = tpu.memref_squeeze %dma_start3A_100 : memref<1x128xi32, #tpu.memory_space<vmem>> -> memref<128xi32, #tpu.memory_space<vmem>>
      %dma_start3A_102 = arith.constant 0 : i32
      %dma_start3A_103 = tpu.memref_slice %arg15[%dma_start3A_102] : memref<10240xf32, #tpu.memory_space<vmem_shared>> -> memref<10240xf32, #tpu.memory_space<vmem_shared>>
      tpu.enqueue_indirect_dma source(%arg12 : memref<128xf32, #tpu.memory_space<vmem>>) target(%dma_start3A_103 : memref<10240xf32, #tpu.memory_space<vmem_shared>>) offsets(%dma_start3A_101 : memref<128xi32, #tpu.memory_space<vmem>>) semaphore(%arg20 : memref<!tpu.dma_semaphore, #tpu.memory_space<semaphore_mem>>) {add = true}
      %lt3A = arith.constant 39 : i32
      %lt3A_104 = arith.cmpi slt, %scan3A_77, %lt3A : i32
      %convert_element_type3A_105 = arith.extui %lt3A_104 : i1 to i32
      %cond3A_106 = arith.constant 0 : i32
      %cond3A_107 = arith.cmpi ne, %convert_element_type3A_105, %cond3A_106 : i32
      scf.if %cond3A_107 {
        %add3A_143 = arith.addi %mul3A_2, %add3A_81 : i32
        %add3A_144 = arith.constant 2 : i32
        %add3A_145 = arith.addi %add3A_143, %add3A_144 : i32
        %mul3A_146 = arith.constant 32 : i32
        %mul3A_147 = arith.muli %add3A_145, %mul3A_146 : i32
        %dma_start3A_148 = arith.constant 0 : i32
        %dma_start3A_149 = tpu.memref_slice %arg3[%mul3A_147, %dma_start3A_148] : memref<81920x128xf32, #tpu.memory_space<hbm>> -> memref<32x128xf32, #tpu.memory_space<hbm>>
        %dma_start3A_150 = arith.constant 0 : i32
        %dma_start3A_151 = tpu.memref_slice %arg3[%mul3A_147, %dma_start3A_150] : memref<81920x128xf32, #tpu.memory_space<hbm>> -> memref<32x128xf32, #tpu.memory_space<hbm>>
        tpu.enqueue_dma source(%dma_start3A_151 : memref<32x128xf32, #tpu.memory_space<hbm>>) target(%arg7 : memref<32x128xf32, #tpu.memory_space<vmem>>) target_semaphore(%arg16 : memref<!tpu.dma_semaphore, #tpu.memory_space<semaphore_mem>>)
      } else {
      }
      %mul3A_108 = arith.constant 2 : i32
      %mul3A_109 = arith.muli %scan3A_77, %mul3A_108 : i32
      %add3A_110 = arith.constant 1 : i32
      %add3A_111 = arith.addi %mul3A_109, %add3A_110 : i32
      %add3A_112 = arith.addi %mul3A_2, %add3A_111 : i32
      %mul3A_113 = arith.constant 32 : i32
      %mul3A_114 = arith.muli %add3A_112, %mul3A_113 : i32
      %dma_wait3A_115 = arith.constant 0 : i32
      %dma_wait3A_116 = tpu.memref_slice %arg3[%mul3A_114, %dma_wait3A_115] : memref<81920x128xf32, #tpu.memory_space<hbm>> -> memref<32x128xf32, #tpu.memory_space<hbm>>
      %dma_wait3A_117 = arith.constant 0 : i32
      %dma_wait3A_118 = tpu.memref_slice %arg3[%mul3A_114, %dma_wait3A_117] : memref<81920x128xf32, #tpu.memory_space<hbm>> -> memref<32x128xf32, #tpu.memory_space<hbm>>
      tpu.wait_dma2 semaphore(%arg17 : memref<!tpu.dma_semaphore, #tpu.memory_space<semaphore_mem>>) src(%dma_wait3A_118 : memref<32x128xf32, #tpu.memory_space<hbm>>) dst(%arg8 : memref<32x128xf32, #tpu.memory_space<vmem>>)
      %gt3A_119 = arith.constant 0 : i32
      %gt3A_120 = arith.cmpi sgt, %scan3A_77, %gt3A_119 : i32
      %convert_element_type3A_121 = arith.extui %gt3A_120 : i1 to i32
      %cond3A_122 = arith.constant 0 : i32
      %cond3A_123 = arith.cmpi ne, %convert_element_type3A_121, %cond3A_122 : i32
      scf.if %cond3A_123 {
        %sub3A = arith.constant 2 : i32
        %sub3A_143 = arith.subi %add3A_111, %sub3A : i32
        %dma_wait3A_144 = arith.constant 0 : i32
        %dma_wait3A_145 = tpu.memref_slice %arg6[%sub3A_143, %dma_wait3A_144] : memref<80x128xi32, #tpu.memory_space<vmem>> -> memref<1x128xi32, #tpu.memory_space<vmem>>
        %dma_wait3A_146 = tpu.memref_squeeze %dma_wait3A_145 : memref<1x128xi32, #tpu.memory_space<vmem>> -> memref<128xi32, #tpu.memory_space<vmem>>
        %dma_wait3A_147 = arith.constant 0 : i32
        %dma_wait3A_148 = arith.constant 0 : i32
        %dma_wait3A_149 = tpu.memref_slice %arg14[%dma_wait3A_147, %dma_wait3A_148] : memref<10240x32xf32, #tpu.memory_space<vmem_shared>> -> memref<10240x32xf32, #tpu.memory_space<vmem_shared>>
        tpu.wait_indirect_dma semaphore(%arg19 : memref<!tpu.dma_semaphore, #tpu.memory_space<semaphore_mem>>) src(%arg10 : memref<128x32xf32, #tpu.memory_space<vmem>>) dst(%dma_wait3A_149 : memref<10240x32xf32, #tpu.memory_space<vmem_shared>>)
        %sub3A_150 = arith.constant 2 : i32
        %sub3A_151 = arith.subi %add3A_111, %sub3A_150 : i32
        %dma_wait3A_152 = arith.constant 0 : i32
        %dma_wait3A_153 = tpu.memref_slice %arg6[%sub3A_151, %dma_wait3A_152] : memref<80x128xi32, #tpu.memory_space<vmem>> -> memref<1x128xi32, #tpu.memory_space<vmem>>
        %dma_wait3A_154 = tpu.memref_squeeze %dma_wait3A_153 : memref<1x128xi32, #tpu.memory_space<vmem>> -> memref<128xi32, #tpu.memory_space<vmem>>
        %dma_wait3A_155 = arith.constant 0 : i32
        %dma_wait3A_156 = tpu.memref_slice %arg15[%dma_wait3A_155] : memref<10240xf32, #tpu.memory_space<vmem_shared>> -> memref<10240xf32, #tpu.memory_space<vmem_shared>>
        tpu.wait_indirect_dma semaphore(%arg21 : memref<!tpu.dma_semaphore, #tpu.memory_space<semaphore_mem>>) src(%arg12 : memref<128xf32, #tpu.memory_space<vmem>>) dst(%dma_wait3A_156 : memref<10240xf32, #tpu.memory_space<vmem_shared>>)
      } else {
      }
      %parallel_loop3A_124 = arith.constant 0 : i32
      %parallel_loop3A_125 = arith.constant 32 : i32
      %parallel_loop3A_126 = arith.constant 1 : i32
      scf.for %parallel_loop3A_143 = %parallel_loop3A_124 to %parallel_loop3A_125 step %parallel_loop3A_126  : i32 {
        %parallel_loop3A_144 = arith.constant 4 : i32
        %parallel_loop3A_145 = arith.muli %parallel_loop3A_143, %parallel_loop3A_144 : i32
        %parallel_loop3A_146 = arith.constant 0 : i32
        %parallel_loop3A_147 = arith.addi %parallel_loop3A_145, %parallel_loop3A_146 : i32
        %parallel_loop3A_148 = arith.index_cast %parallel_loop3A_143 : i32 to index
        %parallel_loop3A_149 = arith.constant 0 : index
        %parallel_loop3A_150 = tpu.vector_load %arg8[%parallel_loop3A_148, %parallel_loop3A_149] {strides = array<i32>} : memref<32x128xf32, #tpu.memory_space<vmem>>, vector<1x16xf32>,
        %parallel_loop3A_151 = vector.shape_cast %parallel_loop3A_150 : vector<1x16xf32> to vector<16xf32>
        %parallel_loop3A_152 = arith.index_cast %parallel_loop3A_147 : i32 to index
        %parallel_loop3A_153 = arith.constant 0 : index
        %parallel_loop3A_154 = tpu.vector_load %arg10[%parallel_loop3A_152, %parallel_loop3A_153] {strides = array<i32>} : memref<128x32xf32, #tpu.memory_space<vmem>>, vector<1x16xf32>,
        %parallel_loop3A_155 = vector.shape_cast %parallel_loop3A_154 : vector<1x16xf32> to vector<16xf32>
        %parallel_loop3A_156 = vector.shape_cast %parallel_loop3A_151 : vector<16xf32> to vector<1x16xf32>
        tpu.vector_store %arg10[%parallel_loop3A_152, %parallel_loop3A_153], %parallel_loop3A_156 {strides = array<i32>} : memref<128x32xf32, #tpu.memory_space<vmem>>, vector<1x16xf32>,
        %parallel_loop3A_157 = arith.constant 4 : i32
        %parallel_loop3A_158 = arith.muli %parallel_loop3A_143, %parallel_loop3A_157 : i32
        %parallel_loop3A_159 = arith.constant 0 : i32
        %parallel_loop3A_160 = arith.addi %parallel_loop3A_158, %parallel_loop3A_159 : i32
        %parallel_loop3A_161 = arith.index_cast %parallel_loop3A_143 : i32 to index
        %parallel_loop3A_162 = arith.constant 16 : index
        %parallel_loop3A_163 = tpu.vector_load %arg8[%parallel_loop3A_161, %parallel_loop3A_162] {strides = array<i32>} : memref<32x128xf32, #tpu.memory_space<vmem>>, vector<1x16xf32>,
        %parallel_loop3A_164 = vector.shape_cast %parallel_loop3A_163 : vector<1x16xf32> to vector<16xf32>
        %parallel_loop3A_165 = arith.index_cast %parallel_loop3A_160 : i32 to index
        %parallel_loop3A_166 = arith.constant 16 : index
        %parallel_loop3A_167 = tpu.vector_load %arg10[%parallel_loop3A_165, %parallel_loop3A_166] {strides = array<i32>} : memref<128x32xf32, #tpu.memory_space<vmem>>, vector<1x16xf32>,
        %parallel_loop3A_168 = vector.shape_cast %parallel_loop3A_167 : vector<1x16xf32> to vector<16xf32>
        %parallel_loop3A_169 = vector.shape_cast %parallel_loop3A_164 : vector<16xf32> to vector<1x16xf32>
        tpu.vector_store %arg10[%parallel_loop3A_165, %parallel_loop3A_166], %parallel_loop3A_169 {strides = array<i32>} : memref<128x32xf32, #tpu.memory_space<vmem>>, vector<1x16xf32>,
        %parallel_loop3A_170 = arith.constant 4 : i32
        %parallel_loop3A_171 = arith.muli %parallel_loop3A_143, %parallel_loop3A_170 : i32
        %parallel_loop3A_172 = arith.constant 1 : i32
        %parallel_loop3A_173 = arith.addi %parallel_loop3A_171, %parallel_loop3A_172 : i32
        %parallel_loop3A_174 = arith.index_cast %parallel_loop3A_143 : i32 to index
        %parallel_loop3A_175 = arith.constant 32 : index
        %parallel_loop3A_176 = tpu.vector_load %arg8[%parallel_loop3A_174, %parallel_loop3A_175] {strides = array<i32>} : memref<32x128xf32, #tpu.memory_space<vmem>>, vector<1x16xf32>,
        %parallel_loop3A_177 = vector.shape_cast %parallel_loop3A_176 : vector<1x16xf32> to vector<16xf32>
        %parallel_loop3A_178 = arith.index_cast %parallel_loop3A_173 : i32 to index
        %parallel_loop3A_179 = arith.constant 0 : index
        %parallel_loop3A_180 = tpu.vector_load %arg10[%parallel_loop3A_178, %parallel_loop3A_179] {strides = array<i32>} : memref<128x32xf32, #tpu.memory_space<vmem>>, vector<1x16xf32>,
        %parallel_loop3A_181 = vector.shape_cast %parallel_loop3A_180 : vector<1x16xf32> to vector<16xf32>
        %parallel_loop3A_182 = vector.shape_cast %parallel_loop3A_177 : vector<16xf32> to vector<1x16xf32>
        tpu.vector_store %arg10[%parallel_loop3A_178, %parallel_loop3A_179], %parallel_loop3A_182 {strides = array<i32>} : memref<128x32xf32, #tpu.memory_space<vmem>>, vector<1x16xf32>,
        %parallel_loop3A_183 = arith.constant 4 : i32
        %parallel_loop3A_184 = arith.muli %parallel_loop3A_143, %parallel_loop3A_183 : i32
        %parallel_loop3A_185 = arith.constant 1 : i32
        %parallel_loop3A_186 = arith.addi %parallel_loop3A_184, %parallel_loop3A_185 : i32
        %parallel_loop3A_187 = arith.index_cast %parallel_loop3A_143 : i32 to index
        %parallel_loop3A_188 = arith.constant 48 : index
        %parallel_loop3A_189 = tpu.vector_load %arg8[%parallel_loop3A_187, %parallel_loop3A_188] {strides = array<i32>} : memref<32x128xf32, #tpu.memory_space<vmem>>, vector<1x16xf32>,
        %parallel_loop3A_190 = vector.shape_cast %parallel_loop3A_189 : vector<1x16xf32> to vector<16xf32>
        %parallel_loop3A_191 = arith.index_cast %parallel_loop3A_186 : i32 to index
        %parallel_loop3A_192 = arith.constant 16 : index
        %parallel_loop3A_193 = tpu.vector_load %arg10[%parallel_loop3A_191, %parallel_loop3A_192] {strides = array<i32>} : memref<128x32xf32, #tpu.memory_space<vmem>>, vector<1x16xf32>,
        %parallel_loop3A_194 = vector.shape_cast %parallel_loop3A_193 : vector<1x16xf32> to vector<16xf32>
        %parallel_loop3A_195 = vector.shape_cast %parallel_loop3A_190 : vector<16xf32> to vector<1x16xf32>
        tpu.vector_store %arg10[%parallel_loop3A_191, %parallel_loop3A_192], %parallel_loop3A_195 {strides = array<i32>} : memref<128x32xf32, #tpu.memory_space<vmem>>, vector<1x16xf32>,
        %parallel_loop3A_196 = arith.constant 4 : i32
        %parallel_loop3A_197 = arith.muli %parallel_loop3A_143, %parallel_loop3A_196 : i32
        %parallel_loop3A_198 = arith.constant 2 : i32
        %parallel_loop3A_199 = arith.addi %parallel_loop3A_197, %parallel_loop3A_198 : i32
        %parallel_loop3A_200 = arith.index_cast %parallel_loop3A_143 : i32 to index
        %parallel_loop3A_201 = arith.constant 64 : index
        %parallel_loop3A_202 = tpu.vector_load %arg8[%parallel_loop3A_200, %parallel_loop3A_201] {strides = array<i32>} : memref<32x128xf32, #tpu.memory_space<vmem>>, vector<1x16xf32>,
        %parallel_loop3A_203 = vector.shape_cast %parallel_loop3A_202 : vector<1x16xf32> to vector<16xf32>
        %parallel_loop3A_204 = arith.index_cast %parallel_loop3A_199 : i32 to index
        %parallel_loop3A_205 = arith.constant 0 : index
        %parallel_loop3A_206 = tpu.vector_load %arg10[%parallel_loop3A_204, %parallel_loop3A_205] {strides = array<i32>} : memref<128x32xf32, #tpu.memory_space<vmem>>, vector<1x16xf32>,
        %parallel_loop3A_207 = vector.shape_cast %parallel_loop3A_206 : vector<1x16xf32> to vector<16xf32>
        %parallel_loop3A_208 = vector.shape_cast %parallel_loop3A_203 : vector<16xf32> to vector<1x16xf32>
        tpu.vector_store %arg10[%parallel_loop3A_204, %parallel_loop3A_205], %parallel_loop3A_208 {strides = array<i32>} : memref<128x32xf32, #tpu.memory_space<vmem>>, vector<1x16xf32>,
        %parallel_loop3A_209 = arith.constant 4 : i32
        %parallel_loop3A_210 = arith.muli %parallel_loop3A_143, %parallel_loop3A_209 : i32
        %parallel_loop3A_211 = arith.constant 2 : i32
        %parallel_loop3A_212 = arith.addi %parallel_loop3A_210, %parallel_loop3A_211 : i32
        %parallel_loop3A_213 = arith.index_cast %parallel_loop3A_143 : i32 to index
        %parallel_loop3A_214 = arith.constant 80 : index
        %parallel_loop3A_215 = tpu.vector_load %arg8[%parallel_loop3A_213, %parallel_loop3A_214] {strides = array<i32>} : memref<32x128xf32, #tpu.memory_space<vmem>>, vector<1x16xf32>,
        %parallel_loop3A_216 = vector.shape_cast %parallel_loop3A_215 : vector<1x16xf32> to vector<16xf32>
        %parallel_loop3A_217 = arith.index_cast %parallel_loop3A_212 : i32 to index
        %parallel_loop3A_218 = arith.constant 16 : index
        %parallel_loop3A_219 = tpu.vector_load %arg10[%parallel_loop3A_217, %parallel_loop3A_218] {strides = array<i32>} : memref<128x32xf32, #tpu.memory_space<vmem>>, vector<1x16xf32>,
        %parallel_loop3A_220 = vector.shape_cast %parallel_loop3A_219 : vector<1x16xf32> to vector<16xf32>
        %parallel_loop3A_221 = vector.shape_cast %parallel_loop3A_216 : vector<16xf32> to vector<1x16xf32>
        tpu.vector_store %arg10[%parallel_loop3A_217, %parallel_loop3A_218], %parallel_loop3A_221 {strides = array<i32>} : memref<128x32xf32, #tpu.memory_space<vmem>>, vector<1x16xf32>,
        %parallel_loop3A_222 = arith.constant 4 : i32
        %parallel_loop3A_223 = arith.muli %parallel_loop3A_143, %parallel_loop3A_222 : i32
        %parallel_loop3A_224 = arith.constant 3 : i32
        %parallel_loop3A_225 = arith.addi %parallel_loop3A_223, %parallel_loop3A_224 : i32
        %parallel_loop3A_226 = arith.index_cast %parallel_loop3A_143 : i32 to index
        %parallel_loop3A_227 = arith.constant 96 : index
        %parallel_loop3A_228 = tpu.vector_load %arg8[%parallel_loop3A_226, %parallel_loop3A_227] {strides = array<i32>} : memref<32x128xf32, #tpu.memory_space<vmem>>, vector<1x16xf32>,
        %parallel_loop3A_229 = vector.shape_cast %parallel_loop3A_228 : vector<1x16xf32> to vector<16xf32>
        %parallel_loop3A_230 = arith.index_cast %parallel_loop3A_225 : i32 to index
        %parallel_loop3A_231 = arith.constant 0 : index
        %parallel_loop3A_232 = tpu.vector_load %arg10[%parallel_loop3A_230, %parallel_loop3A_231] {strides = array<i32>} : memref<128x32xf32, #tpu.memory_space<vmem>>, vector<1x16xf32>,
        %parallel_loop3A_233 = vector.shape_cast %parallel_loop3A_232 : vector<1x16xf32> to vector<16xf32>
        %parallel_loop3A_234 = vector.shape_cast %parallel_loop3A_229 : vector<16xf32> to vector<1x16xf32>
        tpu.vector_store %arg10[%parallel_loop3A_230, %parallel_loop3A_231], %parallel_loop3A_234 {strides = array<i32>} : memref<128x32xf32, #tpu.memory_space<vmem>>, vector<1x16xf32>,
        %parallel_loop3A_235 = arith.constant 4 : i32
        %parallel_loop3A_236 = arith.muli %parallel_loop3A_143, %parallel_loop3A_235 : i32
        %parallel_loop3A_237 = arith.constant 3 : i32
        %parallel_loop3A_238 = arith.addi %parallel_loop3A_236, %parallel_loop3A_237 : i32
        %parallel_loop3A_239 = arith.index_cast %parallel_loop3A_143 : i32 to index
        %parallel_loop3A_240 = arith.constant 112 : index
        %parallel_loop3A_241 = tpu.vector_load %arg8[%parallel_loop3A_239, %parallel_loop3A_240] {strides = array<i32>} : memref<32x128xf32, #tpu.memory_space<vmem>>, vector<1x16xf32>,
        %parallel_loop3A_242 = vector.shape_cast %parallel_loop3A_241 : vector<1x16xf32> to vector<16xf32>
        %parallel_loop3A_243 = arith.index_cast %parallel_loop3A_238 : i32 to index
        %parallel_loop3A_244 = arith.constant 16 : index
        %parallel_loop3A_245 = tpu.vector_load %arg10[%parallel_loop3A_243, %parallel_loop3A_244] {strides = array<i32>} : memref<128x32xf32, #tpu.memory_space<vmem>>, vector<1x16xf32>,
        %parallel_loop3A_246 = vector.shape_cast %parallel_loop3A_245 : vector<1x16xf32> to vector<16xf32>
        %parallel_loop3A_247 = vector.shape_cast %parallel_loop3A_242 : vector<16xf32> to vector<1x16xf32>
        tpu.vector_store %arg10[%parallel_loop3A_243, %parallel_loop3A_244], %parallel_loop3A_247 {strides = array<i32>} : memref<128x32xf32, #tpu.memory_space<vmem>>, vector<1x16xf32>,
      } {sc.loop_unroll_factor = 8 : i64, sc.parallel_access}
      %dma_start3A_127 = arith.constant 0 : i32
      %dma_start3A_128 = tpu.memref_slice %arg6[%add3A_111, %dma_start3A_127] : memref<80x128xi32, #tpu.memory_space<vmem>> -> memref<1x128xi32, #tpu.memory_space<vmem>>
      %dma_start3A_129 = tpu.memref_squeeze %dma_start3A_128 : memref<1x128xi32, #tpu.memory_space<vmem>> -> memref<128xi32, #tpu.memory_space<vmem>>
      %dma_start3A_130 = arith.constant 0 : i32
      %dma_start3A_131 = arith.constant 0 : i32
      %dma_start3A_132 = tpu.memref_slice %arg14[%dma_start3A_130, %dma_start3A_131] : memref<10240x32xf32, #tpu.memory_space<vmem_shared>> -> memref<10240x32xf32, #tpu.memory_space<vmem_shared>>
      tpu.enqueue_indirect_dma source(%arg10 : memref<128x32xf32, #tpu.memory_space<vmem>>) target(%dma_start3A_132 : memref<10240x32xf32, #tpu.memory_space<vmem_shared>>) offsets(%dma_start3A_129 : memref<128xi32, #tpu.memory_space<vmem>>) semaphore(%arg19 : memref<!tpu.dma_semaphore, #tpu.memory_space<semaphore_mem>>) {add = true}
      %dma_start3A_133 = arith.constant 0 : i32
      %dma_start3A_134 = tpu.memref_slice %arg6[%add3A_111, %dma_start3A_133] : memref<80x128xi32, #tpu.memory_space<vmem>> -> memref<1x128xi32, #tpu.memory_space<vmem>>
      %dma_start3A_135 = tpu.memref_squeeze %dma_start3A_134 : memref<1x128xi32, #tpu.memory_space<vmem>> -> memref<128xi32, #tpu.memory_space<vmem>>
      %dma_start3A_136 = arith.constant 0 : i32
      %dma_start3A_137 = tpu.memref_slice %arg15[%dma_start3A_136] : memref<10240xf32, #tpu.memory_space<vmem_shared>> -> memref<10240xf32, #tpu.memory_space<vmem_shared>>
      tpu.enqueue_indirect_dma source(%arg12 : memref<128xf32, #tpu.memory_space<vmem>>) target(%dma_start3A_137 : memref<10240xf32, #tpu.memory_space<vmem_shared>>) offsets(%dma_start3A_135 : memref<128xi32, #tpu.memory_space<vmem>>) semaphore(%arg21 : memref<!tpu.dma_semaphore, #tpu.memory_space<semaphore_mem>>) {add = true}
      %lt3A_138 = arith.constant 39 : i32
      %lt3A_139 = arith.cmpi slt, %scan3A_77, %lt3A_138 : i32
      %convert_element_type3A_140 = arith.extui %lt3A_139 : i1 to i32
      %cond3A_141 = arith.constant 0 : i32
      %cond3A_142 = arith.cmpi ne, %convert_element_type3A_140, %cond3A_141 : i32
      scf.if %cond3A_142 {
        %add3A_143 = arith.addi %mul3A_2, %add3A_111 : i32
        %add3A_144 = arith.constant 2 : i32
        %add3A_145 = arith.addi %add3A_143, %add3A_144 : i32
        %mul3A_146 = arith.constant 32 : i32
        %mul3A_147 = arith.muli %add3A_145, %mul3A_146 : i32
        %dma_start3A_148 = arith.constant 0 : i32
        %dma_start3A_149 = tpu.memref_slice %arg3[%mul3A_147, %dma_start3A_148] : memref<81920x128xf32, #tpu.memory_space<hbm>> -> memref<32x128xf32, #tpu.memory_space<hbm>>
        %dma_start3A_150 = arith.constant 0 : i32
        %dma_start3A_151 = tpu.memref_slice %arg3[%mul3A_147, %dma_start3A_150] : memref<81920x128xf32, #tpu.memory_space<hbm>> -> memref<32x128xf32, #tpu.memory_space<hbm>>
        tpu.enqueue_dma source(%dma_start3A_151 : memref<32x128xf32, #tpu.memory_space<hbm>>) target(%arg8 : memref<32x128xf32, #tpu.memory_space<vmem>>) target_semaphore(%arg17 : memref<!tpu.dma_semaphore, #tpu.memory_space<semaphore_mem>>)
      } else {
      }
    }
    %scan3A_44 = arith.constant 40 : i32
    %dma_wait3A = arith.constant 78 : i32
    %dma_wait3A_45 = arith.constant 0 : i32
    %dma_wait3A_46 = tpu.memref_slice %arg6[%dma_wait3A, %dma_wait3A_45] : memref<80x128xi32, #tpu.memory_space<vmem>> -> memref<1x128xi32, #tpu.memory_space<vmem>>
    %dma_wait3A_47 = tpu.memref_squeeze %dma_wait3A_46 : memref<1x128xi32, #tpu.memory_space<vmem>> -> memref<128xi32, #tpu.memory_space<vmem>>
    %dma_wait3A_48 = arith.constant 0 : i32
    %dma_wait3A_49 = arith.constant 0 : i32
    %dma_wait3A_50 = tpu.memref_slice %arg14[%dma_wait3A_48, %dma_wait3A_49] : memref<10240x32xf32, #tpu.memory_space<vmem_shared>> -> memref<10240x32xf32, #tpu.memory_space<vmem_shared>>
    tpu.wait_indirect_dma semaphore(%arg18 : memref<!tpu.dma_semaphore, #tpu.memory_space<semaphore_mem>>) src(%arg9 : memref<128x32xf32, #tpu.memory_space<vmem>>) dst(%dma_wait3A_50 : memref<10240x32xf32, #tpu.memory_space<vmem_shared>>)
    %dma_wait3A_51 = arith.constant 78 : i32
    %dma_wait3A_52 = arith.constant 0 : i32
    %dma_wait3A_53 = tpu.memref_slice %arg6[%dma_wait3A_51, %dma_wait3A_52] : memref<80x128xi32, #tpu.memory_space<vmem>> -> memref<1x128xi32, #tpu.memory_space<vmem>>
    %dma_wait3A_54 = tpu.memref_squeeze %dma_wait3A_53 : memref<1x128xi32, #tpu.memory_space<vmem>> -> memref<128xi32, #tpu.memory_space<vmem>>
    %dma_wait3A_55 = arith.constant 0 : i32
    %dma_wait3A_56 = tpu.memref_slice %arg15[%dma_wait3A_55] : memref<10240xf32, #tpu.memory_space<vmem_shared>> -> memref<10240xf32, #tpu.memory_space<vmem_shared>>
    tpu.wait_indirect_dma semaphore(%arg20 : memref<!tpu.dma_semaphore, #tpu.memory_space<semaphore_mem>>) src(%arg12 : memref<128xf32, #tpu.memory_space<vmem>>) dst(%dma_wait3A_56 : memref<10240xf32, #tpu.memory_space<vmem_shared>>)
    %dma_wait3A_57 = arith.constant 79 : i32
    %dma_wait3A_58 = arith.constant 0 : i32
    %dma_wait3A_59 = tpu.memref_slice %arg6[%dma_wait3A_57, %dma_wait3A_58] : memref<80x128xi32, #tpu.memory_space<vmem>> -> memref<1x128xi32, #tpu.memory_space<vmem>>
    %dma_wait3A_60 = tpu.memref_squeeze %dma_wait3A_59 : memref<1x128xi32, #tpu.memory_space<vmem>> -> memref<128xi32, #tpu.memory_space<vmem>>
    %dma_wait3A_61 = arith.constant 0 : i32
    %dma_wait3A_62 = arith.constant 0 : i32
    %dma_wait3A_63 = tpu.memref_slice %arg14[%dma_wait3A_61, %dma_wait3A_62] : memref<10240x32xf32, #tpu.memory_space<vmem_shared>> -> memref<10240x32xf32, #tpu.memory_space<vmem_shared>>
    tpu.wait_indirect_dma semaphore(%arg19 : memref<!tpu.dma_semaphore, #tpu.memory_space<semaphore_mem>>) src(%arg10 : memref<128x32xf32, #tpu.memory_space<vmem>>) dst(%dma_wait3A_63 : memref<10240x32xf32, #tpu.memory_space<vmem_shared>>)
    %dma_wait3A_64 = arith.constant 79 : i32
    %dma_wait3A_65 = arith.constant 0 : i32
    %dma_wait3A_66 = tpu.memref_slice %arg6[%dma_wait3A_64, %dma_wait3A_65] : memref<80x128xi32, #tpu.memory_space<vmem>> -> memref<1x128xi32, #tpu.memory_space<vmem>>
    %dma_wait3A_67 = tpu.memref_squeeze %dma_wait3A_66 : memref<1x128xi32, #tpu.memory_space<vmem>> -> memref<128xi32, #tpu.memory_space<vmem>>
    %dma_wait3A_68 = arith.constant 0 : i32
    %dma_wait3A_69 = tpu.memref_slice %arg15[%dma_wait3A_68] : memref<10240xf32, #tpu.memory_space<vmem_shared>> -> memref<10240xf32, #tpu.memory_space<vmem_shared>>
    tpu.wait_indirect_dma semaphore(%arg21 : memref<!tpu.dma_semaphore, #tpu.memory_space<semaphore_mem>>) src(%arg12 : memref<128xf32, #tpu.memory_space<vmem>>) dst(%dma_wait3A_69 : memref<10240xf32, #tpu.memory_space<vmem_shared>>)
    %barrier3A_70 = arith.constant 0 : index
    tpu.barrier barrier_id(%barrier3A_70)
    %scan3A_71 = arith.constant 0 : i32
    %scan3A_72 = arith.constant 0 : i32
    %scan3A_73 = arith.constant 5 : i32
    %scan3A_74 = arith.addi %scan3A_72, %scan3A_73 : i32
    %scan3A_75 = arith.constant 1 : i32
    scf.for %scan3A_77 = %scan3A_72 to %scan3A_74 step %scan3A_75  : i32 {
      %mul3A_78 = arith.constant 128 : i32
      %mul3A_79 = arith.muli %scan3A_77, %mul3A_78 : i32
      %add3A_80 = arith.addi %mul3A_4, %mul3A_79 : i32
      %mul3A_81 = arith.constant 128 : i32
      %mul3A_82 = arith.muli %scan3A_77, %mul3A_81 : i32
      %add3A_83 = arith.addi %mul3A_4, %mul3A_82 : i32
      "tpu.region"() ({
        %run_scoped3A = tpu.sem_alloc : memref<!tpu.dma_semaphore, #tpu.memory_space<semaphore_mem>>
        %dma_start3A_90 = arith.constant 0 : i32
        %dma_start3A_91 = arith.constant 0 : i32
        %dma_start3A_92 = tpu.memref_slice %arg4[%arg0, %dma_start3A_90, %dma_start3A_91] : memref<2x10240x32xf32, #tpu.memory_space<hbm>> -> memref<1x10240x32xf32, #tpu.memory_space<hbm>>
        %dma_start3A_93 = tpu.memref_squeeze %dma_start3A_92 : memref<1x10240x32xf32, #tpu.memory_space<hbm>> -> memref<10240x32xf32, #tpu.memory_space<hbm>>
        %dma_start3A_94 = arith.constant 0 : i32
        %dma_start3A_95 = tpu.memref_slice %dma_start3A_93[%add3A_83, %dma_start3A_94] : memref<10240x32xf32, #tpu.memory_space<hbm>> -> memref<128x32xf32, #tpu.memory_space<hbm>>
        %dma_start3A_96 = arith.constant 0 : i32
        %dma_start3A_97 = tpu.memref_slice %arg14[%add3A_80, %dma_start3A_96] : memref<10240x32xf32, #tpu.memory_space<vmem_shared>> -> memref<128x32xf32, #tpu.memory_space<vmem_shared>>
        tpu.enqueue_dma source(%dma_start3A_97 : memref<128x32xf32, #tpu.memory_space<vmem_shared>>) target(%dma_start3A_95 : memref<128x32xf32, #tpu.memory_space<hbm>>) target_semaphore(%run_scoped3A : memref<!tpu.dma_semaphore, #tpu.memory_space<semaphore_mem>>)
        %dma_wait3A_98 = arith.constant 0 : i32
        %dma_wait3A_99 = arith.constant 0 : i32
        %dma_wait3A_100 = tpu.memref_slice %arg4[%arg0, %dma_wait3A_98, %dma_wait3A_99] : memref<2x10240x32xf32, #tpu.memory_space<hbm>> -> memref<1x10240x32xf32, #tpu.memory_space<hbm>>
        %dma_wait3A_101 = tpu.memref_squeeze %dma_wait3A_100 : memref<1x10240x32xf32, #tpu.memory_space<hbm>> -> memref<10240x32xf32, #tpu.memory_space<hbm>>
        %dma_wait3A_102 = arith.constant 0 : i32
        %dma_wait3A_103 = tpu.memref_slice %dma_wait3A_101[%add3A_83, %dma_wait3A_102] : memref<10240x32xf32, #tpu.memory_space<hbm>> -> memref<128x32xf32, #tpu.memory_space<hbm>>
        %dma_wait3A_104 = arith.constant 0 : i32
        %dma_wait3A_105 = tpu.memref_slice %arg14[%add3A_80, %dma_wait3A_104] : memref<10240x32xf32, #tpu.memory_space<vmem_shared>> -> memref<128x32xf32, #tpu.memory_space<vmem_shared>>
        tpu.wait_dma2 semaphore(%run_scoped3A : memref<!tpu.dma_semaphore, #tpu.memory_space<semaphore_mem>>) src(%dma_wait3A_105 : memref<128x32xf32, #tpu.memory_space<vmem_shared>>) dst(%dma_wait3A_103 : memref<128x32xf32, #tpu.memory_space<hbm>>)
        tpu.yield
      }) : () -> ()
      %mul3A_84 = arith.constant 128 : i32
      %mul3A_85 = arith.muli %scan3A_77, %mul3A_84 : i32
      %add3A_86 = arith.addi %mul3A_4, %mul3A_85 : i32
      %mul3A_87 = arith.constant 128 : i32
      %mul3A_88 = arith.muli %scan3A_77, %mul3A_87 : i32
      %add3A_89 = arith.addi %mul3A_4, %mul3A_88 : i32
      "tpu.region"() ({
        %run_scoped3A = tpu.sem_alloc : memref<!tpu.dma_semaphore, #tpu.memory_space<semaphore_mem>>
        %dma_start3A_90 = arith.constant 0 : i32
        %dma_start3A_91 = tpu.memref_slice %arg5[%arg0, %dma_start3A_90] : memref<2x10240xf32, #tpu.memory_space<hbm>> -> memref<1x10240xf32, #tpu.memory_space<hbm>>
        %dma_start3A_92 = tpu.memref_squeeze %dma_start3A_91 : memref<1x10240xf32, #tpu.memory_space<hbm>> -> memref<10240xf32, #tpu.memory_space<hbm>>
        %dma_start3A_93 = tpu.memref_slice %dma_start3A_92[%add3A_89] : memref<10240xf32, #tpu.memory_space<hbm>> -> memref<128xf32, #tpu.memory_space<hbm>>
        %dma_start3A_94 = tpu.memref_slice %arg15[%add3A_86] : memref<10240xf32, #tpu.memory_space<vmem_shared>> -> memref<128xf32, #tpu.memory_space<vmem_shared>>
        tpu.enqueue_dma source(%dma_start3A_94 : memref<128xf32, #tpu.memory_space<vmem_shared>>) target(%dma_start3A_93 : memref<128xf32, #tpu.memory_space<hbm>>) target_semaphore(%run_scoped3A : memref<!tpu.dma_semaphore, #tpu.memory_space<semaphore_mem>>)
        %dma_wait3A_95 = arith.constant 0 : i32
        %dma_wait3A_96 = tpu.memref_slice %arg5[%arg0, %dma_wait3A_95] : memref<2x10240xf32, #tpu.memory_space<hbm>> -> memref<1x10240xf32, #tpu.memory_space<hbm>>
        %dma_wait3A_97 = tpu.memref_squeeze %dma_wait3A_96 : memref<1x10240xf32, #tpu.memory_space<hbm>> -> memref<10240xf32, #tpu.memory_space<hbm>>
        %dma_wait3A_98 = tpu.memref_slice %dma_wait3A_97[%add3A_89] : memref<10240xf32, #tpu.memory_space<hbm>> -> memref<128xf32, #tpu.memory_space<hbm>>
        %dma_wait3A_99 = tpu.memref_slice %arg15[%add3A_86] : memref<10240xf32, #tpu.memory_space<vmem_shared>> -> memref<128xf32, #tpu.memory_space<vmem_shared>>
        tpu.wait_dma2 semaphore(%run_scoped3A : memref<!tpu.dma_semaphore, #tpu.memory_space<semaphore_mem>>) src(%dma_wait3A_99 : memref<128xf32, #tpu.memory_space<vmem_shared>>) dst(%dma_wait3A_98 : memref<128xf32, #tpu.memory_space<hbm>>)
        tpu.yield
      }) : () -> ()
    }
    %scan3A_76 = arith.constant 5 : i32
    return
  }
}

module attributes {stable_mosaic.version = 14 : i64} {
  func.func @_k1_body(%arg0: memref<10000x128xf32, #tpu.memory_space<vmem>>, %arg1: memref<1x128xf32, #tpu.memory_space<vmem>>, %arg2: memref<1x128xf32, #tpu.memory_space<vmem>>, %arg3: memref<128x32xf32, #tpu.memory_space<vmem>>, %arg4: memref<128x32xf32, #tpu.memory_space<vmem>>, %arg5: memref<10016x32xf32, #tpu.memory_space<vmem>>, %arg6: memref<10016x32xf32, #tpu.memory_space<vmem>>) attributes {dimension_semantics = [], scalar_prefetch = 0 : i64, scratch_operands = 0 : i64, tpu.core_type = #tpu.core_type<tc>} {
    %get3A = arith.constant 0 : index
    %get3A_0 = arith.constant 0 : index
    %get3A_1 = vector.load %arg0[%get3A, %get3A_0] : memref<10000x128xf32, #tpu.memory_space<vmem>>, vector<10000x128xf32>
    %reduce_sum3A = arith.constant dense<0.000000e+00> : vector<128xf32>
    %reduce_sum3A_2 = vector.multi_reduction <add>, %get3A_1, %reduce_sum3A [0] : vector<10000x128xf32> to vector<128xf32>
    %broadcast_in_dim3A = vector.shape_cast %reduce_sum3A_2 : vector<128xf32> to vector<1x128xf32>
    %div3A = arith.constant 1.000000e+04 : f32
    %div3A_3 = vector.broadcast %div3A : f32 to vector<1x128xf32>
    %div3A_4 = arith.divf %broadcast_in_dim3A, %div3A_3 : vector<1x128xf32>
    %sub3A = vector.broadcast %div3A_4 : vector<1x128xf32> to vector<10000x128xf32>
    %sub3A_5 = arith.subf %get3A_1, %sub3A : vector<10000x128xf32>
    %mul3A = arith.mulf %sub3A_5, %sub3A_5 : vector<10000x128xf32>
    %reduce_sum3A_6 = arith.constant dense<0.000000e+00> : vector<128xf32>
    %reduce_sum3A_7 = vector.multi_reduction <add>, %mul3A, %reduce_sum3A_6 [0] : vector<10000x128xf32> to vector<128xf32>
    %broadcast_in_dim3A_8 = vector.shape_cast %reduce_sum3A_7 : vector<128xf32> to vector<1x128xf32>
    %div3A_9 = arith.constant 1.000000e+04 : f32
    %div3A_10 = vector.broadcast %div3A_9 : f32 to vector<1x128xf32>
    %div3A_11 = arith.divf %broadcast_in_dim3A_8, %div3A_10 : vector<1x128xf32>
    %get3A_12 = arith.constant 0 : index
    %get3A_13 = arith.constant 0 : index
    %get3A_14 = vector.load %arg1[%get3A_12, %get3A_13] : memref<1x128xf32, #tpu.memory_space<vmem>>, vector<1x128xf32>
    %add3A = arith.constant 9.99999974E-6 : f32
    %add3A_15 = vector.broadcast %add3A : f32 to vector<1x128xf32>
    %add3A_16 = arith.addf %div3A_11, %add3A_15 : vector<1x128xf32>
    %rsqrt3A = math.rsqrt %add3A_16 : vector<1x128xf32>
    %mul3A_17 = arith.mulf %get3A_14, %rsqrt3A : vector<1x128xf32>
    %mul3A_18 = vector.broadcast %mul3A_17 : vector<1x128xf32> to vector<10000x128xf32>
    %mul3A_19 = arith.mulf %sub3A_5, %mul3A_18 : vector<10000x128xf32>
    %get3A_20 = arith.constant 0 : index
    %get3A_21 = arith.constant 0 : index
    %get3A_22 = vector.load %arg2[%get3A_20, %get3A_21] : memref<1x128xf32, #tpu.memory_space<vmem>>, vector<1x128xf32>
    %add3A_23 = vector.broadcast %get3A_22 : vector<1x128xf32> to vector<10000x128xf32>
    %add3A_24 = arith.addf %mul3A_19, %add3A_23 : vector<10000x128xf32>
    %get3A_25 = arith.constant 0 : index
    %get3A_26 = arith.constant 0 : index
    %get3A_27 = vector.load %arg3[%get3A_25, %get3A_26] : memref<128x32xf32, #tpu.memory_space<vmem>>, vector<128x32xf32>
    %dot_general3A = arith.constant dense<0.000000e+00> : vector<10000x32xf32>
    %dot_general3A_28 = tpu.matmul %add3A_24, %get3A_27, %dot_general3A {dimension_numbers = #tpu.dot_dimension_numbers<[1], [0], [0], [1], [0, 0, 1, 1], [], []>, transpose_lhs_hint = false} : vector<10000x128xf32>, vector<128x32xf32>, vector<10000x32xf32> -> vector<10000x32xf32>
    %swap3A = arith.constant 0 : index
    %swap3A_29 = arith.constant 0 : index
    %swap3A_30 = vector.load %arg5[%swap3A, %swap3A_29] : memref<10016x32xf32, #tpu.memory_space<vmem>>, vector<10000x32xf32>
    tpu.vector_store %arg5[%swap3A, %swap3A_29], %dot_general3A_28 {strides = array<i32>} : memref<10016x32xf32, #tpu.memory_space<vmem>>, vector<10000x32xf32>,
    %get3A_31 = arith.constant 0 : index
    %get3A_32 = arith.constant 0 : index
    %get3A_33 = vector.load %arg4[%get3A_31, %get3A_32] : memref<128x32xf32, #tpu.memory_space<vmem>>, vector<128x32xf32>
    %dot_general3A_34 = arith.constant dense<0.000000e+00> : vector<10000x32xf32>
    %dot_general3A_35 = tpu.matmul %add3A_24, %get3A_33, %dot_general3A_34 {dimension_numbers = #tpu.dot_dimension_numbers<[1], [0], [0], [1], [0, 0, 1, 1], [], []>, transpose_lhs_hint = false} : vector<10000x128xf32>, vector<128x32xf32>, vector<10000x32xf32> -> vector<10000x32xf32>
    %swap3A_36 = arith.constant 0 : index
    %swap3A_37 = arith.constant 0 : index
    %swap3A_38 = vector.load %arg6[%swap3A_36, %swap3A_37] : memref<10016x32xf32, #tpu.memory_space<vmem>>, vector<10000x32xf32>
    tpu.vector_store %arg6[%swap3A_36, %swap3A_37], %dot_general3A_35 {strides = array<i32>} : memref<10016x32xf32, #tpu.memory_space<vmem>>, vector<10000x32xf32>,
    %broadcast_in_dim3A_39 = arith.constant 0.000000e+00 : f32
    %broadcast_in_dim3A_40 = vector.broadcast %broadcast_in_dim3A_39 : f32 to vector<16x32xf32>
    %swap3A_41 = arith.constant 10000 : index
    %swap3A_42 = arith.constant 0 : index
    %swap3A_43 = vector.load %arg5[%swap3A_41, %swap3A_42] : memref<10016x32xf32, #tpu.memory_space<vmem>>, vector<16x32xf32>
    tpu.vector_store %arg5[%swap3A_41, %swap3A_42], %broadcast_in_dim3A_40 {strides = array<i32>} : memref<10016x32xf32, #tpu.memory_space<vmem>>, vector<16x32xf32>,
    %swap3A_44 = arith.constant 10000 : index
    %swap3A_45 = arith.constant 0 : index
    %swap3A_46 = vector.load %arg6[%swap3A_44, %swap3A_45] : memref<10016x32xf32, #tpu.memory_space<vmem>>, vector<16x32xf32>
    tpu.vector_store %arg6[%swap3A_44, %swap3A_45], %broadcast_in_dim3A_40 {strides = array<i32>} : memref<10016x32xf32, #tpu.memory_space<vmem>>, vector<16x32xf32>,
    return
  }
}

module attributes {stable_mosaic.version = 14 : i64} {
  func.func @_k3_body(%arg0: i32, %arg1: memref<16384x128xf32, #tpu.memory_space<vmem>>, %arg2: memref<128x128xf32, #tpu.memory_space<vmem>>, %arg3: memref<1x128xf32, #tpu.memory_space<vmem>>, %arg4: memref<1x128xf32, #tpu.memory_space<vmem>>, %arg5: memref<16384x128xf32, #tpu.memory_space<vmem>>) attributes {dimension_semantics = [#tpu.dimension_semantics<arbitrary>], iteration_bounds = array<i64: 5>, scalar_prefetch = 0 : i64, scratch_operands = 0 : i64, tpu.core_type = #tpu.core_type<tc>, window_params = [{transform_indices = @transform_0, window_bounds = array<i64: 16384, 128>}, {pipeline_mode = #tpu.pipeline_mode<synchronous>, transform_indices = @transform_1, window_bounds = array<i64: 128, 128>}, {pipeline_mode = #tpu.pipeline_mode<synchronous>, transform_indices = @transform_2, window_bounds = array<i64: 1, 128>}, {pipeline_mode = #tpu.pipeline_mode<synchronous>, transform_indices = @transform_3, window_bounds = array<i64: 1, 128>}, {transform_indices = @transform_4, window_bounds = array<i64: 16384, 128>}]} {
    %get3A = arith.constant 0 : index
    %get3A_0 = arith.constant 0 : index
    %get3A_1 = vector.load %arg1[%get3A, %get3A_0] : memref<16384x128xf32, #tpu.memory_space<vmem>>, vector<16384x128xf32>
    %get3A_2 = arith.constant 0 : index
    %get3A_3 = arith.constant 0 : index
    %get3A_4 = vector.load %arg3[%get3A_2, %get3A_3] : memref<1x128xf32, #tpu.memory_space<vmem>>, vector<1x128xf32>
    %add3A = vector.broadcast %get3A_4 : vector<1x128xf32> to vector<16384x128xf32>
    %add3A_5 = arith.addf %get3A_1, %add3A : vector<16384x128xf32>
    %max3A = arith.constant 0.000000e+00 : f32
    %max3A_6 = vector.broadcast %max3A : f32 to vector<16384x128xf32>
    %max3A_7 = arith.maximumf %add3A_5, %max3A_6 : vector<16384x128xf32>
    %get3A_8 = arith.constant 0 : index
    %get3A_9 = arith.constant 0 : index
    %get3A_10 = vector.load %arg2[%get3A_8, %get3A_9] : memref<128x128xf32, #tpu.memory_space<vmem>>, vector<128x128xf32>
    %dot_general3A = arith.constant dense<0.000000e+00> : vector<16384x128xf32>
    %dot_general3A_11 = tpu.matmul %max3A_7, %get3A_10, %dot_general3A {dimension_numbers = #tpu.dot_dimension_numbers<[1], [0], [0], [1], [0, 0, 1, 1], [], []>, transpose_lhs_hint = false} : vector<16384x128xf32>, vector<128x128xf32>, vector<16384x128xf32> -> vector<16384x128xf32>
    %get3A_12 = arith.constant 0 : index
    %get3A_13 = arith.constant 0 : index
    %get3A_14 = vector.load %arg4[%get3A_12, %get3A_13] : memref<1x128xf32, #tpu.memory_space<vmem>>, vector<1x128xf32>
    %add3A_15 = vector.broadcast %get3A_14 : vector<1x128xf32> to vector<16384x128xf32>
    %add3A_16 = arith.addf %dot_general3A_11, %add3A_15 : vector<16384x128xf32>
    %max3A_17 = arith.constant 0.000000e+00 : f32
    %max3A_18 = vector.broadcast %max3A_17 : f32 to vector<16384x128xf32>
    %max3A_19 = arith.maximumf %add3A_16, %max3A_18 : vector<16384x128xf32>
    %swap3A = arith.constant 0 : index
    %swap3A_20 = arith.constant 0 : index
    %swap3A_21 = vector.load %arg5[%swap3A, %swap3A_20] : memref<16384x128xf32, #tpu.memory_space<vmem>>, vector<16384x128xf32>
    tpu.vector_store %arg5[%swap3A, %swap3A_20], %max3A_19 {strides = array<i32>} : memref<16384x128xf32, #tpu.memory_space<vmem>>, vector<16384x128xf32>,
    return
  }
  func.func @transform_0(%arg0: i32) -> (i32, i32) {
    %c0_i32 = arith.constant 0 : i32
    %c0_i32_0 = arith.constant 0 : i32
    return %arg0, %c0_i32 : i32, i32
  }
  func.func @transform_1(%arg0: i32) -> (i32, i32) {
    %c0_i32 = arith.constant 0 : i32
    %c0_i32_0 = arith.constant 0 : i32
    %c0_i32_1 = arith.constant 0 : i32
    return %c0_i32, %c0_i32_0 : i32, i32
  }
  func.func @transform_2(%arg0: i32) -> (i32, i32) {
    %c0_i32 = arith.constant 0 : i32
    %c0_i32_0 = arith.constant 0 : i32
    %c0_i32_1 = arith.constant 0 : i32
    return %c0_i32, %c0_i32_0 : i32, i32
  }
  func.func @transform_3(%arg0: i32) -> (i32, i32) {
    %c0_i32 = arith.constant 0 : i32
    %c0_i32_0 = arith.constant 0 : i32
    %c0_i32_1 = arith.constant 0 : i32
    return %c0_i32, %c0_i32_0 : i32, i32
  }
  func.func @transform_4(%arg0: i32) -> (i32, i32) {
    %c0_i32 = arith.constant 0 : i32
    %c0_i32_0 = arith.constant 0 : i32
    return %arg0, %c0_i32 : i32, i32
  }
}

module attributes {stable_mosaic.version = 14 : i64} {
  func.func @_k5_body(%arg0: memref<2x10240x32xf32, #tpu.memory_space<vmem>>, %arg1: memref<2x10240xf32, #tpu.memory_space<vmem>>, %arg2: memref<1x10000xi32, #tpu.memory_space<vmem>>, %arg3: memref<8x2xf32, #tpu.memory_space<vmem>>, %arg4: memref<1x2xf32, #tpu.memory_space<vmem>>, %arg5: memref<1x2xf32, #tpu.memory_space<vmem>>, %arg6: memref<32x32xf32, #tpu.memory_space<vmem>>, %arg7: memref<1x32xf32, #tpu.memory_space<vmem>>, %arg8: memref<34x128xf32, #tpu.memory_space<vmem>>, %arg9: memref<1x128xf32, #tpu.memory_space<vmem>>, %arg10: memref<128x128xf32, #tpu.memory_space<vmem>>, %arg11: memref<1x128xf32, #tpu.memory_space<vmem>>, %arg12: memref<128x1xf32, #tpu.memory_space<vmem>>, %arg13: memref<1x1xf32, #tpu.memory_space<vmem>>, %arg14: memref<8x1xf32, #tpu.memory_space<vmem>>) attributes {dimension_semantics = [], scalar_prefetch = 0 : i64, scratch_operands = 0 : i64, tpu.core_type = #tpu.core_type<tc>} {
    %get3A = arith.constant 0 : index
    %get3A_0 = arith.constant 0 : index
    %get3A_1 = arith.constant 0 : index
    %get3A_2 = vector.load %arg0[%get3A, %get3A_0, %get3A_1] : memref<2x10240x32xf32, #tpu.memory_space<vmem>>, vector<2x10240x32xf32>
    %slice3A = vector.extract_strided_slice %get3A_2 {offsets = [0, 0, 0], sizes = [1, 10240, 32], strides = [1, 1, 1]} : vector<2x10240x32xf32> to vector<1x10240x32xf32>
    %squeeze3A = vector.shape_cast %slice3A : vector<1x10240x32xf32> to vector<10240x32xf32>
    %slice3A_3 = vector.extract_strided_slice %get3A_2 {offsets = [1, 0, 0], sizes = [1, 10240, 32], strides = [1, 1, 1]} : vector<2x10240x32xf32> to vector<1x10240x32xf32>
    %squeeze3A_4 = vector.shape_cast %slice3A_3 : vector<1x10240x32xf32> to vector<10240x32xf32>
    %add3A = arith.addf %squeeze3A, %squeeze3A_4 : vector<10240x32xf32>
    %slice3A_5 = vector.extract_strided_slice %add3A {offsets = [0, 0], sizes = [10000, 32], strides = [1, 1]} : vector<10240x32xf32> to vector<10000x32xf32>
    %get3A_6 = arith.constant 0 : index
    %get3A_7 = arith.constant 0 : index
    %get3A_8 = vector.load %arg6[%get3A_6, %get3A_7] : memref<32x32xf32, #tpu.memory_space<vmem>>, vector<32x32xf32>
    %dot_general3A = arith.constant dense<0.000000e+00> : vector<10000x32xf32>
    %dot_general3A_9 = tpu.matmul %slice3A_5, %get3A_8, %dot_general3A {dimension_numbers = #tpu.dot_dimension_numbers<[1], [0], [0], [1], [0, 0, 1, 1], [], []>, transpose_lhs_hint = false} : vector<10000x32xf32>, vector<32x32xf32>, vector<10000x32xf32> -> vector<10000x32xf32>
    %get3A_10 = arith.constant 0 : index
    %get3A_11 = arith.constant 0 : index
    %get3A_12 = vector.load %arg1[%get3A_10, %get3A_11] : memref<2x10240xf32, #tpu.memory_space<vmem>>, vector<2x10240xf32>
    %slice3A_13 = vector.extract_strided_slice %get3A_12 {offsets = [0, 0], sizes = [1, 10000], strides = [1, 1]} : vector<2x10240xf32> to vector<1x10000xf32>
    %slice3A_14 = vector.extract_strided_slice %get3A_12 {offsets = [1, 0], sizes = [1, 10000], strides = [1, 1]} : vector<2x10240xf32> to vector<1x10000xf32>
    %add3A_15 = arith.addf %slice3A_13, %slice3A_14 : vector<1x10000xf32>
    %max3A = arith.constant 1.000000e+00 : f32
    %max3A_16 = vector.broadcast %max3A : f32 to vector<1x10000xf32>
    %max3A_17 = arith.maximumf %add3A_15, %max3A_16 : vector<1x10000xf32>
    %div3A = arith.constant 1.000000e+00 : f32
    %div3A_18 = vector.broadcast %div3A : f32 to vector<1x10000xf32>
    %div3A_19 = arith.divf %div3A_18, %max3A_17 : vector<1x10000xf32>
    %gt3A = arith.constant 0.000000e+00 : f32
    %gt3A_20 = vector.broadcast %gt3A : f32 to vector<1x10000xf32>
    %gt3A_21 = arith.cmpf ogt, %add3A_15, %gt3A_20 : vector<1x10000xf32>
    %convert_element_type3A = arith.extui %gt3A_21 : vector<1x10000xi1> to vector<1x10000xi32>
    %convert_element_type3A_22 = arith.sitofp %convert_element_type3A : vector<1x10000xi32> to vector<1x10000xf32>
    %get3A_23 = arith.constant 0 : index
    %get3A_24 = arith.constant 0 : index
    %get3A_25 = vector.load %arg2[%get3A_23, %get3A_24] : memref<1x10000xi32, #tpu.memory_space<vmem>>, vector<1x10000xi32>
    %iota3A = tpu.iota {dimensions = array<i32: 0>} : vector<8x10000xi32>
    %eq3A = vector.broadcast %get3A_25 : vector<1x10000xi32> to vector<8x10000xi32>
    %eq3A_26 = arith.cmpi eq, %iota3A, %eq3A : vector<8x10000xi32>
    %convert_element_type3A_27 = arith.extui %eq3A_26 : vector<8x10000xi1> to vector<8x10000xi32>
    %convert_element_type3A_28 = arith.sitofp %convert_element_type3A_27 : vector<8x10000xi32> to vector<8x10000xf32>
    %mul3A = vector.broadcast %div3A_19 : vector<1x10000xf32> to vector<8x10000xf32>
    %mul3A_29 = arith.mulf %convert_element_type3A_28, %mul3A : vector<8x10000xf32>
    %dot_general3A_30 = arith.constant dense<0.000000e+00> : vector<8x32xf32>
    %dot_general3A_31 = tpu.matmul %mul3A_29, %dot_general3A_9, %dot_general3A_30 {dimension_numbers = #tpu.dot_dimension_numbers<[1], [0], [0], [1], [0, 0, 1, 1], [], []>, transpose_lhs_hint = false} : vector<8x10000xf32>, vector<10000x32xf32>, vector<8x32xf32> -> vector<8x32xf32>
    %mul3A_32 = vector.broadcast %convert_element_type3A_22 : vector<1x10000xf32> to vector<8x10000xf32>
    %mul3A_33 = arith.mulf %convert_element_type3A_28, %mul3A_32 : vector<8x10000xf32>
    %reduce_sum3A = arith.constant dense<0.000000e+00> : vector<8xf32>
    %reduce_sum3A_34 = vector.multi_reduction <add>, %mul3A_33, %reduce_sum3A [1] : vector<8x10000xf32> to vector<8xf32>
    %broadcast_in_dim3A = vector.shape_cast %reduce_sum3A_34 : vector<8xf32> to vector<8x1xf32>
    %reduce_sum3A_35 = arith.constant dense<0.000000e+00> : vector<8xf32>
    %reduce_sum3A_36 = vector.multi_reduction <add>, %convert_element_type3A_28, %reduce_sum3A_35 [1] : vector<8x10000xf32> to vector<8xf32>
    %broadcast_in_dim3A_37 = vector.shape_cast %reduce_sum3A_36 : vector<8xf32> to vector<8x1xf32>
    %get3A_38 = arith.constant 0 : index
    %get3A_39 = arith.constant 0 : index
    %get3A_40 = vector.load %arg7[%get3A_38, %get3A_39] : memref<1x32xf32, #tpu.memory_space<vmem>>, vector<1x32xf32>
    %mul3A_41 = vector.broadcast %broadcast_in_dim3A : vector<8x1xf32> to vector<8x32xf32>
    %mul3A_42 = vector.broadcast %get3A_40 : vector<1x32xf32> to vector<8x32xf32>
    %mul3A_43 = arith.mulf %mul3A_41, %mul3A_42 : vector<8x32xf32>
    %add3A_44 = arith.addf %dot_general3A_31, %mul3A_43 : vector<8x32xf32>
    %max3A_45 = arith.constant 1.000000e+00 : f32
    %max3A_46 = vector.broadcast %max3A_45 : f32 to vector<8x1xf32>
    %max3A_47 = arith.maximumf %broadcast_in_dim3A_37, %max3A_46 : vector<8x1xf32>
    %div3A_48 = vector.broadcast %max3A_47 : vector<8x1xf32> to vector<8x32xf32>
    %div3A_49 = arith.divf %add3A_44, %div3A_48 : vector<8x32xf32>
    %get3A_50 = arith.constant 0 : index
    %get3A_51 = arith.constant 0 : index
    %get3A_52 = vector.load %arg3[%get3A_50, %get3A_51] : memref<8x2xf32, #tpu.memory_space<vmem>>, vector<8x2xf32>
    %reduce_sum3A_53 = arith.constant dense<0.000000e+00> : vector<2xf32>
    %reduce_sum3A_54 = vector.multi_reduction <add>, %get3A_52, %reduce_sum3A_53 [0] : vector<8x2xf32> to vector<2xf32>
    %broadcast_in_dim3A_55 = vector.shape_cast %reduce_sum3A_54 : vector<2xf32> to vector<1x2xf32>
    %div3A_56 = arith.constant 8.000000e+00 : f32
    %div3A_57 = vector.broadcast %div3A_56 : f32 to vector<1x2xf32>
    %div3A_58 = arith.divf %broadcast_in_dim3A_55, %div3A_57 : vector<1x2xf32>
    %sub3A = vector.broadcast %div3A_58 : vector<1x2xf32> to vector<8x2xf32>
    %sub3A_59 = arith.subf %get3A_52, %sub3A : vector<8x2xf32>
    %mul3A_60 = arith.mulf %sub3A_59, %sub3A_59 : vector<8x2xf32>
    %reduce_sum3A_61 = arith.constant dense<0.000000e+00> : vector<2xf32>
    %reduce_sum3A_62 = vector.multi_reduction <add>, %mul3A_60, %reduce_sum3A_61 [0] : vector<8x2xf32> to vector<2xf32>
    %broadcast_in_dim3A_63 = vector.shape_cast %reduce_sum3A_62 : vector<2xf32> to vector<1x2xf32>
    %div3A_64 = arith.constant 8.000000e+00 : f32
    %div3A_65 = vector.broadcast %div3A_64 : f32 to vector<1x2xf32>
    %div3A_66 = arith.divf %broadcast_in_dim3A_63, %div3A_65 : vector<1x2xf32>
    %get3A_67 = arith.constant 0 : index
    %get3A_68 = arith.constant 0 : index
    %get3A_69 = vector.load %arg4[%get3A_67, %get3A_68] : memref<1x2xf32, #tpu.memory_space<vmem>>, vector<1x2xf32>
    %add3A_70 = arith.constant 9.99999974E-6 : f32
    %add3A_71 = vector.broadcast %add3A_70 : f32 to vector<1x2xf32>
    %add3A_72 = arith.addf %div3A_66, %add3A_71 : vector<1x2xf32>
    %rsqrt3A = math.rsqrt %add3A_72 : vector<1x2xf32>
    %mul3A_73 = arith.mulf %get3A_69, %rsqrt3A : vector<1x2xf32>
    %mul3A_74 = vector.broadcast %mul3A_73 : vector<1x2xf32> to vector<8x2xf32>
    %mul3A_75 = arith.mulf %sub3A_59, %mul3A_74 : vector<8x2xf32>
    %get3A_76 = arith.constant 0 : index
    %get3A_77 = arith.constant 0 : index
    %get3A_78 = vector.load %arg5[%get3A_76, %get3A_77] : memref<1x2xf32, #tpu.memory_space<vmem>>, vector<1x2xf32>
    %add3A_79 = vector.broadcast %get3A_78 : vector<1x2xf32> to vector<8x2xf32>
    %add3A_80 = arith.addf %mul3A_75, %add3A_79 : vector<8x2xf32>
    %concatenate3A = tpu.concatenate %add3A_80, %div3A_49 in 1 : vector<8x2xf32>, vector<8x32xf32> -> vector<8x34xf32>
    %get3A_81 = arith.constant 0 : index
    %get3A_82 = arith.constant 0 : index
    %get3A_83 = vector.load %arg8[%get3A_81, %get3A_82] : memref<34x128xf32, #tpu.memory_space<vmem>>, vector<34x128xf32>
    %dot_general3A_84 = arith.constant dense<0.000000e+00> : vector<8x128xf32>
    %dot_general3A_85 = tpu.matmul %concatenate3A, %get3A_83, %dot_general3A_84 {dimension_numbers = #tpu.dot_dimension_numbers<[1], [0], [0], [1], [0, 0, 1, 1], [], []>, transpose_lhs_hint = false} : vector<8x34xf32>, vector<34x128xf32>, vector<8x128xf32> -> vector<8x128xf32>
    %get3A_86 = arith.constant 0 : index
    %get3A_87 = arith.constant 0 : index
    %get3A_88 = vector.load %arg9[%get3A_86, %get3A_87] : memref<1x128xf32, #tpu.memory_space<vmem>>, vector<1x128xf32>
    %add3A_89 = vector.broadcast %get3A_88 : vector<1x128xf32> to vector<8x128xf32>
    %add3A_90 = arith.addf %dot_general3A_85, %add3A_89 : vector<8x128xf32>
    %max3A_91 = arith.constant 0.000000e+00 : f32
    %max3A_92 = vector.broadcast %max3A_91 : f32 to vector<8x128xf32>
    %max3A_93 = arith.maximumf %add3A_90, %max3A_92 : vector<8x128xf32>
    %get3A_94 = arith.constant 0 : index
    %get3A_95 = arith.constant 0 : index
    %get3A_96 = vector.load %arg10[%get3A_94, %get3A_95] : memref<128x128xf32, #tpu.memory_space<vmem>>, vector<128x128xf32>
    %dot_general3A_97 = arith.constant dense<0.000000e+00> : vector<8x128xf32>
    %dot_general3A_98 = tpu.matmul %max3A_93, %get3A_96, %dot_general3A_97 {dimension_numbers = #tpu.dot_dimension_numbers<[1], [0], [0], [1], [0, 0, 1, 1], [], []>, transpose_lhs_hint = false} : vector<8x128xf32>, vector<128x128xf32>, vector<8x128xf32> -> vector<8x128xf32>
    %get3A_99 = arith.constant 0 : index
    %get3A_100 = arith.constant 0 : index
    %get3A_101 = vector.load %arg11[%get3A_99, %get3A_100] : memref<1x128xf32, #tpu.memory_space<vmem>>, vector<1x128xf32>
    %add3A_102 = vector.broadcast %get3A_101 : vector<1x128xf32> to vector<8x128xf32>
    %add3A_103 = arith.addf %dot_general3A_98, %add3A_102 : vector<8x128xf32>
    %max3A_104 = arith.constant 0.000000e+00 : f32
    %max3A_105 = vector.broadcast %max3A_104 : f32 to vector<8x128xf32>
    %max3A_106 = arith.maximumf %add3A_103, %max3A_105 : vector<8x128xf32>
    %get3A_107 = arith.constant 0 : index
    %get3A_108 = arith.constant 0 : index
    %get3A_109 = vector.load %arg12[%get3A_107, %get3A_108] : memref<128x1xf32, #tpu.memory_space<vmem>>, vector<128x1xf32>
    %dot_general3A_110 = arith.constant dense<0.000000e+00> : vector<8x1xf32>
    %dot_general3A_111 = tpu.matmul %max3A_106, %get3A_109, %dot_general3A_110 {dimension_numbers = #tpu.dot_dimension_numbers<[1], [0], [0], [1], [0, 0, 1, 1], [], []>, transpose_lhs_hint = false} : vector<8x128xf32>, vector<128x1xf32>, vector<8x1xf32> -> vector<8x1xf32>
    %get3A_112 = arith.constant 0 : index
    %get3A_113 = arith.constant 0 : index
    %get3A_114 = vector.load %arg13[%get3A_112, %get3A_113] : memref<1x1xf32, #tpu.memory_space<vmem>>, vector<1x1xf32>
    %add3A_115 = vector.broadcast %get3A_114 : vector<1x1xf32> to vector<8x1xf32>
    %add3A_116 = arith.addf %dot_general3A_111, %add3A_115 : vector<8x1xf32>
    %swap3A = arith.constant 0 : index
    %swap3A_117 = arith.constant 0 : index
    %swap3A_118 = vector.load %arg14[%swap3A, %swap3A_117] : memref<8x1xf32, #tpu.memory_space<vmem>>, vector<8x1xf32>
    tpu.vector_store %arg14[%swap3A, %swap3A_117], %add3A_116 {strides = array<i32>} : memref<8x1xf32, #tpu.memory_space<vmem>>, vector<8x1xf32>,
    return
  }
}

</mosaic_0001>

<sc_bundles>
// kernel: kernel.10.cloned.1.call-start
scs
__scs_entry_jumppad:
0x0: {  	(pc) =	sbr.rel $0x88, $3  }
0x1: {  	(tag) =	ssettag $0x0;
	lr =	simm.s32 $0x1  }
0x2: {  	[smem:$0x3F8D] =	sst lr;
	_ =	strace $0xD0000000  }
0x3: {  	_ = 	snop  }
0x4: {  	_ = 	snop  }
0x5: {  	_ = 	snop  }
0x6: {  	_ = 	snop  }
0x7: {  	_ = 	snop  }
__scs_overlays_trampoline_lowered:
0x8: {  	[smem:$0x3F9C] =	sst s0  }
0x9: {  	[smem:$0x3F9D] =	sst s1  }
0xa: {  	[smem:$0x3F9E] =	sst s2  }
0xb: {  	[smem:$0x3F9F] =	sst s3  }
0xc: {  	[smem:$0x3FA0] =	sst s4  }
0xd: {  	[smem:$0x3FA1] =	sst s5  }
0xe: {  	[smem:$0x3FA2] =	sst s6  }
0xf: {  	[smem:$0x3FA3] =	sst s7  }
0x10: {  	[smem:$0x3FA4] =	sst s8  }
0x11: {  	[smem:$0x3FA5] =	sst s9;
	s0 =	simm.s32 @!p0 $0x0  }
0x12: {  	s1 =	sld [smem:$0x3F8B];
	s0 =	simm.s32 @p0 $0x1  }
0x13: {  	[smem:$0x3FA6] =	sst s0;
	s0 =	simm.s32 @!p1 $0x0  }
0x14: {  	s2 =	sld [smem:$0x3F8A];
	s0 =	simm.s32 @p1 $0x1  }
0x15: {  	[smem:$0x3FA7] =	sst s0;
	s0 =	simm.s32 @!p2 $0x0  }
0x16: {  	s3 =	sld [smem:$0x3FDB];
	s0 =	simm.s32 @p2 $0x1  }
0x17: {  	s4 =	simm.s32 $0x1BF5;
	[smem:$0x3FA9] =	sst s0  }
0x18: {  	s0 =	sld [smem:$0x3F8C];
	_ =	swait.ge [sflag:s4], $0x0  }
0x19: {  	s7 =	sld [smem:$0x3F8D]  }
0x1a: {  	s8 =	sadd.s32 $0xFFFFE003, lr  }
0x1b: {  	s9 =	sadd.s32 $0xFFFFFEF7, lr;
	s5 =	simm.s32 $0xFFFFFFFF;
	p2 =	slt.u32 s8, $0xFFFFF086  }
0x1c: {  	p1 =	slt.u32 s9, $0xF7A;
	s5 =	simm.s32 @!p2 $0x0  }
0x1d: {  	s5 =	simm.s32 @p1 $0x1;
	p0 =	seq.s32 s7, s2  }
0x1e: {  	s7 =	smul.u32 @!p0 $0xF7A, s2;
	p2 =	seq.s32 @!p0 s5, $0x0  }
0x1f: {  	s9 =	smul.u32 $0xF7A, s1;
	s8 =	simm.s32 @!p0 $0x1BF5;
	p2 =	por !p2, p0  }
0x20: {  	[sflag:s8] =	ssyncset.s32 @!p0 $0xFFFFF086;
	s6 =	sadd.s32 @!p0 s3, s7;
	s7 =	simm.s32 @!p0 $0x108  }
0x21: {  	s3 =	sadd.s32 s3, s9;
	s6 =	sadd.s32 @!p0 $0x88, s6;
	s7 =	simm.s32 @p2 $0x1082  }
0x22: {  	[simem:s7], [sflag:s8] =	dma.local @!p0 [hbm:s6], $0xF7A  }
0x23: {  	s9 =	sor.u32 $0xD0000000, s2;
	s6 =	simm.s32 $0x108;
	_ =	swait.ge @!p0 [sflag:s8], $0x0  }
0x24: {  	s3 =	sadd.s32 $0x88, s3;
	s6 =	simm.s32 @!p1 $0x1082;
	[sflag:s4] =	ssyncset.s32 $0xFFFFF086  }
0x25: {  	[simem:s6], [sflag:s4] =	dma.local [hbm:s3], $0xF7A  }
0x26: {  	[smem:$0x3F8D] =	sst s1;
	(tag) =	ssettag s2;
	_ =	strace s9  }
0x27: {  	s1 =	sld [smem:$0x3F9D]  }
0x28: {  	s2 =	sld [smem:$0x3F9E]  }
0x29: {  	s4 =	sld [smem:$0x3FA0]  }
0x2a: {  	p0 =	seq.s32 s5, $0x0;
	s5 =	sld [smem:$0x3FA1]  }
0x2b: {  	s6 =	sld [smem:$0x3FA2]  }
0x2c: {  	s7 =	sld [smem:$0x3FA3]  }
0x2d: {  	s3 =	simm.s32 $0x108;
	s8 =	sld [smem:$0x3FA4]  }
0x2e: {  	s3 =	simm.s32 @!p0 $0x1082;
	s9 =	sld [smem:$0x3FA5]  }
0x2f: {  	lr =	sadd.s32 s0, s3;
	s0 =	sld [smem:$0x3F9C]  }
0x30: {  	s3 =	sld [smem:$0x3F9F]  }
0x31: {  	[smem:$0x3FA8] =	sst s10  }
0x32: {  	s10 =	sld [smem:$0x3FA6];
	_ =	sdelay $0x3  }
0x33: {  	p0 =	seq.s32 s10, $0x1;
	s10 =	sld [smem:$0x3FA8];
	_ =	sdelay $0x3  }
0x34: {  	[smem:$0x3FA8] =	sst s10  }
0x35: {  	s10 =	sld [smem:$0x3FA7];
	_ =	sdelay $0x3  }
0x36: {  	p1 =	seq.s32 s10, $0x1;
	s10 =	sld [smem:$0x3FA8];
	_ =	sdelay $0x3  }
0x37: {  	[smem:$0x3FA8] =	sst s10  }
0x38: {  	s10 =	sld [smem:$0x3FA9]  }
0x39: {  	_ = 	snop;
	(pc) =	sbr.ind lr, $3  }
0x3a: {  	_ = 	snop  }
0x3b: {  	_ = 	snop  }
0x3c: {  	p2 =	seq.s32 s10, $0x1;
	s10 =	sld [smem:$0x3FA8]  }
0x3d: {  	_ =	shalt  }
0x3e: {  	_ =	shalt  }
0x3f: {  	_ =	shalt  }
0x40: {  	_ =	shalt  }
0x41: {  	_ =	shalt  }
0x42: {  	_ =	shalt  }
0x43: {  	_ =	shalt  }
0x44: {  	_ =	shalt  }
0x45: {  	_ =	shalt  }
0x46: {  	_ =	shalt  }
0x47: {  	_ =	shalt  }
0x48: {  	_ =	shalt  }
0x49: {  	_ =	shalt  }
0x4a: {  	_ =	shalt  }
0x4b: {  	_ =	shalt  }
0x4c: {  	_ =	shalt  }
0x4d: {  	_ =	shalt  }
0x4e: {  	_ =	shalt  }
0x4f: {  	_ =	shalt  }
0x50: {  	_ =	shalt  }
0x51: {  	_ =	shalt  }
0x52: {  	_ =	shalt  }
0x53: {  	_ =	shalt  }
0x54: {  	_ =	shalt  }
0x55: {  	_ =	shalt  }
0x56: {  	_ =	shalt  }
0x57: {  	_ =	shalt  }
0x58: {  	_ =	shalt  }
0x59: {  	_ =	shalt  }
0x5a: {  	_ =	shalt  }
0x5b: {  	_ =	shalt  }
0x5c: {  	_ =	shalt  }
0x5d: {  	_ =	shalt  }
0x5e: {  	_ =	shalt  }
0x5f: {  	_ =	shalt  }
0x60: {  	_ =	shalt  }
0x61: {  	_ =	shalt  }
0x62: {  	_ =	shalt  }
0x63: {  	_ =	shalt  }
0x64: {  	_ =	shalt  }
0x65: {  	_ =	shalt  }
0x66: {  	_ =	shalt  }
0x67: {  	_ =	shalt  }
0x68: {  	_ =	shalt  }
0x69: {  	_ =	shalt  }
0x6a: {  	_ =	shalt  }
0x6b: {  	_ =	shalt  }
0x6c: {  	_ =	shalt  }
0x6d: {  	_ =	shalt  }
0x6e: {  	_ =	shalt  }
0x6f: {  	_ =	shalt  }
0x70: {  	_ =	shalt  }
0x71: {  	_ =	shalt  }
0x72: {  	_ =	shalt  }
0x73: {  	_ =	shalt  }
0x74: {  	_ =	shalt  }
0x75: {  	_ =	shalt  }
0x76: {  	_ =	shalt  }
0x77: {  	_ =	shalt  }
0x78: {  	_ =	shalt  }
0x79: {  	_ =	shalt  }
0x7a: {  	_ =	shalt  }
0x7b: {  	_ =	shalt  }
0x7c: {  	_ =	shalt  }
0x7d: {  	_ =	shalt  }
0x7e: {  	_ =	shalt  }
0x7f: {  	_ =	shalt  }
0x80: {  	_ =	shalt  }
0x81: {  	_ =	shalt  }
0x82: {  	_ =	shalt  }
0x83: {  	_ =	shalt  }
0x84: {  	_ =	shalt  }
0x85: {  	_ =	shalt  }
0x86: {  	_ =	shalt  }
0x87: {  	_ =	shalt  }
.Lfunc_end0:
.L_simem_size_0:
called_computation.1_lowered:
.L_overlay_start_0:
0x88: {  	s2 =	sld [smem:$0x3FD9]  }
0x89: {  	s3 =	sld [smem:$0x3FFE];
	_ =	sdelay $0x1  }
0x8a: {  	s1 =	srdreg.scid  }
0x8b: {  	s0 =	sand.u32 $0x1, s1  }
0x8c: {  	s16 =	sshll.u32 s0, $0xA;
	s2 =	sadd.s32 s3, s2  }
0x8d: {  	s2 =	sadd.s32 s2, s16  }
0x8e: {  	[smem:$0x3FB4] =	sst s2  }
0x8f: {  	_ = 	snop  }
0x90: {  	(tm) =	ssettm $0x1  }
0x91: {  	s17 =	sld [smem:$0x3FFB];
	_ =	sdelay $0x3  }
0x92: {  	_ =	strace s17  }
0x93: {  	s2 =	sld [smem:$0x3FFC];
	_ =	sdelay $0x3  }
0x94: {  	_ =	strace s2  }
0x95: {  	s2 =	sld [smem:$0x3FFD];
	_ =	sdelay $0x3  }
0x96: {  	_ =	strace s2  }
0x97: {  	_ =	strace $0x8FFFFFFF  }
0x98: {  	s18 =	sld [smem:$0x3FDB];
	_ =	sdelay $0x1  }
0x99: {  	s19 =	simm.s32 $_scs_section_size  }
0x9a: {  	s4 =	simm.s32 $_size__tile_overlayer_lowered;
	s5 =	simm.s32 $_tile_overlayer_lowered  }
0x9b: {  	s22 =	simm.s32 $0x1BFF;
	s21 =	sshll.u32 s5, $0x1;
	s2 =	sadd.s32 s19, s18  }
0x9c: {  	s6 =	simm.s32 $0x0;
	s20 =	sshll.u32 s4, $0x1;
	s4 =	sadd.s32 s21, s2  }
0x9d: {  	[timem:s6], [sflag:s22] =	dma.local [hbm:s4], s20  }
0x9e: {  	_ =	swait.ge [sflag:s22], s20  }
0x9f: {  	s3 =	ssub.s32 $0x0, s20;
	[sflag:s22] =	ssyncset.done $0x0  }
0xa0: {  	[sflag:s22] =	ssyncadd.s32 s3;
	_ =	sdelay $0x1  }
0xa1: {  	s23 =	simm.s32 $0x1B8B  }
0xa2: {  	_ =	swait.ge [sflag:s23], $0x1  }
0xa3: {  	[sflag:s23] =	ssyncset.done $0x0  }
0xa4: {  	s25 =	simm.s32 $0x1B8E;
	s24 =	sld [smem:$0x3FFE];
	[sflag:s23] =	ssyncadd.s32 $0xFFFFFFFF  }
0xa5: {  	s26 =	simm.s32 $execute0_lowered;
	[smem:$0x3FD2] =	sst s25  }
0xa6: {  	s4 =	sshll.u32 s26, $0x1;
	_ =	strace $0x80000049;
	[dreg:$0x1] =	wrdreg $0xFFFFFFFF  }
0xa7: {  	s28 =	simm.s32 $_size_execute0_lowered;
	s2 =	sadd.s32 s2, s4;
	[dreg:$0x0] =	wrdreg $0x0  }
0xa8: {  	s4 =	sshll.u32 s28, $0x1;
	[dreg:$0x2] =	wrdreg s2  }
0xa9: {  	[dreg:$0x3] =	wrdreg s4  }
0xaa: {  	[dreg:$0x4] =	wrdreg $0xC0  }
0xab: {  	_ =	task [dreg:s6], $0x5FFFF  }
0xac: {  	[dreg:$0x1] =	wrdreg $0xFFFFFFFF  }
0xad: {  	[dreg:$0x0] =	wrdreg $0x60  }
0xae: {  	[dreg:$0x2] =	wrdreg s24  }
0xaf: {  	[dreg:$0x3] =	wrdreg $0x79000  }
0xb0: {  	[dreg:$0x4] =	wrdreg $0xC9000  }
0xb1: {  	[dreg:$0x5] =	wrdreg $0x9  }
0xb2: {  	_ =	task.clear_ibuf [dreg:s6], $0x6FFFF;
	_ =	strace $0x90000049  }
0xb3: {  	s29 =	simm.s32 $0x9;
	_ =	strace $0x8000004B  }
0xb4: {  	_ =	swait.ge [sflag:s29], $0x1  }
0xb5: {  	[sflag:s29] =	ssyncadd.s32 $0xFFFFFFFF  }
0xb6: {  	_ =	strace $0x9000004B  }
0xb7: {  	_ =	sfence  }
0xb8: {  	s30 =	sld [smem:$0x0];
	_ =	sdelay $0x2  }
0xb9: {  	s31 =	sshll.u32 s1, $0xD;
	s1 =	sshrl.u32 s1, $0x2  }
0xba: {  	s3 =	sand.u32 $0x4000, s31;
	s1 =	sadd.s32 s1, s30  }
0xbb: {  	s0 =	sor.u32 s3, s0;
	s1 =	sshll.u32 s1, $0x11  }
0xbc: {  	s0 =	sor.u32 s1, s0  }
0xbd: {  	s0 =	sadd.s32 $0x8F2B, s0  }
0xbe: {  	[sflag:s0] =	ssyncadd.remote.s32 $0x1  }
0xbf: {  	_ =	sfence.sel $0xFFFF  }
0xc0: {  	[dreg:$0x0] =	wrdreg $0xFFFFFFFF;
	(pc) =	sbr.abs _section_cstart, $3  }
0xc1: {  	[dreg:$0x1] =	wrdreg $0xFFFFFFFF  }
0xc2: {  	_ =	task.clear_ibuf [dreg:s6], $0x2FFFF;
	_ =	strace $0x9FFFFFFF  }
0xc3: {  	(tm) =	ssettm $0x7FFFFFFF  }
tec
execute0_lowered:
.L_overlay_start_1:
0x0: {  	(tag) =	ssettag $0x1  }
0x1: {  	s24 =	stileid.u32  }
0x2: {  	s1 =	srdreg.scid;
	s11 =	smul.u32 $0x280, s24  }
0x3: {  	s1 =	sand.u32 $0x1, s1;
	s26 =	smul.u32 $0xA00, s24  }
0x4: {  	s0 =	rddreg [dreg:$0x0];
	s4 =	sshll.u32 s24, $0x1;
	s8 =	smul.u32 $0xA000, s1  }
0x5: {  	s2 =	rddreg [dreg:$0x1];
	s5 =	sor.u32 s1, s4;
	s9 =	smul.u32 $0x500, s1  }
0x6: {  	s3 =	rddreg [dreg:$0x2];
	s4 =	simm.s32 $0x0;
	s6 =	smul.u32 $0x500, s5  }
0x7: {  	s1 =	ssub.s32 $0x2, s1;
	[smem:$0x7FF] =	sst s4;
	s7 =	smul.u32 $0xA000, s5  }
0x8: {  	s10 =	sshrl.u32 s1, $0x1;
	s12 =	sadd.s32 $0x80, s11;
	s13 =	sadd.s32 $0x100, s11  }
0x9: {  	s14 =	sadd.s32 $0x180, s11;
	s15 =	sadd.s32 $0x200, s11;
	s16 =	sshrl.u32 s11, $0x3  }
0xa: {  	_ =	strace $0x8000004A;
	s8 =	sadd.s32 s8, s0;
	s9 =	sadd.s32 s9, s0  }
0xb: {  	s1 =	ssub.s32 s1, s10;
	s17 =	sshll.u32 s12, $0x2;
	s18 =	sshrl.u32 s12, $0x3  }
0xc: {  	s19 =	sshll.u32 s13, $0x2;
	s20 =	sshrl.u32 s13, $0x3;
	s21 =	sshll.u32 s14, $0x2  }
0xd: {  	s22 =	sshrl.u32 s14, $0x3;
	s23 =	sshll.u32 s15, $0x2;
	s29 =	sadd.s32 s14, s3  }
0xe: {  	s31 =	sadd.s32 s15, s3;
	s6 =	sadd.s32 s6, s0;
	s8 =	sadd.s32 $0x20A00, s8  }
0xf: {  	s7 =	sadd.s32 s7, s0;
	s9 =	sadd.s32 $0x2E00, s9;
	s10 =	sadd.s32 s26, s8  }
0x10: {  	s17 =	sadd.s32 s17, s8;
	s19 =	sadd.s32 s19, s8;
	[dreg:$0x4] =	wrdreg s10  }
0x11: {  	s25 =	sadd.s32 s21, s8;
	s8 =	sadd.s32 s23, s8;
	[dreg:$0x5] =	wrdreg s17  }
0x12: {  	s26 =	sshrl.u32 s15, $0x3;
	s21 =	sadd.s32 s20, s9;
	[dreg:$0x6] =	wrdreg s19  }
0x13: {  	s22 =	sadd.s32 s22, s9;
	s23 =	sadd.s32 $0x16AA00, s7;
	[dreg:$0x7] =	wrdreg s25  }
0x14: {  	s20 =	sadd.s32 s11, s3;
	s11 =	sshll.u32 s12, $0x5;
	[dreg:$0x8] =	wrdreg s8  }
0x15: {  	s17 =	sadd.s32 s16, s9;
	s19 =	sadd.s32 s18, s9;
	[dreg:$0xb] =	wrdreg s21  }
0x16: {  	[dreg:$0xc] =	wrdreg s22;
	s8 =	sadd.s32 s26, s9;
	s25 =	smul.u32 $0x14000, s24  }
0x17: {  	[dreg:$0xe] =	wrdreg s23;
	s16 =	smul.u32 $0x50, s5;
	s26 =	sadd.s32 $0x16AC00, s7  }
0x18: {  	s7 =	sadd.s32 $0x16A00, s6;
	s9 =	smax.u32 s1, $0x1;
	[dreg:$0x9] =	wrdreg s17  }
0x19: {  	s21 =	sadd.s32 s11, s2;
	s18 =	sadd.s32 s12, s3;
	[dreg:$0xa] =	wrdreg s19  }
0x1a: {  	s22 =	sshll.u32 s13, $0x5;
	s23 =	sshll.u32 s14, $0x5;
	[dreg:$0xd] =	wrdreg s8  }
0x1b: {  	s24 =	sshll.u32 s15, $0x5;
	s1 =	simm.s32 $0x3800;
	[dreg:$0xf] =	wrdreg s26  }
0x1c: {  	s5 =	simm.s32 $0x7;
	s6 =	simm.s32 $0x7880;
	[dreg:$0x10] =	wrdreg s7  }
0x1d: {  	s11 =	simm.s32 $0x2;
	s12 =	simm.s32 $0x5800;
	[dreg:$0x11] =	wrdreg s9  }
.Ltmp0:
0x1e: {  	s19 =	sadd.s32 $0x16AE00, s0;
	[dreg:$0x12] =	wrdreg s18;
	(pc) =	sbr.rel .LBB2_1-.Ltmp0, $4  }
0x1f: {  	s26 =	sadd.s32 s13, s3;
	s28 =	sadd.s32 s23, s2;
	s30 =	sadd.s32 s24, s2  }
0x20: {  	s0 =	simm.s32 $0x6800;
	s7 =	simm.s32 $0x1;
	s8 =	simm.s32 $0x80  }
0x21: {  	s9 =	simm.s32 $0x4800;
	s18 =	simm.s32 $0x0;
	s10 =	sshrl.u32 s25, $0x2  }
0x22: {  	v0 =	vimm.f32 $0.0e+00;
	v1 =	vimm.f32 $1.000000000e+00;
	s25 =	sadd.s32 s22, s2;
	s17 =	sadd.s32 s10, s2;
	s10 =	simm.s32 $0x7800  }
.LBB2_10:
0x23: {  	s13 =	simm.s32 $0x3  }
0x24: {  	_ =	swait.ge [sflag:s13], $0x1000  }
0x25: {  	[sflag:s13] =	ssyncset.done $0x0  }
0x26: {  	s14 =	simm.s32 $0x5;
	[sflag:s13] =	ssyncadd.s32 $0xFFFFF000  }
0x27: {  	_ =	swait.ge [sflag:s14], $0x80  }
0x28: {  	[sflag:s14] =	ssyncset.done $0x0  }
0x29: {  	s15 =	simm.s32 $0x4;
	[sflag:s14] =	ssyncadd.s32 $0xFFFFFF80  }
0x2a: {  	_ =	swait.ge [sflag:s15], $0x1000  }
0x2b: {  	[sflag:s15] =	ssyncset.done $0x0  }
0x2c: {  	s17 =	simm.s32 $0x6;
	[sflag:s15] =	ssyncadd.s32 $0xFFFFF000  }
0x2d: {  	_ =	swait.ge [sflag:s17], $0x80  }
0x2e: {  	[sflag:s17] =	ssyncset.done $0x0  }
0x2f: {  	s20 =	stileid.u32;
	[sflag:s17] =	ssyncadd.s32 $0xFFFFFF80  }
0x30: {  	s13 =	sshll.u32 s20, $0x6;
	[bflag:$0x0] =	sbarrier.arrive $0xFFFF  }
0x31: {  	s13 =	sor.u32 $0x1C07, s13;
	s14 =	sshrl.u32 s22, $0x3;
	s15 =	rddreg [dreg:$0x4]  }
0x32: {  	[hbm:s15], [sflag:s13] =	dma.local [spmem:s14], $0x200  }
0x33: {  	_ =	swait.ge [sflag:s5], $0x200  }
0x34: {  	s21 =	sshrl.u32 s23, $0x3;
	[sflag:s5] =	ssyncset.done $0x0  }
0x35: {  	s17 =	smov.u32 s22;
	s22 =	rddreg [dreg:$0x9];
	[sflag:s5] =	ssyncadd.s32 $0xFFFFFE00  }
0x36: {  	[hbm:s22], [sflag:s13] =	dma.local [spmem:s21], $0x10  }
0x37: {  	_ =	swait.ge [sflag:s5], $0x10  }
0x38: {  	s20 =	smov.u32 s23;
	s23 =	sshrl.u32 s24, $0x3;
	[sflag:s5] =	ssyncset.done $0x0  }
0x39: {  	s21 =	smov.u32 s24;
	s24 =	rddreg [dreg:$0x5];
	[sflag:s5] =	ssyncadd.s32 $0xFFFFFFF0  }
0x3a: {  	[hbm:s24], [sflag:s13] =	dma.local [spmem:s23], $0x200  }
0x3b: {  	_ =	swait.ge [sflag:s5], $0x200  }
0x3c: {  	[sflag:s5] =	ssyncset.done $0x0;
	s15 =	rddreg [dreg:$0x12]  }
0x3d: {  	s22 =	rddreg [dreg:$0xa];
	[sflag:s5] =	ssyncadd.s32 $0xFFFFFE00;
	s14 =	sshrl.u32 s15, $0x3  }
0x3e: {  	[hbm:s22], [sflag:s13] =	dma.local [spmem:s14], $0x10  }
0x3f: {  	_ =	swait.ge [sflag:s5], $0x10  }
0x40: {  	[sflag:s5] =	ssyncset.done $0x0  }
0x41: {  	s23 =	sshrl.u32 s25, $0x3;
	s24 =	rddreg [dreg:$0x6];
	[sflag:s5] =	ssyncadd.s32 $0xFFFFFFF0  }
0x42: {  	[hbm:s24], [sflag:s13] =	dma.local [spmem:s23], $0x200  }
0x43: {  	_ =	swait.ge [sflag:s5], $0x200  }
0x44: {  	[sflag:s5] =	ssyncset.done $0x0  }
0x45: {  	s15 =	sshrl.u32 s26, $0x3;
	s22 =	rddreg [dreg:$0xb];
	[sflag:s5] =	ssyncadd.s32 $0xFFFFFE00  }
0x46: {  	[hbm:s22], [sflag:s13] =	dma.local [spmem:s15], $0x10  }
0x47: {  	_ =	swait.ge [sflag:s5], $0x10  }
0x48: {  	[sflag:s5] =	ssyncset.done $0x0  }
0x49: {  	s23 =	sshrl.u32 s28, $0x3;
	s24 =	rddreg [dreg:$0x7];
	[sflag:s5] =	ssyncadd.s32 $0xFFFFFFF0  }
0x4a: {  	[hbm:s24], [sflag:s13] =	dma.local [spmem:s23], $0x200  }
0x4b: {  	_ =	swait.ge [sflag:s5], $0x200  }
0x4c: {  	[sflag:s5] =	ssyncset.done $0x0  }
0x4d: {  	s15 =	sshrl.u32 s29, $0x3;
	s22 =	rddreg [dreg:$0xc];
	[sflag:s5] =	ssyncadd.s32 $0xFFFFFE00  }
0x4e: {  	[hbm:s22], [sflag:s13] =	dma.local [spmem:s15], $0x10  }
0x4f: {  	_ =	swait.ge [sflag:s5], $0x10  }
0x50: {  	[sflag:s5] =	ssyncset.done $0x0  }
0x51: {  	s23 =	sshrl.u32 s30, $0x3;
	s24 =	rddreg [dreg:$0x8];
	[sflag:s5] =	ssyncadd.s32 $0xFFFFFFF0  }
0x52: {  	[hbm:s24], [sflag:s13] =	dma.local [spmem:s23], $0x200  }
0x53: {  	_ =	swait.ge [sflag:s5], $0x200  }
0x54: {  	[sflag:s5] =	ssyncset.done $0x0  }
0x55: {  	s22 =	sshrl.u32 s31, $0x3;
	s23 =	rddreg [dreg:$0xd];
	[sflag:s5] =	ssyncadd.s32 $0xFFFFFE00  }
0x56: {  	[hbm:s23], [sflag:s13] =	dma.local [spmem:s22], $0x10  }
0x57: {  	_ =	swait.ge [sflag:s5], $0x10  }
0x58: {  	s18 =	sadd.s32 $0x1, s18;
	s24 =	rddreg [dreg:$0x11]  }
0x59: {  	p0 =	sne.s32 s18, s24  }
.Ltmp1:
0x5a: {  	_ = 	snop;
	(pc) =	sbr.rel @!p0 .LBB2_11-.Ltmp1, $3  }
0x5b: {  	_ =	sdelay $0x1  }
0x5c: {  	[sflag:s5] =	ssyncset.done $0x0  }
0x5d: {  	[sflag:s5] =	ssyncadd.s32 $0xFFFFFFF0  }
.LBB2_1:
0x5e: {  	s13 =	rddreg [dreg:$0xe];
	s14 =	simm.s32 $0x2800  }
0x5f: {  	[tilespmem:s14], [sflag:$0x1] =	stream.linear.gather [hbm4b:s13+s4], $0x1000, $0x38;
	[tilespmem:$0xCB80] =	vst v63  }
0x60: {  	s24 =	rddreg [dreg:$0xf];
	s13 =	simm.s32 $0x80;
	s14 =	simm.s32 $0x0  }
0x61: {  	[tilespmem:s1], [sflag:$0x2] =	stream.linear.gather [hbm4b:s24+s4], $0x1000, $0x38;
	[tilespmem:$0xCB80] =	vst v63  }
.LBB2_2:
0x62: {  	p0 =	sne.s32 s13, $0x3F80;
	[tilespmem:s14+$0x6800] =	vst v0;
	s15 =	smov.u32 s13;
	s13 =	sadd.s32 $0x80, s13  }
.Ltmp2:
0x63: {  	[tilespmem:s14+$0x6810] =	vst v0;
	(pc) =	sbr.rel @p0 .LBB2_2-.Ltmp2, $2  }
0x64: {  	_ =	sdelay $0x2  }
0x65: {  	s14 =	sshra.s32 s15, $0x2  }
0x66: {  	[tilespmem:s14+$0x6800] =	vst v0  }
0x67: {  	[tilespmem:s14+$0x6810] =	vst v0  }
0x68: {  	[tilespmem:$0x7800] =	vst v1  }
0x69: {  	[tilespmem:$0x7880] =	vst v0  }
0x6a: {  	[tilespmem:$0x7810] =	vst v1  }
0x6b: {  	[tilespmem:$0x7890] =	vst v0  }
0x6c: {  	[tilespmem:$0x7820] =	vst v1  }
0x6d: {  	[tilespmem:$0x78A0] =	vst v0  }
0x6e: {  	[tilespmem:$0x7830] =	vst v1  }
0x6f: {  	[tilespmem:$0x78B0] =	vst v0  }
0x70: {  	[tilespmem:$0x7840] =	vst v1  }
0x71: {  	[tilespmem:$0x78C0] =	vst v0  }
0x72: {  	[tilespmem:$0x7850] =	vst v1  }
0x73: {  	[tilespmem:$0x78D0] =	vst v0  }
0x74: {  	[tilespmem:$0x7860] =	vst v1  }
0x75: {  	[tilespmem:$0x78E0] =	vst v0  }
0x76: {  	[tilespmem:$0x7870] =	vst v1  }
0x77: {  	[tilespmem:$0x78F0] =	vst v0  }
0x78: {  	[spmem:s17] =	stream.linear.scatter [tilespmem:s0], [sflag:$0x7], $0x1000, $0x38;
	[tilespmem:$0xCB80] =	vst v63  }
0x79: {  	_ =	swait.ge [sflag:s5], $0x1000  }
0x7a: {  	[sflag:s5] =	ssyncset.done $0x0  }
0x7b: {  	[sflag:s5] =	ssyncadd.s32 $0xFFFFF000  }
0x7c: {  	[spmem:s20] =	stream.linear.scatter [tilespmem:s6], [sflag:$0x7], $0x80, $0x38;
	[tilespmem:$0xCB80] =	vst v63  }
0x7d: {  	_ =	swait.ge [sflag:s5], $0x80  }
0x7e: {  	[sflag:s5] =	ssyncset.done $0x0  }
0x7f: {  	[sflag:s5] =	ssyncadd.s32 $0xFFFFFF80  }
0x80: {  	[spmem:s21] =	stream.linear.scatter [tilespmem:s0], [sflag:$0x7], $0x1000, $0x38;
	[tilespmem:$0xCB80] =	vst v63  }
0x81: {  	_ =	swait.ge [sflag:s5], $0x1000  }
0x82: {  	[sflag:s5] =	ssyncset.done $0x0  }
0x83: {  	s13 =	rddreg [dreg:$0x12];
	[sflag:s5] =	ssyncadd.s32 $0xFFFFF000  }
0x84: {  	[spmem:s13] =	stream.linear.scatter [tilespmem:s6], [sflag:$0x7], $0x80, $0x38;
	[tilespmem:$0xCB80] =	vst v63  }
0x85: {  	_ =	swait.ge [sflag:s5], $0x80  }
0x86: {  	[sflag:s5] =	ssyncset.done $0x0  }
0x87: {  	[sflag:s5] =	ssyncadd.s32 $0xFFFFFF80  }
0x88: {  	[spmem:s25] =	stream.linear.scatter [tilespmem:s0], [sflag:$0x7], $0x1000, $0x38;
	[tilespmem:$0xCB80] =	vst v63  }
0x89: {  	_ =	swait.ge [sflag:s5], $0x1000  }
0x8a: {  	[sflag:s5] =	ssyncset.done $0x0  }
0x8b: {  	[sflag:s5] =	ssyncadd.s32 $0xFFFFF000  }
0x8c: {  	[spmem:s26] =	stream.linear.scatter [tilespmem:s6], [sflag:$0x7], $0x80, $0x38;
	[tilespmem:$0xCB80] =	vst v63  }
0x8d: {  	_ =	swait.ge [sflag:s5], $0x80  }
0x8e: {  	[sflag:s5] =	ssyncset.done $0x0  }
0x8f: {  	[sflag:s5] =	ssyncadd.s32 $0xFFFFFF80  }
0x90: {  	[spmem:s28] =	stream.linear.scatter [tilespmem:s0], [sflag:$0x7], $0x1000, $0x38;
	[tilespmem:$0xCB80] =	vst v63  }
0x91: {  	_ =	swait.ge [sflag:s5], $0x1000  }
0x92: {  	[sflag:s5] =	ssyncset.done $0x0  }
0x93: {  	[sflag:s5] =	ssyncadd.s32 $0xFFFFF000  }
0x94: {  	[spmem:s29] =	stream.linear.scatter [tilespmem:s6], [sflag:$0x7], $0x80, $0x38;
	[tilespmem:$0xCB80] =	vst v63  }
0x95: {  	_ =	swait.ge [sflag:s5], $0x80  }
0x96: {  	[sflag:s5] =	ssyncset.done $0x0  }
0x97: {  	[sflag:s5] =	ssyncadd.s32 $0xFFFFFF80  }
0x98: {  	[spmem:s30] =	stream.linear.scatter [tilespmem:s0], [sflag:$0x7], $0x1000, $0x38;
	[tilespmem:$0xCB80] =	vst v63  }
0x99: {  	_ =	swait.ge [sflag:s5], $0x1000  }
0x9a: {  	[sflag:s5] =	ssyncset.done $0x0  }
0x9b: {  	[sflag:s5] =	ssyncadd.s32 $0xFFFFF000  }
0x9c: {  	[spmem:s31] =	stream.linear.scatter [tilespmem:s6], [sflag:$0x7], $0x80, $0x38;
	[tilespmem:$0xCB80] =	vst v63  }
0x9d: {  	_ =	swait.ge [sflag:s5], $0x80  }
0x9e: {  	s23 =	smov.u32 s20;
	s24 =	smov.u32 s21;
	[sflag:s5] =	ssyncset.done $0x0  }
0x9f: {  	s20 =	simm.s32 $0x0;
	s21 =	rddreg [dreg:$0x10];
	[sflag:s5] =	ssyncadd.s32 $0xFFFFFF80  }
0xa0: {  	[tilespmem:s20], [sflag:$0x7] =	stream.linear.gather [hbm4b:s21+s20], $0x2800, $0x38;
	[tilespmem:$0xCB80] =	vst v63  }
0xa1: {  	_ =	swait.ge [sflag:s5], $0x2800  }
0xa2: {  	[sflag:s5] =	ssyncset.done $0x0  }
0xa3: {  	[sflag:s5] =	ssyncadd.s32 $0xFFFFD800  }
0xa4: {  	s22 =	smov.u32 s17;
	[bflag:$0x0] =	sbarrier.arrive $0xFFFF  }
.LBB2_4:
0xa5: {  	_ =	swait.ge [sflag:s7], $0x1000  }
0xa6: {  	p0 =	seq.s32 s20, $0x0;
	[sflag:s7] =	ssyncset.done $0x0  }
0xa7: {  	s13 =	simm.s32 @!p0 $0x3;
	[sflag:s7] =	ssyncadd.s32 $0xFFFFF000  }
0xa8: {  	_ =	swait.ge @!p0 [sflag:s13], $0x1000  }
0xa9: {  	[sflag:s13] =	ssyncset.done @!p0 $0x0  }
0xaa: {  	[sflag:s13] =	ssyncadd.s32 @!p0 $0xFFFFF000;
	s13 =	simm.s32 @!p0 $0x5  }
0xab: {  	_ =	swait.ge @!p0 [sflag:s13], $0x80  }
0xac: {  	[sflag:s13] =	ssyncset.done @!p0 $0x0  }
0xad: {  	s21 =	simm.s32 $0x2A00;
	[sflag:s13] =	ssyncadd.s32 @!p0 $0xFFFFFF80  }
0xae: {  	v2 =	vld [tilespmem:s21+$0x180]  }
0xaf: {  	v3 =	vld [tilespmem:s21+$0xFFFFFE80]  }
0xb0: {  	v4 =	vld [tilespmem:s21+$0xFFFFFF00]  }
0xb1: {  	v5 =	vld [tilespmem:s21+$0xFFFFFF80]  }
0xb2: {  	s14 =	simm.s32 $0x4A00;
	v6 =	vld [tilespmem:s21+$0x0]  }
0xb3: {  	v7 =	vld [tilespmem:s21+$0x80];
	[tilespmem:s14+$0x180] =	vst v2  }
0xb4: {  	[tilespmem:s14+$0xFFFFFE80] =	vst v3;
	v3 =	vld [tilespmem:s21+$0x100]  }
0xb5: {  	[tilespmem:s14+$0xFFFFFF00] =	vst v4;
	v4 =	vld [tilespmem:s21+$0xFFFFFE00]  }
0xb6: {  	[tilespmem:s14+$0xFFFFFF80] =	vst v5;
	v2 =	vld [tilespmem:s21+$0x190]  }
0xb7: {  	[tilespmem:s14+$0x0] =	vst v6;
	v5 =	vld [tilespmem:s21+$0xFFFFFE90]  }
0xb8: {  	[tilespmem:s14+$0x80] =	vst v7;
	v6 =	vld [tilespmem:s21+$0xFFFFFF10]  }
0xb9: {  	v7 =	vld [tilespmem:s21+$0xFFFFFF90];
	[tilespmem:s14+$0x100] =	vst v3  }
0xba: {  	[tilespmem:s14+$0xFFFFFE00] =	vst v4;
	v3 =	vld [tilespmem:s21+$0x10]  }
0xbb: {  	[tilespmem:s14+$0x190] =	vst v2;
	v4 =	vld [tilespmem:s21+$0xFFFFFE10]  }
0xbc: {  	[tilespmem:s14+$0xFFFFFE90] =	vst v5;
	v5 =	vld [tilespmem:s21+$0x90]  }
0xbd: {  	[tilespmem:s14+$0xFFFFFF10] =	vst v6;
	v2 =	vld [tilespmem:s21+$0x1A0]  }
0xbe: {  	[tilespmem:s14+$0xFFFFFF90] =	vst v7;
	v6 =	vld [tilespmem:s21+$0x110]  }
0xbf: {  	v7 =	vld [tilespmem:s21+$0xFFFFFEA0];
	[tilespmem:s14+$0x10] =	vst v3  }
0xc0: {  	v3 =	vld [tilespmem:s21+$0xFFFFFF20];
	[tilespmem:s14+$0xFFFFFE10] =	vst v4  }
0xc1: {  	[tilespmem:s14+$0x90] =	vst v5;
	v5 =	vld [tilespmem:s21+$0xFFFFFFA0]  }
0xc2: {  	[tilespmem:s14+$0x1A0] =	vst v2;
	v4 =	vld [tilespmem:s21+$0xFFFFFE20]  }
0xc3: {  	[tilespmem:s14+$0x110] =	vst v6;
	v2 =	vld [tilespmem:s21+$0x1B0]  }
0xc4: {  	v6 =	vld [tilespmem:s21+$0x20];
	[tilespmem:s14+$0xFFFFFEA0] =	vst v7  }
0xc5: {  	v7 =	vld [tilespmem:s21+$0xA0];
	[tilespmem:s14+$0xFFFFFF20] =	vst v3  }
0xc6: {  	v3 =	vld [tilespmem:s21+$0x120];
	[tilespmem:s14+$0xFFFFFFA0] =	vst v5  }
0xc7: {  	v5 =	vld [tilespmem:s21+$0xFFFFFEB0];
	[tilespmem:s14+$0xFFFFFE20] =	vst v4  }
0xc8: {  	[tilespmem:s14+$0x1B0] =	vst v2;
	v4 =	vld [tilespmem:s21+$0xFFFFFE30]  }
0xc9: {  	[tilespmem:s14+$0x20] =	vst v6;
	v2 =	vld [tilespmem:s21+$0x1C0]  }
0xca: {  	v6 =	vld [tilespmem:s21+$0xFFFFFF30];
	[tilespmem:s14+$0xA0] =	vst v7  }
0xcb: {  	v7 =	vld [tilespmem:s21+$0xFFFFFFB0];
	[tilespmem:s14+$0x120] =	vst v3  }
0xcc: {  	v3 =	vld [tilespmem:s21+$0x30];
	[tilespmem:s14+$0xFFFFFEB0] =	vst v5  }
0xcd: {  	v5 =	vld [tilespmem:s21+$0x130];
	[tilespmem:s14+$0xFFFFFE30] =	vst v4  }
0xce: {  	v4 =	vld [tilespmem:s21+$0xB0];
	[tilespmem:s14+$0x1C0] =	vst v2  }
0xcf: {  	[tilespmem:s14+$0xFFFFFF30] =	vst v6;
	v2 =	vld [tilespmem:s21+$0x1D0]  }
0xd0: {  	[tilespmem:s14+$0xFFFFFFB0] =	vst v7;
	v7 =	vld [tilespmem:s21+$0xFFFFFEC0]  }
0xd1: {  	v6 =	vld [tilespmem:s21+$0xFFFFFE40];
	[tilespmem:s14+$0x30] =	vst v3  }
0xd2: {  	v3 =	vld [tilespmem:s21+$0xFFFFFF40];
	[tilespmem:s14+$0x130] =	vst v5  }
0xd3: {  	v5 =	vld [tilespmem:s21+$0x40];
	[tilespmem:s14+$0xB0] =	vst v4  }
0xd4: {  	v4 =	vld [tilespmem:s21+$0xFFFFFFC0];
	[tilespmem:s14+$0x1D0] =	vst v2  }
0xd5: {  	[tilespmem:s14+$0xFFFFFEC0] =	vst v7;
	v2 =	vld [tilespmem:s21+$0x1E0]  }
0xd6: {  	v7 =	vld [tilespmem:s21+$0x140];
	[tilespmem:s14+$0xFFFFFE40] =	vst v6  }
0xd7: {  	v6 =	vld [tilespmem:s21+$0xC0];
	[tilespmem:s14+$0xFFFFFF40] =	vst v3  }
0xd8: {  	v3 =	vld [tilespmem:s21+$0xFFFFFE50];
	[tilespmem:s14+$0x40] =	vst v5  }
0xd9: {  	[tilespmem:s14+$0xFFFFFFC0] =	vst v4;
	v4 =	vld [tilespmem:s21+$0xFFFFFED0]  }
0xda: {  	v5 =	vld [tilespmem:s21+$0xFFFFFF50];
	[tilespmem:s14+$0x1E0] =	vst v2  }
0xdb: {  	[tilespmem:s14+$0x140] =	vst v7;
	v2 =	vld [tilespmem:s21+$0x1F0]  }
0xdc: {  	v7 =	vld [tilespmem:s21+$0x50];
	[tilespmem:s14+$0xC0] =	vst v6  }
0xdd: {  	v6 =	vld [tilespmem:s21+$0xFFFFFFD0];
	[tilespmem:s14+$0xFFFFFE50] =	vst v3  }
0xde: {  	v3 =	vld [tilespmem:s21+$0x150];
	[tilespmem:s14+$0xFFFFFED0] =	vst v4  }
0xdf: {  	[tilespmem:s14+$0xFFFFFF50] =	vst v5;
	v5 =	vld [tilespmem:s21+$0xFFFFFEE0]  }
0xe0: {  	[tilespmem:s14+$0x1F0] =	vst v2;
	v2 =	vld [tilespmem:s21+$0xD0]  }
0xe1: {  	[tilespmem:s14+$0x50] =	vst v7;
	v4 =	vld [tilespmem:s21+$0xFFFFFE60]  }
0xe2: {  	v8 =	vld [tilespmem:s21+$0x60];
	[tilespmem:s14+$0xFFFFFFD0] =	vst v6  }
0xe3: {  	v6 =	vld [tilespmem:s21+$0xFFFFFF60];
	[tilespmem:s14+$0x150] =	vst v3  }
0xe4: {  	v7 =	vld [tilespmem:s21+$0xFFFFFFE0];
	[tilespmem:s14+$0xFFFFFEE0] =	vst v5  }
0xe5: {  	v5 =	vld [tilespmem:s21+$0x160];
	[tilespmem:s14+$0xD0] =	vst v2  }
0xe6: {  	[tilespmem:s14+$0xFFFFFE60] =	vst v4;
	v4 =	vld [tilespmem:s21+$0xE0]  }
0xe7: {  	[tilespmem:s14+$0x60] =	vst v8;
	v9 =	vld [tilespmem:s21+$0xFFFFFE70]  }
0xe8: {  	[tilespmem:s14+$0xFFFFFF60] =	vst v6;
	v6 =	vld [tilespmem:s21+$0xFFFFFEF0]  }
0xe9: {  	[tilespmem:s14+$0xFFFFFFE0] =	vst v7;
	v2 =	vld [tilespmem:s21+$0xFFFFFF70]  }
0xea: {  	v3 =	vld [tilespmem:s21+$0xFFFFFFF0];
	[tilespmem:s14+$0x160] =	vst v5  }
0xeb: {  	[tilespmem:s14+$0xE0] =	vst v4;
	v4 =	vld [tilespmem:s21+$0x70]  }
0xec: {  	s13 =	sshll.u32 s20, $0x1;
	[tilespmem:s14+$0xFFFFFE70] =	vst v9;
	v5 =	vld [tilespmem:s21+$0xF0]  }
0xed: {  	s17 =	simm.s32 $0x0;
	s15 =	sadd.s32 s16, s13;
	[tilespmem:s14+$0xFFFFFEF0] =	vst v6;
	v6 =	vld [tilespmem:s21+$0x170];
	s21 =	simm.s32 $0x2E00  }
.LBB2_5:
0xee: {  	v7 =	vld [tilespmem:s21+$0x180];
	s17 =	sadd.s32 $0x8, s17;
	[tilespmem:s14+$0xFFFFFF70] =	vst v2  }
0xef: {  	v2 =	vld [tilespmem:s21+$0xFFFFFE80];
	p1 =	slt.u32 s17, $0x18;
	[tilespmem:s14+$0xFFFFFFF0] =	vst v3  }
0xf0: {  	v3 =	vld [tilespmem:s21+$0xFFFFFF00];
	[tilespmem:s14+$0x70] =	vst v4  }
0xf1: {  	v4 =	vld [tilespmem:s21+$0xFFFFFF80];
	[tilespmem:s14+$0xF0] =	vst v5  }
0xf2: {  	v5 =	vld [tilespmem:s21+$0x0];
	[tilespmem:s14+$0x170] =	vst v6;
	s14 =	sadd.s32 $0x400, s14  }
0xf3: {  	v6 =	vld [tilespmem:s21+$0x80];
	[tilespmem:s14+$0x180] =	vst v7  }
0xf4: {  	[tilespmem:s14+$0xFFFFFE80] =	vst v2;
	v2 =	vld [tilespmem:s21+$0x190]  }
0xf5: {  	[tilespmem:s14+$0xFFFFFF00] =	vst v3;
	v3 =	vld [tilespmem:s21+$0x100]  }
0xf6: {  	v7 =	vld [tilespmem:s21+$0xFFFFFE00];
	[tilespmem:s14+$0xFFFFFF80] =	vst v4  }
0xf7: {  	v4 =	vld [tilespmem:s21+$0xFFFFFE90];
	[tilespmem:s14+$0x0] =	vst v5  }
0xf8: {  	v5 =	vld [tilespmem:s21+$0xFFFFFF10];
	[tilespmem:s14+$0x80] =	vst v6  }
0xf9: {  	v6 =	vld [tilespmem:s21+$0xFFFFFF90];
	[tilespmem:s14+$0x190] =	vst v2  }
0xfa: {  	[tilespmem:s14+$0x100] =	vst v3;
	v2 =	vld [tilespmem:s21+$0x1A0]  }
0xfb: {  	[tilespmem:s14+$0xFFFFFE00] =	vst v7;
	v3 =	vld [tilespmem:s21+$0x10]  }
0xfc: {  	v7 =	vld [tilespmem:s21+$0xFFFFFE10];
	[tilespmem:s14+$0xFFFFFE90] =	vst v4  }
0xfd: {  	[tilespmem:s14+$0xFFFFFF10] =	vst v5;
	v4 =	vld [tilespmem:s21+$0x90]  }
0xfe: {  	[tilespmem:s14+$0xFFFFFF90] =	vst v6;
	v5 =	vld [tilespmem:s21+$0x110]  }
0xff: {  	v6 =	vld [tilespmem:s21+$0xFFFFFEA0];
	[tilespmem:s14+$0x1A0] =	vst v2  }
0x100: {  	[tilespmem:s14+$0x10] =	vst v3;
	v2 =	vld [tilespmem:s21+$0x1B0]  }
0x101: {  	[tilespmem:s14+$0xFFFFFE10] =	vst v7;
	v3 =	vld [tilespmem:s21+$0xFFFFFF20]  }
0x102: {  	v7 =	vld [tilespmem:s21+$0xFFFFFE20];
	[tilespmem:s14+$0x90] =	vst v4  }
0x103: {  	v4 =	vld [tilespmem:s21+$0xFFFFFFA0];
	[tilespmem:s14+$0x110] =	vst v5  }
0x104: {  	[tilespmem:s14+$0xFFFFFEA0] =	vst v6;
	v5 =	vld [tilespmem:s21+$0x20]  }
0x105: {  	v6 =	vld [tilespmem:s21+$0xA0];
	[tilespmem:s14+$0x1B0] =	vst v2  }
0x106: {  	[tilespmem:s14+$0xFFFFFF20] =	vst v3;
	v2 =	vld [tilespmem:s21+$0x1C0]  }
0x107: {  	[tilespmem:s14+$0xFFFFFE20] =	vst v7;
	v3 =	vld [tilespmem:s21+$0x120]  }
0x108: {  	v7 =	vld [tilespmem:s21+$0xFFFFFE30];
	[tilespmem:s14+$0xFFFFFFA0] =	vst v4  }
0x109: {  	v4 =	vld [tilespmem:s21+$0xFFFFFEB0];
	[tilespmem:s14+$0x20] =	vst v5  }
0x10a: {  	v5 =	vld [tilespmem:s21+$0xFFFFFF30];
	[tilespmem:s14+$0xA0] =	vst v6  }
0x10b: {  	v6 =	vld [tilespmem:s21+$0xFFFFFFB0];
	[tilespmem:s14+$0x1C0] =	vst v2  }
0x10c: {  	[tilespmem:s14+$0x120] =	vst v3;
	v2 =	vld [tilespmem:s21+$0x1D0]  }
0x10d: {  	[tilespmem:s14+$0xFFFFFE30] =	vst v7;
	v3 =	vld [tilespmem:s21+$0x30]  }
0x10e: {  	[tilespmem:s14+$0xFFFFFEB0] =	vst v4;
	v4 =	vld [tilespmem:s21+$0xB0]  }
0x10f: {  	[tilespmem:s14+$0xFFFFFF30] =	vst v5;
	v5 =	vld [tilespmem:s21+$0x130]  }
0x110: {  	v7 =	vld [tilespmem:s21+$0xFFFFFE40];
	[tilespmem:s14+$0xFFFFFFB0] =	vst v6  }
0x111: {  	v6 =	vld [tilespmem:s21+$0xFFFFFEC0];
	[tilespmem:s14+$0x1D0] =	vst v2  }
0x112: {  	[tilespmem:s14+$0x30] =	vst v3;
	v2 =	vld [tilespmem:s21+$0x1E0]  }
0x113: {  	v3 =	vld [tilespmem:s21+$0xFFFFFF40];
	[tilespmem:s14+$0xB0] =	vst v4  }
0x114: {  	v4 =	vld [tilespmem:s21+$0xFFFFFFC0];
	[tilespmem:s14+$0x130] =	vst v5  }
0x115: {  	[tilespmem:s14+$0xFFFFFE40] =	vst v7;
	v5 =	vld [tilespmem:s21+$0x40]  }
0x116: {  	[tilespmem:s14+$0xFFFFFEC0] =	vst v6;
	v6 =	vld [tilespmem:s21+$0xC0]  }
0x117: {  	v7 =	vld [tilespmem:s21+$0x140];
	[tilespmem:s14+$0x1E0] =	vst v2  }
0x118: {  	[tilespmem:s14+$0xFFFFFF40] =	vst v3;
	v2 =	vld [tilespmem:s21+$0x1F0]  }
0x119: {  	v3 =	vld [tilespmem:s21+$0xFFFFFE50];
	[tilespmem:s14+$0xFFFFFFC0] =	vst v4  }
0x11a: {  	v4 =	vld [tilespmem:s21+$0xFFFFFED0];
	[tilespmem:s14+$0x40] =	vst v5  }
0x11b: {  	v5 =	vld [tilespmem:s21+$0xFFFFFF50];
	[tilespmem:s14+$0xC0] =	vst v6  }
0x11c: {  	v6 =	vld [tilespmem:s21+$0xFFFFFFD0];
	[tilespmem:s14+$0x140] =	vst v7  }
0x11d: {  	v7 =	vld [tilespmem:s21+$0x50];
	[tilespmem:s14+$0x1F0] =	vst v2  }
0x11e: {  	[tilespmem:s14+$0xFFFFFE50] =	vst v3;
	v2 =	vld [tilespmem:s21+$0xD0]  }
0x11f: {  	[tilespmem:s14+$0xFFFFFED0] =	vst v4;
	v3 =	vld [tilespmem:s21+$0x150]  }
0x120: {  	v4 =	vld [tilespmem:s21+$0xFFFFFE60];
	[tilespmem:s14+$0xFFFFFF50] =	vst v5  }
0x121: {  	v5 =	vld [tilespmem:s21+$0xFFFFFEE0];
	[tilespmem:s14+$0xFFFFFFD0] =	vst v6  }
0x122: {  	v6 =	vld [tilespmem:s21+$0xFFFFFF60];
	[tilespmem:s14+$0x50] =	vst v7  }
0x123: {  	v7 =	vld [tilespmem:s21+$0xFFFFFFE0];
	[tilespmem:s14+$0xD0] =	vst v2  }
0x124: {  	v8 =	vld [tilespmem:s21+$0x60];
	[tilespmem:s14+$0x150] =	vst v3  }
0x125: {  	[tilespmem:s14+$0xFFFFFE60] =	vst v4;
	v4 =	vld [tilespmem:s21+$0xE0]  }
0x126: {  	[tilespmem:s14+$0xFFFFFEE0] =	vst v5;
	v5 =	vld [tilespmem:s21+$0x160]  }
0x127: {  	v9 =	vld [tilespmem:s21+$0xFFFFFE70];
	[tilespmem:s14+$0xFFFFFF60] =	vst v6  }
0x128: {  	v6 =	vld [tilespmem:s21+$0xFFFFFEF0];
	[tilespmem:s14+$0xFFFFFFE0] =	vst v7  }
.Ltmp3:
0x129: {  	v2 =	vld [tilespmem:s21+$0xFFFFFF70];
	[tilespmem:s14+$0x60] =	vst v8;
	(pc) =	sbr.rel @p1 .LBB2_5-.Ltmp3, $4  }
0x12a: {  	v3 =	vld [tilespmem:s21+$0xFFFFFFF0];
	[tilespmem:s14+$0xE0] =	vst v4  }
0x12b: {  	v4 =	vld [tilespmem:s21+$0x70];
	[tilespmem:s14+$0x160] =	vst v5  }
0x12c: {  	[tilespmem:s14+$0xFFFFFE70] =	vst v9;
	v5 =	vld [tilespmem:s21+$0xF0]  }
0x12d: {  	[tilespmem:s14+$0xFFFFFEF0] =	vst v6;
	v6 =	vld [tilespmem:s21+$0x170];
	s21 =	sadd.s32 $0x400, s21  }
0x12e: {  	[tilespmem:s14+$0xFFFFFF70] =	vst v2  }
0x12f: {  	[tilespmem:s14+$0xFFFFFFF0] =	vst v3  }
0x130: {  	[tilespmem:s14+$0x70] =	vst v4  }
0x131: {  	s17 =	sshll.u32 s20, $0x8;
	[tilespmem:s14+$0xF0] =	vst v5  }
0x132: {  	p1 =	seq.s32 s20, $0x27;
	s21 =	sand.u32 $0x3FFFFF00, s17;
	[tilespmem:s14+$0x170] =	vst v6  }
0x133: {  	[spmem:s2] =	stream.indirect.scatter.add.f32 [tilespmem:s9], [sflag:$0x3], $0x20, s21, s8, $0xb8;
	[tilespmem:$0xCB80] =	vst v63  }
0x134: {  	s14 =	sshll.u32 @!p1 s15, $0x9  }
0x135: {  	[spmem:s3] =	stream.indirect.scatter.add.f32 [tilespmem:s10], [sflag:$0x5], $0x1, s21, s8, $0xb8;
	[tilespmem:$0xCB80] =	vst v63  }
0x136: {  	s17 =	simm.s32 @!p1 $0x2800;
	s15 =	simm.s32 @!p1 $0x0;
	s14 =	sadd.s32 @!p1 s14, s19  }
0x137: {  	[tilespmem:s17], [sflag:$0x1] =	stream.linear.gather @!p1 [hbm4b:s14+s15], $0x1000, $0x38;
	[tilespmem:$0xCB80] =	vst v63  }
0x138: {  	_ =	swait.ge [sflag:s11], $0x1000  }
0x139: {  	[sflag:s11] =	ssyncset.done $0x0  }
0x13a: {  	s14 =	simm.s32 @!p0 $0x4;
	[sflag:s11] =	ssyncadd.s32 $0xFFFFF000  }
0x13b: {  	_ =	swait.ge @!p0 [sflag:s14], $0x1000  }
0x13c: {  	[sflag:s14] =	ssyncset.done @!p0 $0x0  }
0x13d: {  	[sflag:s14] =	ssyncadd.s32 @!p0 $0xFFFFF000;
	s14 =	simm.s32 @!p0 $0x6  }
0x13e: {  	_ =	swait.ge @!p0 [sflag:s14], $0x80  }
0x13f: {  	[sflag:s14] =	ssyncset.done @!p0 $0x0  }
0x140: {  	s21 =	simm.s32 $0x3A00;
	[sflag:s14] =	ssyncadd.s32 @!p0 $0xFFFFFF80  }
0x141: {  	v2 =	vld [tilespmem:s21+$0x180]  }
0x142: {  	v3 =	vld [tilespmem:s21+$0xFFFFFE80]  }
0x143: {  	v4 =	vld [tilespmem:s21+$0xFFFFFF00]  }
0x144: {  	v5 =	vld [tilespmem:s21+$0xFFFFFF80]  }
0x145: {  	s14 =	simm.s32 $0x5A00;
	v6 =	vld [tilespmem:s21+$0x0]  }
0x146: {  	v7 =	vld [tilespmem:s21+$0x80];
	[tilespmem:s14+$0x180] =	vst v2  }
0x147: {  	[tilespmem:s14+$0xFFFFFE80] =	vst v3;
	v3 =	vld [tilespmem:s21+$0x100]  }
0x148: {  	[tilespmem:s14+$0xFFFFFF00] =	vst v4;
	v4 =	vld [tilespmem:s21+$0xFFFFFE00]  }
0x149: {  	[tilespmem:s14+$0xFFFFFF80] =	vst v5;
	v2 =	vld [tilespmem:s21+$0x190]  }
0x14a: {  	[tilespmem:s14+$0x0] =	vst v6;
	v5 =	vld [tilespmem:s21+$0xFFFFFE90]  }
0x14b: {  	[tilespmem:s14+$0x80] =	vst v7;
	v6 =	vld [tilespmem:s21+$0xFFFFFF10]  }
0x14c: {  	v7 =	vld [tilespmem:s21+$0xFFFFFF90];
	[tilespmem:s14+$0x100] =	vst v3  }
0x14d: {  	[tilespmem:s14+$0xFFFFFE00] =	vst v4;
	v3 =	vld [tilespmem:s21+$0x10]  }
0x14e: {  	[tilespmem:s14+$0x190] =	vst v2;
	v4 =	vld [tilespmem:s21+$0xFFFFFE10]  }
0x14f: {  	[tilespmem:s14+$0xFFFFFE90] =	vst v5;
	v5 =	vld [tilespmem:s21+$0x90]  }
0x150: {  	[tilespmem:s14+$0xFFFFFF10] =	vst v6;
	v2 =	vld [tilespmem:s21+$0x1A0]  }
0x151: {  	[tilespmem:s14+$0xFFFFFF90] =	vst v7;
	v6 =	vld [tilespmem:s21+$0x110]  }
0x152: {  	v7 =	vld [tilespmem:s21+$0xFFFFFEA0];
	[tilespmem:s14+$0x10] =	vst v3  }
0x153: {  	v3 =	vld [tilespmem:s21+$0xFFFFFF20];
	[tilespmem:s14+$0xFFFFFE10] =	vst v4  }
0x154: {  	[tilespmem:s14+$0x90] =	vst v5;
	v5 =	vld [tilespmem:s21+$0xFFFFFFA0]  }
0x155: {  	[tilespmem:s14+$0x1A0] =	vst v2;
	v4 =	vld [tilespmem:s21+$0xFFFFFE20]  }
0x156: {  	[tilespmem:s14+$0x110] =	vst v6;
	v2 =	vld [tilespmem:s21+$0x1B0]  }
0x157: {  	v6 =	vld [tilespmem:s21+$0x20];
	[tilespmem:s14+$0xFFFFFEA0] =	vst v7  }
0x158: {  	v7 =	vld [tilespmem:s21+$0xA0];
	[tilespmem:s14+$0xFFFFFF20] =	vst v3  }
0x159: {  	v3 =	vld [tilespmem:s21+$0x120];
	[tilespmem:s14+$0xFFFFFFA0] =	vst v5  }
0x15a: {  	v5 =	vld [tilespmem:s21+$0xFFFFFEB0];
	[tilespmem:s14+$0xFFFFFE20] =	vst v4  }
0x15b: {  	[tilespmem:s14+$0x1B0] =	vst v2;
	v4 =	vld [tilespmem:s21+$0xFFFFFE30]  }
0x15c: {  	[tilespmem:s14+$0x20] =	vst v6;
	v2 =	vld [tilespmem:s21+$0x1C0]  }
0x15d: {  	v6 =	vld [tilespmem:s21+$0xFFFFFF30];
	[tilespmem:s14+$0xA0] =	vst v7  }
0x15e: {  	v7 =	vld [tilespmem:s21+$0xFFFFFFB0];
	[tilespmem:s14+$0x120] =	vst v3  }
0x15f: {  	v3 =	vld [tilespmem:s21+$0x30];
	[tilespmem:s14+$0xFFFFFEB0] =	vst v5  }
0x160: {  	v5 =	vld [tilespmem:s21+$0x130];
	[tilespmem:s14+$0xFFFFFE30] =	vst v4  }
0x161: {  	v4 =	vld [tilespmem:s21+$0xB0];
	[tilespmem:s14+$0x1C0] =	vst v2  }
0x162: {  	[tilespmem:s14+$0xFFFFFF30] =	vst v6;
	v2 =	vld [tilespmem:s21+$0x1D0]  }
0x163: {  	[tilespmem:s14+$0xFFFFFFB0] =	vst v7;
	v7 =	vld [tilespmem:s21+$0xFFFFFEC0]  }
0x164: {  	v6 =	vld [tilespmem:s21+$0xFFFFFE40];
	[tilespmem:s14+$0x30] =	vst v3  }
0x165: {  	v3 =	vld [tilespmem:s21+$0xFFFFFF40];
	[tilespmem:s14+$0x130] =	vst v5  }
0x166: {  	v5 =	vld [tilespmem:s21+$0x40];
	[tilespmem:s14+$0xB0] =	vst v4  }
0x167: {  	v4 =	vld [tilespmem:s21+$0xFFFFFFC0];
	[tilespmem:s14+$0x1D0] =	vst v2  }
0x168: {  	[tilespmem:s14+$0xFFFFFEC0] =	vst v7;
	v2 =	vld [tilespmem:s21+$0x1E0]  }
0x169: {  	v7 =	vld [tilespmem:s21+$0x140];
	[tilespmem:s14+$0xFFFFFE40] =	vst v6  }
0x16a: {  	v6 =	vld [tilespmem:s21+$0xC0];
	[tilespmem:s14+$0xFFFFFF40] =	vst v3  }
0x16b: {  	v3 =	vld [tilespmem:s21+$0xFFFFFE50];
	[tilespmem:s14+$0x40] =	vst v5  }
0x16c: {  	[tilespmem:s14+$0xFFFFFFC0] =	vst v4;
	v4 =	vld [tilespmem:s21+$0xFFFFFED0]  }
0x16d: {  	v5 =	vld [tilespmem:s21+$0xFFFFFF50];
	[tilespmem:s14+$0x1E0] =	vst v2  }
0x16e: {  	[tilespmem:s14+$0x140] =	vst v7;
	v2 =	vld [tilespmem:s21+$0x1F0]  }
0x16f: {  	v7 =	vld [tilespmem:s21+$0x50];
	[tilespmem:s14+$0xC0] =	vst v6  }
0x170: {  	v6 =	vld [tilespmem:s21+$0xFFFFFFD0];
	[tilespmem:s14+$0xFFFFFE50] =	vst v3  }
0x171: {  	v3 =	vld [tilespmem:s21+$0x150];
	[tilespmem:s14+$0xFFFFFED0] =	vst v4  }
0x172: {  	[tilespmem:s14+$0xFFFFFF50] =	vst v5;
	v5 =	vld [tilespmem:s21+$0xFFFFFEE0]  }
0x173: {  	[tilespmem:s14+$0x1F0] =	vst v2;
	v2 =	vld [tilespmem:s21+$0xD0]  }
0x174: {  	[tilespmem:s14+$0x50] =	vst v7;
	v4 =	vld [tilespmem:s21+$0xFFFFFE60]  }
0x175: {  	v8 =	vld [tilespmem:s21+$0x60];
	[tilespmem:s14+$0xFFFFFFD0] =	vst v6  }
0x176: {  	v6 =	vld [tilespmem:s21+$0xFFFFFF60];
	[tilespmem:s14+$0x150] =	vst v3  }
0x177: {  	v7 =	vld [tilespmem:s21+$0xFFFFFFE0];
	[tilespmem:s14+$0xFFFFFEE0] =	vst v5  }
0x178: {  	v5 =	vld [tilespmem:s21+$0x160];
	[tilespmem:s14+$0xD0] =	vst v2  }
0x179: {  	[tilespmem:s14+$0xFFFFFE60] =	vst v4;
	v4 =	vld [tilespmem:s21+$0xE0]  }
0x17a: {  	[tilespmem:s14+$0x60] =	vst v8;
	v9 =	vld [tilespmem:s21+$0xFFFFFE70]  }
0x17b: {  	[tilespmem:s14+$0xFFFFFF60] =	vst v6;
	v6 =	vld [tilespmem:s21+$0xFFFFFEF0]  }
0x17c: {  	[tilespmem:s14+$0xFFFFFFE0] =	vst v7;
	v2 =	vld [tilespmem:s21+$0xFFFFFF70]  }
0x17d: {  	v3 =	vld [tilespmem:s21+$0xFFFFFFF0];
	[tilespmem:s14+$0x160] =	vst v5  }
0x17e: {  	[tilespmem:s14+$0xE0] =	vst v4;
	v4 =	vld [tilespmem:s21+$0x70]  }
0x17f: {  	s15 =	sor.u32 $0x1, s13;
	[tilespmem:s14+$0xFFFFFE70] =	vst v9;
	v5 =	vld [tilespmem:s21+$0xF0]  }
0x180: {  	s17 =	simm.s32 $0x0;
	s13 =	sadd.s32 s16, s15;
	[tilespmem:s14+$0xFFFFFEF0] =	vst v6;
	v6 =	vld [tilespmem:s21+$0x170];
	s21 =	simm.s32 $0x3E00  }
.LBB2_7:
0x181: {  	v7 =	vld [tilespmem:s21+$0x180];
	s17 =	sadd.s32 $0x8, s17;
	[tilespmem:s14+$0xFFFFFF70] =	vst v2  }
0x182: {  	v2 =	vld [tilespmem:s21+$0xFFFFFE80];
	p0 =	slt.u32 s17, $0x18;
	[tilespmem:s14+$0xFFFFFFF0] =	vst v3  }
0x183: {  	v3 =	vld [tilespmem:s21+$0xFFFFFF00];
	[tilespmem:s14+$0x70] =	vst v4  }
0x184: {  	v4 =	vld [tilespmem:s21+$0xFFFFFF80];
	[tilespmem:s14+$0xF0] =	vst v5  }
0x185: {  	v5 =	vld [tilespmem:s21+$0x0];
	[tilespmem:s14+$0x170] =	vst v6;
	s14 =	sadd.s32 $0x400, s14  }
0x186: {  	v6 =	vld [tilespmem:s21+$0x80];
	[tilespmem:s14+$0x180] =	vst v7  }
0x187: {  	[tilespmem:s14+$0xFFFFFE80] =	vst v2;
	v2 =	vld [tilespmem:s21+$0x190]  }
0x188: {  	[tilespmem:s14+$0xFFFFFF00] =	vst v3;
	v3 =	vld [tilespmem:s21+$0x100]  }
0x189: {  	v7 =	vld [tilespmem:s21+$0xFFFFFE00];
	[tilespmem:s14+$0xFFFFFF80] =	vst v4  }
0x18a: {  	v4 =	vld [tilespmem:s21+$0xFFFFFE90];
	[tilespmem:s14+$0x0] =	vst v5  }
0x18b: {  	v5 =	vld [tilespmem:s21+$0xFFFFFF10];
	[tilespmem:s14+$0x80] =	vst v6  }
0x18c: {  	v6 =	vld [tilespmem:s21+$0xFFFFFF90];
	[tilespmem:s14+$0x190] =	vst v2  }
0x18d: {  	[tilespmem:s14+$0x100] =	vst v3;
	v2 =	vld [tilespmem:s21+$0x1A0]  }
0x18e: {  	[tilespmem:s14+$0xFFFFFE00] =	vst v7;
	v3 =	vld [tilespmem:s21+$0x10]  }
0x18f: {  	v7 =	vld [tilespmem:s21+$0xFFFFFE10];
	[tilespmem:s14+$0xFFFFFE90] =	vst v4  }
0x190: {  	[tilespmem:s14+$0xFFFFFF10] =	vst v5;
	v4 =	vld [tilespmem:s21+$0x90]  }
0x191: {  	[tilespmem:s14+$0xFFFFFF90] =	vst v6;
	v5 =	vld [tilespmem:s21+$0x110]  }
0x192: {  	v6 =	vld [tilespmem:s21+$0xFFFFFEA0];
	[tilespmem:s14+$0x1A0] =	vst v2  }
0x193: {  	[tilespmem:s14+$0x10] =	vst v3;
	v2 =	vld [tilespmem:s21+$0x1B0]  }
0x194: {  	[tilespmem:s14+$0xFFFFFE10] =	vst v7;
	v3 =	vld [tilespmem:s21+$0xFFFFFF20]  }
0x195: {  	v7 =	vld [tilespmem:s21+$0xFFFFFE20];
	[tilespmem:s14+$0x90] =	vst v4  }
0x196: {  	v4 =	vld [tilespmem:s21+$0xFFFFFFA0];
	[tilespmem:s14+$0x110] =	vst v5  }
0x197: {  	[tilespmem:s14+$0xFFFFFEA0] =	vst v6;
	v5 =	vld [tilespmem:s21+$0x20]  }
0x198: {  	v6 =	vld [tilespmem:s21+$0xA0];
	[tilespmem:s14+$0x1B0] =	vst v2  }
0x199: {  	[tilespmem:s14+$0xFFFFFF20] =	vst v3;
	v2 =	vld [tilespmem:s21+$0x1C0]  }
0x19a: {  	[tilespmem:s14+$0xFFFFFE20] =	vst v7;
	v3 =	vld [tilespmem:s21+$0x120]  }
0x19b: {  	v7 =	vld [tilespmem:s21+$0xFFFFFE30];
	[tilespmem:s14+$0xFFFFFFA0] =	vst v4  }
0x19c: {  	v4 =	vld [tilespmem:s21+$0xFFFFFEB0];
	[tilespmem:s14+$0x20] =	vst v5  }
0x19d: {  	v5 =	vld [tilespmem:s21+$0xFFFFFF30];
	[tilespmem:s14+$0xA0] =	vst v6  }
0x19e: {  	v6 =	vld [tilespmem:s21+$0xFFFFFFB0];
	[tilespmem:s14+$0x1C0] =	vst v2  }
0x19f: {  	[tilespmem:s14+$0x120] =	vst v3;
	v2 =	vld [tilespmem:s21+$0x1D0]  }
0x1a0: {  	[tilespmem:s14+$0xFFFFFE30] =	vst v7;
	v3 =	vld [tilespmem:s21+$0x30]  }
0x1a1: {  	[tilespmem:s14+$0xFFFFFEB0] =	vst v4;
	v4 =	vld [tilespmem:s21+$0xB0]  }
0x1a2: {  	[tilespmem:s14+$0xFFFFFF30] =	vst v5;
	v5 =	vld [tilespmem:s21+$0x130]  }
0x1a3: {  	v7 =	vld [tilespmem:s21+$0xFFFFFE40];
	[tilespmem:s14+$0xFFFFFFB0] =	vst v6  }
0x1a4: {  	v6 =	vld [tilespmem:s21+$0xFFFFFEC0];
	[tilespmem:s14+$0x1D0] =	vst v2  }
0x1a5: {  	[tilespmem:s14+$0x30] =	vst v3;
	v2 =	vld [tilespmem:s21+$0x1E0]  }
0x1a6: {  	v3 =	vld [tilespmem:s21+$0xFFFFFF40];
	[tilespmem:s14+$0xB0] =	vst v4  }
0x1a7: {  	v4 =	vld [tilespmem:s21+$0xFFFFFFC0];
	[tilespmem:s14+$0x130] =	vst v5  }
0x1a8: {  	[tilespmem:s14+$0xFFFFFE40] =	vst v7;
	v5 =	vld [tilespmem:s21+$0x40]  }
0x1a9: {  	[tilespmem:s14+$0xFFFFFEC0] =	vst v6;
	v6 =	vld [tilespmem:s21+$0xC0]  }
0x1aa: {  	v7 =	vld [tilespmem:s21+$0x140];
	[tilespmem:s14+$0x1E0] =	vst v2  }
0x1ab: {  	[tilespmem:s14+$0xFFFFFF40] =	vst v3;
	v2 =	vld [tilespmem:s21+$0x1F0]  }
0x1ac: {  	v3 =	vld [tilespmem:s21+$0xFFFFFE50];
	[tilespmem:s14+$0xFFFFFFC0] =	vst v4  }
0x1ad: {  	v4 =	vld [tilespmem:s21+$0xFFFFFED0];
	[tilespmem:s14+$0x40] =	vst v5  }
0x1ae: {  	v5 =	vld [tilespmem:s21+$0xFFFFFF50];
	[tilespmem:s14+$0xC0] =	vst v6  }
0x1af: {  	v6 =	vld [tilespmem:s21+$0xFFFFFFD0];
	[tilespmem:s14+$0x140] =	vst v7  }
0x1b0: {  	v7 =	vld [tilespmem:s21+$0x50];
	[tilespmem:s14+$0x1F0] =	vst v2  }
0x1b1: {  	[tilespmem:s14+$0xFFFFFE50] =	vst v3;
	v2 =	vld [tilespmem:s21+$0xD0]  }
0x1b2: {  	[tilespmem:s14+$0xFFFFFED0] =	vst v4;
	v3 =	vld [tilespmem:s21+$0x150]  }
0x1b3: {  	v4 =	vld [tilespmem:s21+$0xFFFFFE60];
	[tilespmem:s14+$0xFFFFFF50] =	vst v5  }
0x1b4: {  	v5 =	vld [tilespmem:s21+$0xFFFFFEE0];
	[tilespmem:s14+$0xFFFFFFD0] =	vst v6  }
0x1b5: {  	v6 =	vld [tilespmem:s21+$0xFFFFFF60];
	[tilespmem:s14+$0x50] =	vst v7  }
0x1b6: {  	v7 =	vld [tilespmem:s21+$0xFFFFFFE0];
	[tilespmem:s14+$0xD0] =	vst v2  }
0x1b7: {  	v8 =	vld [tilespmem:s21+$0x60];
	[tilespmem:s14+$0x150] =	vst v3  }
0x1b8: {  	[tilespmem:s14+$0xFFFFFE60] =	vst v4;
	v4 =	vld [tilespmem:s21+$0xE0]  }
0x1b9: {  	[tilespmem:s14+$0xFFFFFEE0] =	vst v5;
	v5 =	vld [tilespmem:s21+$0x160]  }
0x1ba: {  	v9 =	vld [tilespmem:s21+$0xFFFFFE70];
	[tilespmem:s14+$0xFFFFFF60] =	vst v6  }
0x1bb: {  	v6 =	vld [tilespmem:s21+$0xFFFFFEF0];
	[tilespmem:s14+$0xFFFFFFE0] =	vst v7  }
.Ltmp4:
0x1bc: {  	v2 =	vld [tilespmem:s21+$0xFFFFFF70];
	[tilespmem:s14+$0x60] =	vst v8;
	(pc) =	sbr.rel @p0 .LBB2_7-.Ltmp4, $4  }
0x1bd: {  	v3 =	vld [tilespmem:s21+$0xFFFFFFF0];
	[tilespmem:s14+$0xE0] =	vst v4  }
0x1be: {  	v4 =	vld [tilespmem:s21+$0x70];
	[tilespmem:s14+$0x160] =	vst v5  }
0x1bf: {  	[tilespmem:s14+$0xFFFFFE70] =	vst v9;
	v5 =	vld [tilespmem:s21+$0xF0]  }
0x1c0: {  	[tilespmem:s14+$0xFFFFFEF0] =	vst v6;
	v6 =	vld [tilespmem:s21+$0x170];
	s21 =	sadd.s32 $0x400, s21  }
0x1c1: {  	[tilespmem:s14+$0xFFFFFF70] =	vst v2  }
0x1c2: {  	[tilespmem:s14+$0xFFFFFFF0] =	vst v3  }
0x1c3: {  	[tilespmem:s14+$0x70] =	vst v4  }
.Ltmp5:
0x1c4: {  	s15 =	sshll.u32 s15, $0x7;
	[tilespmem:s14+$0xF0] =	vst v5;
	(pc) =	sbr.rel @p1 .LBB2_10-.Ltmp5, $4  }
0x1c5: {  	s21 =	sand.u32 $0x3FFFFF80, s15;
	[tilespmem:s14+$0x170] =	vst v6  }
0x1c6: {  	[spmem:s2] =	stream.indirect.scatter.add.f32 [tilespmem:s12], [sflag:$0x4], $0x20, s21, s8, $0xb8;
	[tilespmem:$0xCB80] =	vst v63  }
0x1c7: {  	_ = 	snop  }
0x1c8: {  	[spmem:s3] =	stream.indirect.scatter.add.f32 [tilespmem:s10], [sflag:$0x6], $0x1, s21, s8, $0xb8;
	[tilespmem:$0xCB80] =	vst v63  }
.Ltmp6:
0x1c9: {  	(pc) =	sbr.rel .LBB2_4-.Ltmp6, $4  }
0x1ca: {  	_ = 	snop  }
0x1cb: {  	s13 =	sshll.u32 s13, $0x9  }
0x1cc: {  	s20 =	sadd.s32 $0x1, s20;
	s13 =	sadd.s32 s13, s19  }
0x1cd: {  	[tilespmem:s1], [sflag:$0x2] =	stream.linear.gather [hbm4b:s13+s4], $0x1000, $0x38;
	[tilespmem:$0xCB80] =	vst v63  }
.LBB2_11:
0x1ce: {  	_ =	sfence.sel $0x180000  }
0x1cf: {  	[bflag:$0x0] =	sbarrier.arrive $0xFFFF  }
0x1d0: {  	_ =	strace $0x9000004A  }
0x1d1: {  	s0 =	stileid.u32;
	[bflag:$0x2] =	sbarrier.arrive $0xFFFF  }
0x1d2: {  	p0 =	sne.s32 s0, $0x0;
	s0 =	rddreg [dreg:$0x3]  }
0x1d3: {  	s0 =	sadd.s32 @!p0 $0x100000, s0  }
0x1d4: {  	[sflag:s0] =	ssyncadd.tile.s32 @!p0 $0x1;
	_ =	shalt  }
.Lfunc_end2:
_tile_overlayer_lowered:
.L_overlay_start_2:
0x1d5: {  	(tag) =	ssettag $0x2  }
0x1d6: {  	s0 =	rddreg [dreg:$0x0];
	s2 =	stileid.u32  }
0x1d7: {  	s1 =	rddreg [dreg:$0x1];
	p0 =	sne.s32 s2, $0x0  }
0x1d8: {  	s3 =	rddreg [dreg:$0x2];
	[bflag:$0x3] =	sbarrier.arrive $0xFFFF;
	s2 =	simm.s32 @!p0 $0x1C07  }
0x1d9: {  	[timem:s3], [sflag:s2] =	dma.local @!p0 [hbm:s0], s1  }
0x1da: {  	s0 =	simm.s32 @!p0 $0x7  }
0x1db: {  	_ =	swait.ge @!p0 [sflag:s0], s1  }
0x1dc: {  	s1 =	ssub.s32 @!p0 $0x0, s1;
	[sflag:s0] =	ssyncset.done @!p0 $0x0  }
0x1dd: {  	[sflag:s0] =	ssyncadd.s32 @!p0 s1  }
0x1de: {  	[bflag:$0x3] =	sbarrier.arrive $0xFFFF  }
0x1df: {  	_ =	shalt  }

// kernel: kernel.7.cloned.1.call-start
scs
__scs_entry_jumppad:
0x0: {  	(pc) =	sbr.rel $0x88, $3  }
0x1: {  	(tag) =	ssettag $0x0;
	lr =	simm.s32 $0x1  }
0x2: {  	[smem:$0x3F8D] =	sst lr;
	_ =	strace $0xD0000000  }
0x3: {  	_ = 	snop  }
0x4: {  	_ = 	snop  }
0x5: {  	_ = 	snop  }
0x6: {  	_ = 	snop  }
0x7: {  	_ = 	snop  }
__scs_overlays_trampoline_lowered:
0x8: {  	[smem:$0x3F9C] =	sst s0  }
0x9: {  	[smem:$0x3F9D] =	sst s1  }
0xa: {  	[smem:$0x3F9E] =	sst s2  }
0xb: {  	[smem:$0x3F9F] =	sst s3  }
0xc: {  	[smem:$0x3FA0] =	sst s4  }
0xd: {  	[smem:$0x3FA1] =	sst s5  }
0xe: {  	[smem:$0x3FA2] =	sst s6  }
0xf: {  	[smem:$0x3FA3] =	sst s7  }
0x10: {  	[smem:$0x3FA4] =	sst s8  }
0x11: {  	[smem:$0x3FA5] =	sst s9;
	s0 =	simm.s32 @!p0 $0x0  }
0x12: {  	s1 =	sld [smem:$0x3F8B];
	s0 =	simm.s32 @p0 $0x1  }
0x13: {  	[smem:$0x3FA6] =	sst s0;
	s0 =	simm.s32 @!p1 $0x0  }
0x14: {  	s2 =	sld [smem:$0x3F8A];
	s0 =	simm.s32 @p1 $0x1  }
0x15: {  	[smem:$0x3FA7] =	sst s0;
	s0 =	simm.s32 @!p2 $0x0  }
0x16: {  	s3 =	sld [smem:$0x3FDB];
	s0 =	simm.s32 @p2 $0x1  }
0x17: {  	s4 =	simm.s32 $0x1BF5;
	[smem:$0x3FA9] =	sst s0  }
0x18: {  	s0 =	sld [smem:$0x3F8C];
	_ =	swait.ge [sflag:s4], $0x0  }
0x19: {  	s7 =	sld [smem:$0x3F8D]  }
0x1a: {  	s8 =	sadd.s32 $0xFFFFE003, lr  }
0x1b: {  	s9 =	sadd.s32 $0xFFFFFEF7, lr;
	s5 =	simm.s32 $0xFFFFFFFF;
	p2 =	slt.u32 s8, $0xFFFFF086  }
0x1c: {  	p1 =	slt.u32 s9, $0xF7A;
	s5 =	simm.s32 @!p2 $0x0  }
0x1d: {  	s5 =	simm.s32 @p1 $0x1;
	p0 =	seq.s32 s7, s2  }
0x1e: {  	s7 =	smul.u32 @!p0 $0xF7A, s2;
	p2 =	seq.s32 @!p0 s5, $0x0  }
0x1f: {  	s9 =	smul.u32 $0xF7A, s1;
	s8 =	simm.s32 @!p0 $0x1BF5;
	p2 =	por !p2, p0  }
0x20: {  	[sflag:s8] =	ssyncset.s32 @!p0 $0xFFFFF086;
	s6 =	sadd.s32 @!p0 s3, s7;
	s7 =	simm.s32 @!p0 $0x108  }
0x21: {  	s3 =	sadd.s32 s3, s9;
	s6 =	sadd.s32 @!p0 $0x88, s6;
	s7 =	simm.s32 @p2 $0x1082  }
0x22: {  	[simem:s7], [sflag:s8] =	dma.local @!p0 [hbm:s6], $0xF7A  }
0x23: {  	s9 =	sor.u32 $0xD0000000, s2;
	s6 =	simm.s32 $0x108;
	_ =	swait.ge @!p0 [sflag:s8], $0x0  }
0x24: {  	s3 =	sadd.s32 $0x88, s3;
	s6 =	simm.s32 @!p1 $0x1082;
	[sflag:s4] =	ssyncset.s32 $0xFFFFF086  }
0x25: {  	[simem:s6], [sflag:s4] =	dma.local [hbm:s3], $0xF7A  }
0x26: {  	[smem:$0x3F8D] =	sst s1;
	(tag) =	ssettag s2;
	_ =	strace s9  }
0x27: {  	s1 =	sld [smem:$0x3F9D]  }
0x28: {  	s2 =	sld [smem:$0x3F9E]  }
0x29: {  	s4 =	sld [smem:$0x3FA0]  }
0x2a: {  	p0 =	seq.s32 s5, $0x0;
	s5 =	sld [smem:$0x3FA1]  }
0x2b: {  	s6 =	sld [smem:$0x3FA2]  }
0x2c: {  	s7 =	sld [smem:$0x3FA3]  }
0x2d: {  	s3 =	simm.s32 $0x108;
	s8 =	sld [smem:$0x3FA4]  }
0x2e: {  	s3 =	simm.s32 @!p0 $0x1082;
	s9 =	sld [smem:$0x3FA5]  }
0x2f: {  	lr =	sadd.s32 s0, s3;
	s0 =	sld [smem:$0x3F9C]  }
0x30: {  	s3 =	sld [smem:$0x3F9F]  }
0x31: {  	[smem:$0x3FA8] =	sst s10  }
0x32: {  	s10 =	sld [smem:$0x3FA6];
	_ =	sdelay $0x3  }
0x33: {  	p0 =	seq.s32 s10, $0x1;
	s10 =	sld [smem:$0x3FA8];
	_ =	sdelay $0x3  }
0x34: {  	[smem:$0x3FA8] =	sst s10  }
0x35: {  	s10 =	sld [smem:$0x3FA7];
	_ =	sdelay $0x3  }
0x36: {  	p1 =	seq.s32 s10, $0x1;
	s10 =	sld [smem:$0x3FA8];
	_ =	sdelay $0x3  }
0x37: {  	[smem:$0x3FA8] =	sst s10  }
0x38: {  	s10 =	sld [smem:$0x3FA9]  }
0x39: {  	_ = 	snop;
	(pc) =	sbr.ind lr, $3  }
0x3a: {  	_ = 	snop  }
0x3b: {  	_ = 	snop  }
0x3c: {  	p2 =	seq.s32 s10, $0x1;
	s10 =	sld [smem:$0x3FA8]  }
0x3d: {  	_ =	shalt  }
0x3e: {  	_ =	shalt  }
0x3f: {  	_ =	shalt  }
0x40: {  	_ =	shalt  }
0x41: {  	_ =	shalt  }
0x42: {  	_ =	shalt  }
0x43: {  	_ =	shalt  }
0x44: {  	_ =	shalt  }
0x45: {  	_ =	shalt  }
0x46: {  	_ =	shalt  }
0x47: {  	_ =	shalt  }
0x48: {  	_ =	shalt  }
0x49: {  	_ =	shalt  }
0x4a: {  	_ =	shalt  }
0x4b: {  	_ =	shalt  }
0x4c: {  	_ =	shalt  }
0x4d: {  	_ =	shalt  }
0x4e: {  	_ =	shalt  }
0x4f: {  	_ =	shalt  }
0x50: {  	_ =	shalt  }
0x51: {  	_ =	shalt  }
0x52: {  	_ =	shalt  }
0x53: {  	_ =	shalt  }
0x54: {  	_ =	shalt  }
0x55: {  	_ =	shalt  }
0x56: {  	_ =	shalt  }
0x57: {  	_ =	shalt  }
0x58: {  	_ =	shalt  }
0x59: {  	_ =	shalt  }
0x5a: {  	_ =	shalt  }
0x5b: {  	_ =	shalt  }
0x5c: {  	_ =	shalt  }
0x5d: {  	_ =	shalt  }
0x5e: {  	_ =	shalt  }
0x5f: {  	_ =	shalt  }
0x60: {  	_ =	shalt  }
0x61: {  	_ =	shalt  }
0x62: {  	_ =	shalt  }
0x63: {  	_ =	shalt  }
0x64: {  	_ =	shalt  }
0x65: {  	_ =	shalt  }
0x66: {  	_ =	shalt  }
0x67: {  	_ =	shalt  }
0x68: {  	_ =	shalt  }
0x69: {  	_ =	shalt  }
0x6a: {  	_ =	shalt  }
0x6b: {  	_ =	shalt  }
0x6c: {  	_ =	shalt  }
0x6d: {  	_ =	shalt  }
0x6e: {  	_ =	shalt  }
0x6f: {  	_ =	shalt  }
0x70: {  	_ =	shalt  }
0x71: {  	_ =	shalt  }
0x72: {  	_ =	shalt  }
0x73: {  	_ =	shalt  }
0x74: {  	_ =	shalt  }
0x75: {  	_ =	shalt  }
0x76: {  	_ =	shalt  }
0x77: {  	_ =	shalt  }
0x78: {  	_ =	shalt  }
0x79: {  	_ =	shalt  }
0x7a: {  	_ =	shalt  }
0x7b: {  	_ =	shalt  }
0x7c: {  	_ =	shalt  }
0x7d: {  	_ =	shalt  }
0x7e: {  	_ =	shalt  }
0x7f: {  	_ =	shalt  }
0x80: {  	_ =	shalt  }
0x81: {  	_ =	shalt  }
0x82: {  	_ =	shalt  }
0x83: {  	_ =	shalt  }
0x84: {  	_ =	shalt  }
0x85: {  	_ =	shalt  }
0x86: {  	_ =	shalt  }
0x87: {  	_ =	shalt  }
.Lfunc_end0:
.L_simem_size_0:
called_computation_lowered:
.L_overlay_start_0:
0x88: {  	s2 =	sld [smem:$0x3FD9]  }
0x89: {  	s3 =	sld [smem:$0x3FFE];
	_ =	sdelay $0x1  }
0x8a: {  	s1 =	srdreg.scid  }
0x8b: {  	s0 =	sand.u32 $0x1, s1  }
0x8c: {  	s16 =	sshll.u32 s0, $0xA;
	s2 =	sadd.s32 s3, s2  }
0x8d: {  	s2 =	sadd.s32 s2, s16  }
0x8e: {  	[smem:$0x3FB4] =	sst s2  }
0x8f: {  	_ = 	snop  }
0x90: {  	(tm) =	ssettm $0x1  }
0x91: {  	s17 =	sld [smem:$0x3FFB];
	_ =	sdelay $0x3  }
0x92: {  	_ =	strace s17  }
0x93: {  	s2 =	sld [smem:$0x3FFC];
	_ =	sdelay $0x3  }
0x94: {  	_ =	strace s2  }
0x95: {  	s2 =	sld [smem:$0x3FFD];
	_ =	sdelay $0x3  }
0x96: {  	_ =	strace s2  }
0x97: {  	_ =	strace $0x8FFFFFFF  }
0x98: {  	s18 =	sld [smem:$0x3FDB];
	_ =	sdelay $0x1  }
0x99: {  	s19 =	simm.s32 $_scs_section_size  }
0x9a: {  	s4 =	simm.s32 $_size__tile_overlayer_lowered;
	s5 =	simm.s32 $_tile_overlayer_lowered  }
0x9b: {  	s22 =	simm.s32 $0x1BFF;
	s21 =	sshll.u32 s5, $0x1;
	s2 =	sadd.s32 s19, s18  }
0x9c: {  	s6 =	simm.s32 $0x0;
	s20 =	sshll.u32 s4, $0x1;
	s4 =	sadd.s32 s21, s2  }
0x9d: {  	[timem:s6], [sflag:s22] =	dma.local [hbm:s4], s20  }
0x9e: {  	_ =	swait.ge [sflag:s22], s20  }
0x9f: {  	s3 =	ssub.s32 $0x0, s20;
	[sflag:s22] =	ssyncset.done $0x0  }
0xa0: {  	[sflag:s22] =	ssyncadd.s32 s3;
	_ =	sdelay $0x1  }
0xa1: {  	s23 =	simm.s32 $0x1B8B  }
0xa2: {  	_ =	swait.ge [sflag:s23], $0x1  }
0xa3: {  	[sflag:s23] =	ssyncset.done $0x0  }
0xa4: {  	s25 =	simm.s32 $0x1B8E;
	s24 =	sld [smem:$0x3FFE];
	[sflag:s23] =	ssyncadd.s32 $0xFFFFFFFF  }
0xa5: {  	s26 =	simm.s32 $execute0_lowered;
	[smem:$0x3FD2] =	sst s25  }
0xa6: {  	s4 =	sshll.u32 s26, $0x1;
	_ =	strace $0x80000046;
	[dreg:$0x1] =	wrdreg $0xFFFFFFFF  }
0xa7: {  	s28 =	simm.s32 $_size_execute0_lowered;
	s2 =	sadd.s32 s2, s4;
	[dreg:$0x0] =	wrdreg $0x0  }
0xa8: {  	s4 =	sshll.u32 s28, $0x1;
	[dreg:$0x2] =	wrdreg s2  }
0xa9: {  	[dreg:$0x3] =	wrdreg s4  }
0xaa: {  	[dreg:$0x4] =	wrdreg $0xC0  }
0xab: {  	_ =	task [dreg:s6], $0x5FFFF  }
0xac: {  	[dreg:$0x1] =	wrdreg $0xFFFFFFFF  }
0xad: {  	[dreg:$0x0] =	wrdreg $0x60  }
0xae: {  	[dreg:$0x2] =	wrdreg s24  }
0xaf: {  	[dreg:$0x3] =	wrdreg $0xB0000  }
0xb0: {  	[dreg:$0x4] =	wrdreg $0xFE400  }
0xb1: {  	[dreg:$0x5] =	wrdreg $0x9  }
0xb2: {  	_ =	task.clear_ibuf [dreg:s6], $0x6FFFF;
	_ =	strace $0x90000046  }
0xb3: {  	s29 =	simm.s32 $0x9;
	_ =	strace $0x80000048  }
0xb4: {  	_ =	swait.ge [sflag:s29], $0x1  }
0xb5: {  	[sflag:s29] =	ssyncadd.s32 $0xFFFFFFFF  }
0xb6: {  	_ =	strace $0x90000048  }
0xb7: {  	_ =	sfence  }
0xb8: {  	s30 =	sld [smem:$0x0];
	_ =	sdelay $0x2  }
0xb9: {  	s31 =	sshll.u32 s1, $0xD;
	s1 =	sshrl.u32 s1, $0x2  }
0xba: {  	s3 =	sand.u32 $0x4000, s31;
	s1 =	sadd.s32 s1, s30  }
0xbb: {  	s0 =	sor.u32 s3, s0;
	s1 =	sshll.u32 s1, $0x11  }
0xbc: {  	s0 =	sor.u32 s1, s0  }
0xbd: {  	s0 =	sadd.s32 $0x8F2B, s0  }
0xbe: {  	[sflag:s0] =	ssyncadd.remote.s32 $0x1  }
0xbf: {  	_ =	sfence.sel $0xFFFF  }
0xc0: {  	[dreg:$0x0] =	wrdreg $0xFFFFFFFF;
	(pc) =	sbr.abs _section_cstart, $3  }
0xc1: {  	[dreg:$0x1] =	wrdreg $0xFFFFFFFF  }
0xc2: {  	_ =	task.clear_ibuf [dreg:s6], $0x2FFFF;
	_ =	strace $0x9FFFFFFF  }
0xc3: {  	(tm) =	ssettm $0x7FFFFFFF  }
tec
execute0_lowered:
.L_overlay_start_1:
0x0: {  	(tag) =	ssettag $0x1  }
0x1: {  	s0 =	rddreg [dreg:$0x0];
	s1 =	srdreg.scid  }
0x2: {  	s11 =	stileid.u32;
	s2 =	rddreg [dreg:$0x1]  }
0x3: {  	s3 =	rddreg [dreg:$0x2];
	s15 =	simm.s32 $0x7;
	s18 =	simm.s32 $0x80  }
0x4: {  	s21 =	simm.s32 $0x7000;
	s28 =	simm.s32 $0x3;
	s29 =	simm.s32 $0x4  }
0x5: {  	s30 =	simm.s32 $0xA000;
	s31 =	simm.s32 $0x5;
	s1 =	sand.u32 $0x1, s1  }
0x6: {  	s4 =	sshll.u32 s11, $0x1;
	s7 =	smul.u32 $0x4E40, s11;
	s25 =	sshll.u32 s11, $0x6  }
0x7: {  	s6 =	sor.u32 s1, s4;
	s4 =	simm.s32 $0x0;
	s1 =	ssub.s32 $0x2, s1  }
0x8: {  	s5 =	smul.u32 $0x500, s6;
	[smem:$0x7FF] =	sst s4;
	s22 =	sshrl.u32 s7, $0x3  }
0x9: {  	s8 =	sshrl.u32 s1, $0x1;
	s6 =	smul.u32 $0x50, s6;
	s24 =	sadd.s32 s7, s2  }
0xa: {  	s7 =	sadd.s32 s7, s3;
	_ =	strace $0x80000047;
	s10 =	sadd.s32 s22, s0  }
0xb: {  	s23 =	ssub.s32 s1, s8;
	s8 =	sor.u32 $0x1C07, s25;
	s14 =	sshrl.u32 s24, $0x3  }
0xc: {  	s16 =	sshrl.u32 s7, $0x3;
	s24 =	simm.s32 $0x1;
	s25 =	simm.s32 $0x2  }
.Ltmp0:
0xd: {  	s1 =	simm.s32 $0x6;
	s9 =	sadd.s32 s5, s0;
	(pc) =	sbr.rel .LBB2_1-.Ltmp0, $4  }
0xe: {  	s5 =	sadd.s32 $0x2AA00, s0;
	s26 =	sadd.s32 $0xCC00, s10;
	s10 =	sadd.s32 $0x2E00, s10  }
0xf: {  	s12 =	sor.u32 $0x1, s6;
	s13 =	smax.u32 s23, $0x1;
	[dreg:$0x4] =	wrdreg s26  }
0x10: {  	s23 =	simm.s32 $0x8000;
	s0 =	simm.s32 $0x0;
	[dreg:$0x5] =	wrdreg s10  }
0x11: {  	s10 =	sadd.s32 $0x16A00, s9;
	s11 =	sadd.s32 $0x20A00, s9;
	s26 =	simm.s32 $0x9000  }
.LBB2_8:
0x12: {  	s0 =	sadd.s32 $0x1, s0  }
0x13: {  	_ =	swait.ge [sflag:s31], $0x1000;
	p0 =	sne.s32 s0, s13  }
.Ltmp1:
0x14: {  	[sflag:s31] =	ssyncset.done $0x0;
	(pc) =	sbr.rel @!p0 .LBB2_9-.Ltmp1, $4  }
0x15: {  	[sflag:s31] =	ssyncadd.s32 $0xFFFFF000  }
0x16: {  	_ =	swait.ge [sflag:s1], $0x1000  }
0x17: {  	[sflag:s1] =	ssyncset.done $0x0  }
0x18: {  	[sflag:s1] =	ssyncadd.s32 $0xFFFFF000  }
.LBB2_1:
0x19: {  	s7 =	rddreg [dreg:$0x4]  }
0x1a: {  	[spmem:s14], [sflag:s8] =	dma.local [hbm:s7], $0x9C8  }
0x1b: {  	_ =	swait.ge [sflag:s15], $0x9C8  }
0x1c: {  	[sflag:s15] =	ssyncset.done $0x0  }
0x1d: {  	s17 =	rddreg [dreg:$0x5];
	[sflag:s15] =	ssyncadd.s32 $0xFFFFF638  }
0x1e: {  	[spmem:s16], [sflag:s8] =	dma.local [hbm:s17], $0x9C8  }
0x1f: {  	_ =	swait.ge [sflag:s15], $0x9C8  }
0x20: {  	[sflag:s15] =	ssyncset.done $0x0  }
0x21: {  	[sflag:s15] =	ssyncadd.s32 $0xFFFFF638  }
0x22: {  	[tilespmem:s4], [sflag:$0x7] =	stream.linear.gather [hbm4b:s10+s4], $0x2800, $0x38;
	[tilespmem:$0x14C80] =	vst v63  }
0x23: {  	_ =	swait.ge [sflag:s15], $0x2800  }
0x24: {  	[sflag:s15] =	ssyncset.done $0x0  }
0x25: {  	s19 =	simm.s32 $0x2800;
	[sflag:s15] =	ssyncadd.s32 $0xFFFFD800  }
0x26: {  	[tilespmem:s19], [sflag:$0x7] =	stream.linear.gather [hbm4b:s11+s4], $0x2800, $0x38;
	[tilespmem:$0x14C80] =	vst v63  }
0x27: {  	_ =	swait.ge [sflag:s15], $0x2800  }
0x28: {  	[sflag:s15] =	ssyncset.done $0x0  }
0x29: {  	[sflag:s15] =	ssyncadd.s32 $0xFFFFD800  }
0x2a: {  	s9 =	simm.s32 $0x5000;
	[bflag:$0x0] =	sbarrier.arrive $0xFFFF  }
0x2b: {  	[tilespmem:s9], [sflag:$0x1] =	stream.indirect.gather [spmem:s2], $0x20, s4, s18, $0xb8;
	[tilespmem:$0x14C80] =	vst v63  }
0x2c: {  	s20 =	simm.s32 $0x6000  }
0x2d: {  	[tilespmem:s20], [sflag:$0x2] =	stream.indirect.gather [spmem:s3], $0x20, s19, s18, $0xb8;
	[tilespmem:$0x14C80] =	vst v63  }
0x2e: {  	_ = 	snop  }
0x2f: {  	[tilespmem:s21], [sflag:$0x3] =	stream.indirect.gather [spmem:s2], $0x20, s18, s18, $0xb8;
	[tilespmem:$0x14C80] =	vst v63  }
0x30: {  	s22 =	simm.s32 $0x2880;
	s19 =	simm.s32 $0x0  }
0x31: {  	[tilespmem:s23], [sflag:$0x4] =	stream.indirect.gather [spmem:s3], $0x20, s22, s18, $0xb8;
	[tilespmem:$0x14C80] =	vst v63  }
.LBB2_2:
0x32: {  	_ =	swait.ge [sflag:s24], $0x1000  }
0x33: {  	[sflag:s24] =	ssyncset.done $0x0  }
0x34: {  	[sflag:s24] =	ssyncadd.s32 $0xFFFFF000  }
0x35: {  	_ =	swait.ge [sflag:s25], $0x1000  }
0x36: {  	p0 =	seq.s32 s19, $0x0;
	[sflag:s25] =	ssyncset.done $0x0  }
0x37: {  	s7 =	simm.s32 @!p0 $0x5;
	[sflag:s25] =	ssyncadd.s32 $0xFFFFF000  }
0x38: {  	_ =	swait.ge @!p0 [sflag:s7], $0x1000  }
0x39: {  	[sflag:s7] =	ssyncset.done @!p0 $0x0  }
0x3a: {  	s20 =	simm.s32 $0x5200;
	[sflag:s7] =	ssyncadd.s32 @!p0 $0xFFFFF000  }
0x3b: {  	s17 =	simm.s32 $0x6200;
	v0 =	vld [tilespmem:s20+$0x180]  }
0x3c: {  	v1 =	vld [tilespmem:s17+$0x180]  }
0x3d: {  	v2 =	vld [tilespmem:s17+$0xFFFFFE00]  }
0x3e: {  	v3 =	vld [tilespmem:s20+$0xFFFFFE80]  }
0x3f: {  	v4 =	vld [tilespmem:s17+$0xFFFFFE80]  }
0x40: {  	v5 =	vld [tilespmem:s20+$0xFFFFFF00]  }
0x41: {  	v6 =	vld [tilespmem:s17+$0xFFFFFF00]  }
0x42: {  	v7 =	vld [tilespmem:s17+$0xFFFFFF80]  }
0x43: {  	v9 =	vld [tilespmem:s20+$0x0]  }
0x44: {  	v10 =	vld [tilespmem:s17+$0x0]  }
0x45: {  	v11 =	vld [tilespmem:s20+$0x80]  }
0x46: {  	v12 =	vld [tilespmem:s17+$0x80];
	v0 =	vadd.f32 v1, v0  }
0x47: {  	s22 =	simm.s32 $0x9200;
	v1 =	vld [tilespmem:s20+$0xFFFFFF80]  }
0x48: {  	v3 =	vadd.f32 v4, v3;
	v4 =	vld [tilespmem:s20+$0xFFFFFE00];
	[tilespmem:s22+$0x180] =	vst v0  }
0x49: {  	v0 =	vld [tilespmem:s20+$0x190]  }
0x4a: {  	v8 =	vld [tilespmem:s17+$0x190]  }
0x4b: {  	v13 =	vld [tilespmem:s20+$0x100];
	[tilespmem:s22+$0xFFFFFE80] =	vst v3;
	v3 =	vadd.f32 v6, v5  }
0x4c: {  	v6 =	vld [tilespmem:s20+$0xFFFFFE90]  }
0x4d: {  	[tilespmem:s22+$0xFFFFFF00] =	vst v3;
	v3 =	vld [tilespmem:s17+$0xFFFFFE90];
	v1 =	vadd.f32 v7, v1  }
0x4e: {  	v2 =	vadd.f32 v2, v4;
	v4 =	vld [tilespmem:s20+$0xFFFFFF10]  }
0x4f: {  	[tilespmem:s22+$0xFFFFFF80] =	vst v1;
	v1 =	vld [tilespmem:s17+$0xFFFFFF10];
	v0 =	vadd.f32 v8, v0  }
0x50: {  	[tilespmem:s22+$0xFFFFFE00] =	vst v2;
	v2 =	vld [tilespmem:s20+$0xFFFFFF90]  }
0x51: {  	v32 =	vld [tilespmem:s17+$0xFFFFFF90];
	[tilespmem:s22+$0x190] =	vst v0  }
0x52: {  	v0 =	vld [tilespmem:s20+$0x1A0]  }
0x53: {  	v3 =	vadd.f32 v3, v6;
	v5 =	vld [tilespmem:s17+$0x1A0]  }
0x54: {  	v8 =	vld [tilespmem:s17+$0x100]  }
0x55: {  	v7 =	vld [tilespmem:s17+$0xFFFFFE10];
	[tilespmem:s22+$0xFFFFFE90] =	vst v3;
	v1 =	vadd.f32 v1, v4  }
0x56: {  	v4 =	vld [tilespmem:s20+$0xFFFFFEA0]  }
0x57: {  	[tilespmem:s22+$0xFFFFFF10] =	vst v1;
	v1 =	vadd.f32 v32, v2;
	v2 =	vld [tilespmem:s17+$0xFFFFFEA0]  }
0x58: {  	v0 =	vadd.f32 v5, v0;
	v5 =	vld [tilespmem:s20+$0xFFFFFE10]  }
0x59: {  	v36 =	vld [tilespmem:s20+$0xFFFFFF20];
	[tilespmem:s22+$0xFFFFFF90] =	vst v1  }
0x5a: {  	v1 =	vld [tilespmem:s17+$0xFFFFFF20];
	[tilespmem:s22+$0x1A0] =	vst v0;
	v0 =	vadd.f32 v10, v9  }
0x5b: {  	v37 =	vld [tilespmem:s20+$0xFFFFFFA0]  }
0x5c: {  	v30 =	vld [tilespmem:s20+$0x1B0];
	[tilespmem:s22+$0x0] =	vst v0;
	v0 =	vadd.f32 v12, v11  }
0x5d: {  	v31 =	vld [tilespmem:s17+$0x1B0];
	v5 =	vadd.f32 v7, v5  }
0x5e: {  	v33 =	vld [tilespmem:s20+$0x10];
	[tilespmem:s22+$0x80] =	vst v0;
	v0 =	vadd.f32 v8, v13  }
0x5f: {  	v34 =	vld [tilespmem:s20+$0x90];
	[tilespmem:s22+$0xFFFFFE10] =	vst v5  }
0x60: {  	[tilespmem:s22+$0x100] =	vst v0;
	v0 =	vld [tilespmem:s17+$0x90]  }
0x61: {  	v6 =	vld [tilespmem:s20+$0xFFFFFE20]  }
0x62: {  	v9 =	vadd.f32 v31, v30;
	v3 =	vld [tilespmem:s17+$0xFFFFFE20]  }
0x63: {  	v35 =	vld [tilespmem:s20+$0x110]  }
0x64: {  	v7 =	vld [tilespmem:s17+$0x110];
	[tilespmem:s22+$0x1B0] =	vst v9  }
0x65: {  	v2 =	vadd.f32 v2, v4;
	v9 =	vld [tilespmem:s20+$0x1C0]  }
0x66: {  	v1 =	vadd.f32 v1, v36;
	v5 =	vld [tilespmem:s17+$0x1C0]  }
0x67: {  	[tilespmem:s22+$0xFFFFFEA0] =	vst v2;
	v8 =	vld [tilespmem:s17+$0x10];
	v0 =	vadd.f32 v0, v34  }
0x68: {  	v42 =	vld [tilespmem:s20+$0xFFFFFEB0];
	[tilespmem:s22+$0xFFFFFF20] =	vst v1;
	v3 =	vadd.f32 v3, v6  }
0x69: {  	v43 =	vld [tilespmem:s20+$0xFFFFFF30];
	[tilespmem:s22+$0x90] =	vst v0  }
0x6a: {  	v0 =	vadd.f32 v7, v35;
	[tilespmem:s22+$0xFFFFFE20] =	vst v3;
	v40 =	vld [tilespmem:s20+$0xA0]  }
0x6b: {  	v5 =	vadd.f32 v5, v9;
	v4 =	vld [tilespmem:s20+$0xFFFFFE30]  }
0x6c: {  	[tilespmem:s22+$0x110] =	vst v0;
	v0 =	vld [tilespmem:s17+$0xA0]  }
0x6d: {  	[tilespmem:s22+$0x1C0] =	vst v5;
	v41 =	vld [tilespmem:s20+$0x120]  }
0x6e: {  	v5 =	vadd.f32 v8, v33;
	v8 =	vld [tilespmem:s20+$0x1D0]  }
0x6f: {  	v38 =	vld [tilespmem:s17+$0x1D0]  }
0x70: {  	[tilespmem:s22+$0x10] =	vst v5;
	v5 =	vld [tilespmem:s17+$0xFFFFFFA0]  }
0x71: {  	v6 =	vld [tilespmem:s17+$0x120]  }
0x72: {  	v2 =	vld [tilespmem:s17+$0xFFFFFE30]  }
0x73: {  	v39 =	vld [tilespmem:s20+$0x20];
	v0 =	vadd.f32 v0, v40  }
0x74: {  	v7 =	vld [tilespmem:s17+$0x20];
	v8 =	vadd.f32 v38, v8  }
0x75: {  	[tilespmem:s22+$0xA0] =	vst v0;
	v1 =	vadd.f32 v5, v37;
	v5 =	vld [tilespmem:s17+$0xFFFFFEB0]  }
0x76: {  	v0 =	vadd.f32 v6, v41;
	v46 =	vld [tilespmem:s20+$0xB0];
	[tilespmem:s22+$0x1D0] =	vst v8  }
0x77: {  	v8 =	vld [tilespmem:s20+$0x1E0]  }
0x78: {  	[tilespmem:s22+$0x120] =	vst v0;
	v3 =	vld [tilespmem:s17+$0x1E0]  }
0x79: {  	v0 =	vadd.f32 v2, v4;
	[tilespmem:s22+$0xFFFFFFA0] =	vst v1;
	v1 =	vld [tilespmem:s17+$0xFFFFFF30]  }
0x7a: {  	v2 =	vld [tilespmem:s17+$0xB0]  }
0x7b: {  	v4 =	vld [tilespmem:s20+$0x130];
	[tilespmem:s22+$0xFFFFFE30] =	vst v0  }
0x7c: {  	v47 =	vld [tilespmem:s20+$0xFFFFFE40];
	v0 =	vadd.f32 v5, v42  }
0x7d: {  	v5 =	vld [tilespmem:s17+$0x130]  }
0x7e: {  	v3 =	vadd.f32 v3, v8;
	[tilespmem:s22+$0xFFFFFEB0] =	vst v0;
	v0 =	vadd.f32 v1, v43;
	v1 =	vld [tilespmem:s17+$0xFFFFFE40]  }
0x7f: {  	v8 =	vld [tilespmem:s20+$0xFFFFFFB0]  }
0x80: {  	v48 =	vld [tilespmem:s20+$0xFFFFFEC0];
	[tilespmem:s22+$0x1E0] =	vst v3;
	v3 =	vadd.f32 v7, v39  }
0x81: {  	v7 =	vld [tilespmem:s20+$0x1F0]  }
0x82: {  	[tilespmem:s22+$0x20] =	vst v3;
	v3 =	vld [tilespmem:s17+$0xFFFFFFB0]  }
0x83: {  	v45 =	vld [tilespmem:s20+$0x30];
	v1 =	vadd.f32 v1, v47  }
0x84: {  	v6 =	vld [tilespmem:s17+$0x30]  }
0x85: {  	v44 =	vld [tilespmem:s17+$0x1F0];
	[tilespmem:s22+$0xFFFFFE40] =	vst v1  }
0x86: {  	v52 =	vld [tilespmem:s20+$0xFFFFFE50]  }
0x87: {  	[tilespmem:s22+$0xFFFFFF30] =	vst v0;
	v0 =	vadd.f32 v3, v8;
	v3 =	vld [tilespmem:s17+$0xFFFFFEC0]  }
0x88: {  	v8 =	vld [tilespmem:s20+$0xFFFFFF40]  }
0x89: {  	[tilespmem:s22+$0xFFFFFFB0] =	vst v0;
	v0 =	vadd.f32 v6, v45;
	v6 =	vld [tilespmem:s17+$0xFFFFFF40]  }
0x8a: {  	v49 =	vld [tilespmem:s20+$0xFFFFFFC0]  }
0x8b: {  	[tilespmem:s22+$0x30] =	vst v0;
	v0 =	vadd.f32 v2, v46;
	v2 =	vld [tilespmem:s17+$0xFFFFFFC0]  }
0x8c: {  	v50 =	vld [tilespmem:s20+$0x40]  }
0x8d: {  	v1 =	vadd.f32 v3, v48;
	[tilespmem:s22+$0xB0] =	vst v0;
	v0 =	vadd.f32 v5, v4;
	v4 =	vld [tilespmem:s17+$0x40]  }
0x8e: {  	v5 =	vld [tilespmem:s20+$0xC0]  }
0x8f: {  	[tilespmem:s22+$0xFFFFFEC0] =	vst v1;
	v1 =	vadd.f32 v6, v8;
	v6 =	vld [tilespmem:s17+$0xFFFFFE50]  }
0x90: {  	[tilespmem:s22+$0x130] =	vst v0;
	v0 =	vld [tilespmem:s17+$0xC0]  }
0x91: {  	v8 =	vld [tilespmem:s20+$0xFFFFFED0]  }
0x92: {  	v51 =	vld [tilespmem:s20+$0x140]  }
0x93: {  	v3 =	vld [tilespmem:s17+$0x140]  }
0x94: {  	[tilespmem:s22+$0xFFFFFF40] =	vst v1;
	v1 =	vadd.f32 v2, v49;
	v2 =	vld [tilespmem:s17+$0xFFFFFED0]  }
0x95: {  	v53 =	vld [tilespmem:s20+$0xFFFFFF50]  }
0x96: {  	[tilespmem:s22+$0xFFFFFFC0] =	vst v1;
	v1 =	vadd.f32 v4, v50;
	v4 =	vld [tilespmem:s17+$0xFFFFFF50]  }
0x97: {  	v54 =	vld [tilespmem:s20+$0xFFFFFFD0];
	v6 =	vadd.f32 v6, v52  }
0x98: {  	[tilespmem:s22+$0x40] =	vst v1;
	v0 =	vadd.f32 v0, v5;
	v1 =	vld [tilespmem:s17+$0xFFFFFFD0]  }
0x99: {  	v5 =	vld [tilespmem:s20+$0x50];
	[tilespmem:s22+$0xFFFFFE50] =	vst v6  }
0x9a: {  	[tilespmem:s22+$0xC0] =	vst v0;
	v0 =	vadd.f32 v3, v51;
	v3 =	vld [tilespmem:s17+$0x50]  }
0x9b: {  	v2 =	vadd.f32 v2, v8;
	v8 =	vld [tilespmem:s20+$0xFFFFFE60]  }
0x9c: {  	v55 =	vld [tilespmem:s20+$0xD0]  }
0x9d: {  	[tilespmem:s22+$0xFFFFFED0] =	vst v2;
	v2 =	vadd.f32 v4, v53;
	v4 =	vld [tilespmem:s17+$0xFFFFFE60]  }
0x9e: {  	[tilespmem:s22+$0x140] =	vst v0;
	v0 =	vld [tilespmem:s17+$0xD0]  }
0x9f: {  	v57 =	vld [tilespmem:s20+$0xFFFFFEE0]  }
0xa0: {  	v56 =	vld [tilespmem:s20+$0x150]  }
0xa1: {  	v6 =	vld [tilespmem:s17+$0x150]  }
0xa2: {  	[tilespmem:s22+$0xFFFFFF50] =	vst v2;
	v1 =	vadd.f32 v1, v54;
	v2 =	vld [tilespmem:s17+$0xFFFFFEE0]  }
0xa3: {  	v58 =	vld [tilespmem:s20+$0xFFFFFF60]  }
0xa4: {  	[tilespmem:s22+$0xFFFFFFD0] =	vst v1;
	v1 =	vadd.f32 v3, v5;
	v3 =	vld [tilespmem:s17+$0xFFFFFF60]  }
0xa5: {  	v5 =	vld [tilespmem:s20+$0xFFFFFFE0];
	v4 =	vadd.f32 v4, v8  }
0xa6: {  	[tilespmem:s22+$0x50] =	vst v1;
	v0 =	vadd.f32 v0, v55;
	v1 =	vld [tilespmem:s17+$0xFFFFFFE0]  }
0xa7: {  	v59 =	vld [tilespmem:s20+$0x60];
	[tilespmem:s22+$0xFFFFFE60] =	vst v4  }
0xa8: {  	[tilespmem:s22+$0xD0] =	vst v0;
	v0 =	vadd.f32 v6, v56;
	v6 =	vld [tilespmem:s17+$0x60]  }
0xa9: {  	v2 =	vadd.f32 v2, v57;
	v61 =	vld [tilespmem:s20+$0xFFFFFE70]  }
0xaa: {  	v60 =	vld [tilespmem:s20+$0xE0]  }
0xab: {  	[tilespmem:s22+$0xFFFFFEE0] =	vst v2;
	v2 =	vadd.f32 v3, v58;
	v3 =	vld [tilespmem:s17+$0xFFFFFE70]  }
0xac: {  	[tilespmem:s22+$0x150] =	vst v0;
	v0 =	vld [tilespmem:s17+$0xE0]  }
0xad: {  	v62 =	vld [tilespmem:s20+$0xFFFFFEF0]  }
0xae: {  	v8 =	vld [tilespmem:s20+$0x160]  }
0xaf: {  	v4 =	vld [tilespmem:s17+$0x160]  }
0xb0: {  	[tilespmem:s22+$0xFFFFFF60] =	vst v2;
	v1 =	vadd.f32 v1, v5;
	v5 =	vld [tilespmem:s17+$0xFFFFFEF0]  }
0xb1: {  	v14 =	vld [tilespmem:s20+$0xFFFFFF70]  }
0xb2: {  	[tilespmem:s22+$0xFFFFFFE0] =	vst v1;
	v1 =	vadd.f32 v6, v59;
	v6 =	vld [tilespmem:s17+$0xFFFFFF70]  }
0xb3: {  	v2 =	vadd.f32 v44, v7;
	v7 =	vld [tilespmem:s20+$0xFFFFFFF0]  }
0xb4: {  	v63 =	vld [tilespmem:s17+$0xFFFFFFF0];
	[tilespmem:s22+$0x60] =	vst v1;
	v1 =	vadd.f32 v0, v60  }
0xb5: {  	[tilespmem:s22+$0x1F0] =	vst v2;
	v3 =	vadd.f32 v3, v61;
	v0 =	vld [tilespmem:s20+$0x70]  }
0xb6: {  	v4 =	vadd.f32 v4, v8;
	v2 =	vld [tilespmem:s17+$0x70];
	[tilespmem:s22+$0xE0] =	vst v1  }
0xb7: {  	[tilespmem:s22+$0xFFFFFE70] =	vst v3;
	v1 =	vld [tilespmem:s20+$0xF0];
	v6 =	vadd.f32 v6, v14  }
0xb8: {  	v5 =	vadd.f32 v5, v62;
	[tilespmem:s22+$0x160] =	vst v4;
	v4 =	vld [tilespmem:s17+$0xF0]  }
0xb9: {  	v3 =	vld [tilespmem:s20+$0x170];
	[tilespmem:s22+$0xFFFFFF70] =	vst v6;
	v6 =	vadd.f32 v63, v7  }
0xba: {  	s9 =	simm.s32 $0x5600;
	s7 =	simm.s32 $0x0;
	[tilespmem:s22+$0xFFFFFEF0] =	vst v5;
	s20 =	sshll.u32 s19, $0x1;
	v5 =	vld [tilespmem:s17+$0x170]  }
.LBB2_3:
0xbb: {  	v7 =	vld [tilespmem:s9+$0x180];
	[tilespmem:s22+$0xFFFFFFF0] =	vst v6;
	v0 =	vadd.f32 v2, v0;
	s17 =	sadd.s32 $0x400, s17  }
0xbc: {  	v2 =	vld [tilespmem:s17+$0x180]  }
0xbd: {  	v6 =	vld [tilespmem:s17+$0xFFFFFE00];
	[tilespmem:s22+$0x70] =	vst v0;
	v0 =	vadd.f32 v4, v1  }
0xbe: {  	v1 =	vld [tilespmem:s9+$0xFFFFFE80]  }
0xbf: {  	v4 =	vld [tilespmem:s17+$0xFFFFFE80];
	[tilespmem:s22+$0xF0] =	vst v0;
	v0 =	vadd.f32 v5, v3  }
0xc0: {  	v3 =	vld [tilespmem:s9+$0xFFFFFF00]  }
0xc1: {  	v5 =	vld [tilespmem:s17+$0xFFFFFF00];
	v2 =	vadd.f32 v2, v7;
	[tilespmem:s22+$0x170] =	vst v0  }
0xc2: {  	s22 =	sadd.s32 $0x400, s22;
	v0 =	vld [tilespmem:s9+$0xFFFFFF80]  }
0xc3: {  	s7 =	sadd.s32 $0x8, s7;
	v7 =	vld [tilespmem:s17+$0xFFFFFF80];
	[tilespmem:s22+$0x180] =	vst v2  }
0xc4: {  	p1 =	slt.u32 s7, $0x18;
	v1 =	vadd.f32 v4, v1;
	v2 =	vld [tilespmem:s9+$0x190]  }
0xc5: {  	v4 =	vld [tilespmem:s17+$0x190]  }
0xc6: {  	[tilespmem:s22+$0xFFFFFE80] =	vst v1;
	v1 =	vadd.f32 v5, v3;
	v3 =	vld [tilespmem:s9+$0x0]  }
0xc7: {  	v5 =	vld [tilespmem:s17+$0x0]  }
0xc8: {  	[tilespmem:s22+$0xFFFFFF00] =	vst v1;
	v0 =	vadd.f32 v7, v0;
	v1 =	vld [tilespmem:s9+$0x80]  }
0xc9: {  	v7 =	vld [tilespmem:s17+$0x80]  }
0xca: {  	[tilespmem:s22+$0xFFFFFF80] =	vst v0;
	v0 =	vld [tilespmem:s9+$0x100];
	v2 =	vadd.f32 v4, v2  }
0xcb: {  	v4 =	vld [tilespmem:s17+$0x100]  }
0xcc: {  	v8 =	vld [tilespmem:s9+$0xFFFFFE00];
	v3 =	vadd.f32 v5, v3;
	[tilespmem:s22+$0x190] =	vst v2  }
0xcd: {  	v2 =	vld [tilespmem:s9+$0x1A0]  }
0xce: {  	[tilespmem:s22+$0x0] =	vst v3;
	v1 =	vadd.f32 v7, v1;
	v3 =	vld [tilespmem:s17+$0x1A0]  }
0xcf: {  	v5 =	vld [tilespmem:s9+$0xFFFFFE90]  }
0xd0: {  	v7 =	vld [tilespmem:s17+$0xFFFFFE90];
	[tilespmem:s22+$0x80] =	vst v1;
	v0 =	vadd.f32 v4, v0  }
0xd1: {  	v1 =	vadd.f32 v6, v8;
	v4 =	vld [tilespmem:s9+$0xFFFFFF10]  }
0xd2: {  	v6 =	vld [tilespmem:s17+$0xFFFFFF10];
	[tilespmem:s22+$0x100] =	vst v0  }
0xd3: {  	[tilespmem:s22+$0xFFFFFE00] =	vst v1;
	v0 =	vld [tilespmem:s9+$0xFFFFFF90];
	v1 =	vadd.f32 v3, v2  }
0xd4: {  	v2 =	vld [tilespmem:s9+$0xFFFFFE10]  }
0xd5: {  	v3 =	vld [tilespmem:s17+$0xFFFFFE10];
	v5 =	vadd.f32 v7, v5;
	[tilespmem:s22+$0x1A0] =	vst v1  }
0xd6: {  	v1 =	vld [tilespmem:s9+$0x1B0]  }
0xd7: {  	[tilespmem:s22+$0xFFFFFE90] =	vst v5;
	v4 =	vadd.f32 v6, v4;
	v5 =	vld [tilespmem:s17+$0x1B0]  }
0xd8: {  	v6 =	vld [tilespmem:s17+$0xFFFFFF90]  }
0xd9: {  	[tilespmem:s22+$0xFFFFFF10] =	vst v4;
	v4 =	vld [tilespmem:s9+$0x10]  }
0xda: {  	v2 =	vadd.f32 v3, v2;
	v3 =	vld [tilespmem:s17+$0x10]  }
0xdb: {  	v7 =	vld [tilespmem:s9+$0x90]  }
0xdc: {  	[tilespmem:s22+$0xFFFFFE10] =	vst v2;
	v2 =	vld [tilespmem:s17+$0x90];
	v1 =	vadd.f32 v5, v1  }
0xdd: {  	v0 =	vadd.f32 v6, v0;
	v5 =	vld [tilespmem:s9+$0x110]  }
0xde: {  	v6 =	vld [tilespmem:s17+$0x110];
	[tilespmem:s22+$0x1B0] =	vst v1  }
0xdf: {  	[tilespmem:s22+$0xFFFFFF90] =	vst v0;
	v0 =	vadd.f32 v3, v4;
	v1 =	vld [tilespmem:s9+$0x1C0]  }
0xe0: {  	v3 =	vld [tilespmem:s17+$0x1C0]  }
0xe1: {  	v4 =	vld [tilespmem:s9+$0xFFFFFE20];
	[tilespmem:s22+$0x10] =	vst v0;
	v0 =	vadd.f32 v2, v7  }
0xe2: {  	v2 =	vld [tilespmem:s17+$0xFFFFFE20]  }
0xe3: {  	v7 =	vld [tilespmem:s9+$0xFFFFFEA0];
	[tilespmem:s22+$0x90] =	vst v0;
	v0 =	vadd.f32 v6, v5  }
0xe4: {  	v5 =	vld [tilespmem:s17+$0xFFFFFEA0]  }
0xe5: {  	v6 =	vld [tilespmem:s9+$0xFFFFFF20];
	[tilespmem:s22+$0x110] =	vst v0;
	v0 =	vadd.f32 v3, v1  }
0xe6: {  	v1 =	vld [tilespmem:s17+$0xFFFFFF20]  }
0xe7: {  	v2 =	vadd.f32 v2, v4;
	v3 =	vld [tilespmem:s9+$0xFFFFFFA0];
	[tilespmem:s22+$0x1C0] =	vst v0  }
0xe8: {  	v0 =	vld [tilespmem:s9+$0x1D0]  }
0xe9: {  	[tilespmem:s22+$0xFFFFFE20] =	vst v2;
	v2 =	vadd.f32 v5, v7;
	v4 =	vld [tilespmem:s17+$0x1D0]  }
0xea: {  	v5 =	vld [tilespmem:s17+$0xFFFFFFA0]  }
0xeb: {  	[tilespmem:s22+$0xFFFFFEA0] =	vst v2;
	v1 =	vadd.f32 v1, v6;
	v2 =	vld [tilespmem:s9+$0x20]  }
0xec: {  	v6 =	vld [tilespmem:s17+$0x20]  }
0xed: {  	[tilespmem:s22+$0xFFFFFF20] =	vst v1;
	v1 =	vld [tilespmem:s9+$0xA0]  }
0xee: {  	v7 =	vld [tilespmem:s17+$0xA0];
	v0 =	vadd.f32 v4, v0  }
0xef: {  	v3 =	vadd.f32 v5, v3;
	v4 =	vld [tilespmem:s9+$0x120]  }
0xf0: {  	v5 =	vld [tilespmem:s17+$0x120];
	[tilespmem:s22+$0x1D0] =	vst v0  }
0xf1: {  	[tilespmem:s22+$0xFFFFFFA0] =	vst v3;
	v0 =	vadd.f32 v6, v2;
	v2 =	vld [tilespmem:s9+$0x1E0]  }
0xf2: {  	v3 =	vld [tilespmem:s17+$0x1E0]  }
0xf3: {  	v6 =	vld [tilespmem:s9+$0xFFFFFE30];
	[tilespmem:s22+$0x20] =	vst v0;
	v0 =	vadd.f32 v7, v1  }
0xf4: {  	v1 =	vld [tilespmem:s17+$0xFFFFFE30]  }
0xf5: {  	v7 =	vld [tilespmem:s9+$0xFFFFFEB0];
	[tilespmem:s22+$0xA0] =	vst v0;
	v0 =	vadd.f32 v5, v4  }
0xf6: {  	v4 =	vld [tilespmem:s17+$0xFFFFFEB0]  }
0xf7: {  	v5 =	vld [tilespmem:s9+$0xFFFFFF30];
	[tilespmem:s22+$0x120] =	vst v0;
	v0 =	vadd.f32 v3, v2  }
0xf8: {  	v2 =	vld [tilespmem:s17+$0xFFFFFF30]  }
0xf9: {  	v1 =	vadd.f32 v1, v6;
	v3 =	vld [tilespmem:s9+$0xFFFFFFB0];
	[tilespmem:s22+$0x1E0] =	vst v0  }
0xfa: {  	v0 =	vld [tilespmem:s9+$0x1F0]  }
0xfb: {  	[tilespmem:s22+$0xFFFFFE30] =	vst v1;
	v1 =	vadd.f32 v4, v7;
	v4 =	vld [tilespmem:s17+$0x1F0]  }
0xfc: {  	v6 =	vld [tilespmem:s17+$0xFFFFFFB0]  }
0xfd: {  	[tilespmem:s22+$0xFFFFFEB0] =	vst v1;
	v1 =	vadd.f32 v2, v5;
	v2 =	vld [tilespmem:s9+$0x30]  }
0xfe: {  	v5 =	vld [tilespmem:s17+$0x30]  }
0xff: {  	[tilespmem:s22+$0xFFFFFF30] =	vst v1;
	v1 =	vld [tilespmem:s9+$0xB0]  }
0x100: {  	v7 =	vld [tilespmem:s17+$0xB0];
	v0 =	vadd.f32 v4, v0  }
0x101: {  	v3 =	vadd.f32 v6, v3;
	v4 =	vld [tilespmem:s9+$0x130]  }
0x102: {  	v6 =	vld [tilespmem:s17+$0x130];
	[tilespmem:s22+$0x1F0] =	vst v0  }
0x103: {  	v0 =	vld [tilespmem:s9+$0xFFFFFE40];
	[tilespmem:s22+$0xFFFFFFB0] =	vst v3;
	v2 =	vadd.f32 v5, v2  }
0x104: {  	v3 =	vld [tilespmem:s17+$0xFFFFFE40]  }
0x105: {  	v5 =	vld [tilespmem:s9+$0xFFFFFEC0];
	[tilespmem:s22+$0x30] =	vst v2;
	v1 =	vadd.f32 v7, v1  }
0x106: {  	v2 =	vld [tilespmem:s17+$0xFFFFFEC0]  }
0x107: {  	v7 =	vld [tilespmem:s9+$0xFFFFFF40];
	[tilespmem:s22+$0xB0] =	vst v1;
	v1 =	vadd.f32 v6, v4  }
0x108: {  	v4 =	vld [tilespmem:s17+$0xFFFFFF40]  }
0x109: {  	v0 =	vadd.f32 v3, v0;
	v3 =	vld [tilespmem:s9+$0xFFFFFFC0];
	[tilespmem:s22+$0x130] =	vst v1  }
0x10a: {  	v1 =	vld [tilespmem:s17+$0xFFFFFFC0]  }
0x10b: {  	[tilespmem:s22+$0xFFFFFE40] =	vst v0;
	v0 =	vadd.f32 v2, v5;
	v2 =	vld [tilespmem:s9+$0x40]  }
0x10c: {  	v5 =	vld [tilespmem:s17+$0x40]  }
0x10d: {  	[tilespmem:s22+$0xFFFFFEC0] =	vst v0;
	v0 =	vadd.f32 v4, v7;
	v4 =	vld [tilespmem:s9+$0xC0]  }
0x10e: {  	v6 =	vld [tilespmem:s17+$0xC0]  }
0x10f: {  	[tilespmem:s22+$0xFFFFFF40] =	vst v0;
	v0 =	vadd.f32 v1, v3;
	v1 =	vld [tilespmem:s9+$0x140]  }
0x110: {  	v3 =	vld [tilespmem:s17+$0x140]  }
0x111: {  	v7 =	vld [tilespmem:s9+$0xFFFFFE50];
	[tilespmem:s22+$0xFFFFFFC0] =	vst v0;
	v0 =	vadd.f32 v5, v2  }
0x112: {  	v2 =	vld [tilespmem:s17+$0xFFFFFE50]  }
0x113: {  	v5 =	vld [tilespmem:s9+$0xFFFFFED0];
	[tilespmem:s22+$0x40] =	vst v0;
	v0 =	vadd.f32 v6, v4  }
0x114: {  	v4 =	vld [tilespmem:s17+$0xFFFFFED0]  }
0x115: {  	v6 =	vld [tilespmem:s9+$0xFFFFFF50];
	[tilespmem:s22+$0xC0] =	vst v0;
	v0 =	vadd.f32 v3, v1  }
0x116: {  	v1 =	vld [tilespmem:s17+$0xFFFFFF50]  }
0x117: {  	v2 =	vadd.f32 v2, v7;
	v3 =	vld [tilespmem:s9+$0xFFFFFFD0];
	[tilespmem:s22+$0x140] =	vst v0  }
0x118: {  	v0 =	vld [tilespmem:s17+$0xFFFFFFD0]  }
0x119: {  	[tilespmem:s22+$0xFFFFFE50] =	vst v2;
	v2 =	vadd.f32 v4, v5;
	v4 =	vld [tilespmem:s9+$0x50]  }
0x11a: {  	v5 =	vld [tilespmem:s17+$0x50]  }
0x11b: {  	[tilespmem:s22+$0xFFFFFED0] =	vst v2;
	v1 =	vadd.f32 v1, v6;
	v2 =	vld [tilespmem:s9+$0xD0]  }
0x11c: {  	v6 =	vld [tilespmem:s17+$0xD0]  }
0x11d: {  	[tilespmem:s22+$0xFFFFFF50] =	vst v1;
	v0 =	vadd.f32 v0, v3;
	v1 =	vld [tilespmem:s9+$0x150]  }
0x11e: {  	v3 =	vld [tilespmem:s17+$0x150]  }
0x11f: {  	v7 =	vld [tilespmem:s9+$0xFFFFFE60];
	[tilespmem:s22+$0xFFFFFFD0] =	vst v0;
	v0 =	vadd.f32 v5, v4  }
0x120: {  	v4 =	vld [tilespmem:s17+$0xFFFFFE60]  }
0x121: {  	v5 =	vld [tilespmem:s9+$0xFFFFFEE0];
	[tilespmem:s22+$0x50] =	vst v0;
	v0 =	vadd.f32 v6, v2  }
0x122: {  	v2 =	vld [tilespmem:s17+$0xFFFFFEE0]  }
0x123: {  	v6 =	vld [tilespmem:s9+$0xFFFFFF60];
	[tilespmem:s22+$0xD0] =	vst v0;
	v0 =	vadd.f32 v3, v1  }
0x124: {  	v1 =	vld [tilespmem:s17+$0xFFFFFF60]  }
0x125: {  	v3 =	vadd.f32 v4, v7;
	v4 =	vld [tilespmem:s9+$0xFFFFFFE0];
	[tilespmem:s22+$0x150] =	vst v0  }
0x126: {  	v0 =	vld [tilespmem:s17+$0xFFFFFFE0]  }
0x127: {  	[tilespmem:s22+$0xFFFFFE60] =	vst v3;
	v2 =	vadd.f32 v2, v5;
	v3 =	vld [tilespmem:s9+$0x60]  }
0x128: {  	v5 =	vld [tilespmem:s17+$0x60]  }
0x129: {  	[tilespmem:s22+$0xFFFFFEE0] =	vst v2;
	v1 =	vadd.f32 v1, v6;
	v2 =	vld [tilespmem:s9+$0xE0]  }
0x12a: {  	v6 =	vld [tilespmem:s17+$0xE0]  }
0x12b: {  	[tilespmem:s22+$0xFFFFFF60] =	vst v1;
	v0 =	vadd.f32 v0, v4;
	v1 =	vld [tilespmem:s9+$0x160]  }
0x12c: {  	v4 =	vld [tilespmem:s17+$0x160]  }
0x12d: {  	v7 =	vld [tilespmem:s9+$0xFFFFFE70];
	[tilespmem:s22+$0xFFFFFFE0] =	vst v0;
	v0 =	vadd.f32 v5, v3  }
0x12e: {  	v3 =	vld [tilespmem:s17+$0xFFFFFE70]  }
0x12f: {  	v5 =	vld [tilespmem:s9+$0xFFFFFEF0];
	[tilespmem:s22+$0x60] =	vst v0;
	v0 =	vadd.f32 v6, v2  }
0x130: {  	v2 =	vld [tilespmem:s17+$0xFFFFFEF0]  }
0x131: {  	v6 =	vld [tilespmem:s9+$0xFFFFFF70];
	[tilespmem:s22+$0xE0] =	vst v0;
	v0 =	vadd.f32 v4, v1  }
0x132: {  	v1 =	vld [tilespmem:s17+$0xFFFFFF70]  }
0x133: {  	v3 =	vadd.f32 v3, v7;
	v7 =	vld [tilespmem:s9+$0xFFFFFFF0];
	[tilespmem:s22+$0x160] =	vst v0  }
0x134: {  	v8 =	vld [tilespmem:s17+$0xFFFFFFF0]  }
0x135: {  	[tilespmem:s22+$0xFFFFFE70] =	vst v3;
	v3 =	vadd.f32 v2, v5;
	v0 =	vld [tilespmem:s9+$0x70]  }
.Ltmp2:
0x136: {  	v2 =	vld [tilespmem:s17+$0x70];
	(pc) =	sbr.rel @p1 .LBB2_3-.Ltmp2, $4  }
0x137: {  	[tilespmem:s22+$0xFFFFFEF0] =	vst v3;
	v3 =	vadd.f32 v1, v6;
	v1 =	vld [tilespmem:s9+$0xF0]  }
0x138: {  	v4 =	vld [tilespmem:s17+$0xF0]  }
0x139: {  	[tilespmem:s22+$0xFFFFFF70] =	vst v3;
	v6 =	vadd.f32 v8, v7;
	v3 =	vld [tilespmem:s9+$0x170]  }
0x13a: {  	s9 =	sadd.s32 $0x400, s9;
	v5 =	vld [tilespmem:s17+$0x170]  }
0x13b: {  	_ =	sdelay $0x1  }
0x13c: {  	v0 =	vadd.f32 v2, v0  }
0x13d: {  	[tilespmem:s22+$0xFFFFFFF0] =	vst v6;
	v1 =	vadd.f32 v4, v1  }
0x13e: {  	s7 =	sadd.s32 s6, s20;
	[tilespmem:s22+$0x70] =	vst v0;
	v0 =	vadd.f32 v5, v3  }
0x13f: {  	s7 =	sshll.u32 s7, $0x9;
	[tilespmem:s22+$0xF0] =	vst v1  }
0x140: {  	p1 =	seq.s32 s19, $0x27;
	s7 =	sadd.s32 s5, s7;
	[tilespmem:s22+$0x170] =	vst v0  }
0x141: {  	[hbm4b:s7+s4] =	stream.linear.scatter [tilespmem:s26], [sflag:$0x5], $0x1000, $0x38;
	[tilespmem:$0x14C80] =	vst v63  }
0x142: {  	s7 =	sshll.u32 @!p1 s19, $0x8  }
0x143: {  	s17 =	simm.s32 @!p1 $0x80;
	s22 =	simm.s32 @!p1 $0x5000;
	s9 =	sadd.s32 @!p1 $0x100, s7  }
0x144: {  	[tilespmem:s22], [sflag:$0x1] =	stream.indirect.gather @!p1 [spmem:s2], $0x20, s9, s17, $0xb8;
	[tilespmem:$0x14C80] =	vst v63  }
0x145: {  	s7 =	sadd.s32 @!p1 $0x2900, s7;
	s9 =	simm.s32 @!p1 $0x6000  }
0x146: {  	[tilespmem:s9], [sflag:$0x2] =	stream.indirect.gather @!p1 [spmem:s3], $0x20, s7, s17, $0xb8;
	[tilespmem:$0x14C80] =	vst v63  }
0x147: {  	_ =	swait.ge [sflag:s28], $0x1000  }
0x148: {  	[sflag:s28] =	ssyncset.done $0x0  }
0x149: {  	[sflag:s28] =	ssyncadd.s32 $0xFFFFF000  }
0x14a: {  	_ =	swait.ge [sflag:s29], $0x1000  }
0x14b: {  	[sflag:s29] =	ssyncset.done $0x0  }
0x14c: {  	s7 =	simm.s32 @!p0 $0x6;
	[sflag:s29] =	ssyncadd.s32 $0xFFFFF000  }
0x14d: {  	_ =	swait.ge @!p0 [sflag:s7], $0x1000  }
0x14e: {  	[sflag:s7] =	ssyncset.done @!p0 $0x0  }
0x14f: {  	s9 =	simm.s32 $0x7200;
	[sflag:s7] =	ssyncadd.s32 @!p0 $0xFFFFF000  }
0x150: {  	s17 =	simm.s32 $0x8200;
	v0 =	vld [tilespmem:s9+$0x180]  }
0x151: {  	v1 =	vld [tilespmem:s17+$0x180]  }
0x152: {  	v2 =	vld [tilespmem:s17+$0xFFFFFE00]  }
0x153: {  	v3 =	vld [tilespmem:s9+$0xFFFFFE80]  }
0x154: {  	v4 =	vld [tilespmem:s17+$0xFFFFFE80]  }
0x155: {  	v5 =	vld [tilespmem:s9+$0xFFFFFF00]  }
0x156: {  	v6 =	vld [tilespmem:s17+$0xFFFFFF00]  }
0x157: {  	v7 =	vld [tilespmem:s17+$0xFFFFFF80]  }
0x158: {  	v9 =	vld [tilespmem:s9+$0x0]  }
0x159: {  	v10 =	vld [tilespmem:s17+$0x0]  }
0x15a: {  	v11 =	vld [tilespmem:s9+$0x80]  }
0x15b: {  	v12 =	vld [tilespmem:s17+$0x80];
	v0 =	vadd.f32 v1, v0  }
0x15c: {  	s22 =	simm.s32 $0xA200;
	v1 =	vld [tilespmem:s9+$0xFFFFFF80]  }
0x15d: {  	v3 =	vadd.f32 v4, v3;
	v4 =	vld [tilespmem:s9+$0xFFFFFE00];
	[tilespmem:s22+$0x180] =	vst v0  }
0x15e: {  	v0 =	vld [tilespmem:s9+$0x190]  }
0x15f: {  	v8 =	vld [tilespmem:s17+$0x190]  }
0x160: {  	v13 =	vld [tilespmem:s9+$0x100];
	[tilespmem:s22+$0xFFFFFE80] =	vst v3;
	v3 =	vadd.f32 v6, v5  }
0x161: {  	v6 =	vld [tilespmem:s9+$0xFFFFFE90]  }
0x162: {  	[tilespmem:s22+$0xFFFFFF00] =	vst v3;
	v3 =	vld [tilespmem:s17+$0xFFFFFE90];
	v1 =	vadd.f32 v7, v1  }
0x163: {  	v2 =	vadd.f32 v2, v4;
	v4 =	vld [tilespmem:s9+$0xFFFFFF10]  }
0x164: {  	[tilespmem:s22+$0xFFFFFF80] =	vst v1;
	v1 =	vld [tilespmem:s17+$0xFFFFFF10];
	v0 =	vadd.f32 v8, v0  }
0x165: {  	[tilespmem:s22+$0xFFFFFE00] =	vst v2;
	v2 =	vld [tilespmem:s9+$0xFFFFFF90]  }
0x166: {  	v32 =	vld [tilespmem:s17+$0xFFFFFF90];
	[tilespmem:s22+$0x190] =	vst v0  }
0x167: {  	v0 =	vld [tilespmem:s9+$0x1A0]  }
0x168: {  	v3 =	vadd.f32 v3, v6;
	v5 =	vld [tilespmem:s17+$0x1A0]  }
0x169: {  	v8 =	vld [tilespmem:s17+$0x100]  }
0x16a: {  	v7 =	vld [tilespmem:s17+$0xFFFFFE10];
	[tilespmem:s22+$0xFFFFFE90] =	vst v3;
	v1 =	vadd.f32 v1, v4  }
0x16b: {  	v4 =	vld [tilespmem:s9+$0xFFFFFEA0]  }
0x16c: {  	[tilespmem:s22+$0xFFFFFF10] =	vst v1;
	v1 =	vadd.f32 v32, v2;
	v2 =	vld [tilespmem:s17+$0xFFFFFEA0]  }
0x16d: {  	v0 =	vadd.f32 v5, v0;
	v5 =	vld [tilespmem:s9+$0xFFFFFE10]  }
0x16e: {  	v36 =	vld [tilespmem:s9+$0xFFFFFF20];
	[tilespmem:s22+$0xFFFFFF90] =	vst v1  }
0x16f: {  	v1 =	vld [tilespmem:s17+$0xFFFFFF20];
	[tilespmem:s22+$0x1A0] =	vst v0;
	v0 =	vadd.f32 v10, v9  }
0x170: {  	v37 =	vld [tilespmem:s9+$0xFFFFFFA0]  }
0x171: {  	v30 =	vld [tilespmem:s9+$0x1B0];
	[tilespmem:s22+$0x0] =	vst v0;
	v0 =	vadd.f32 v12, v11  }
0x172: {  	v31 =	vld [tilespmem:s17+$0x1B0];
	v5 =	vadd.f32 v7, v5  }
0x173: {  	v33 =	vld [tilespmem:s9+$0x10];
	[tilespmem:s22+$0x80] =	vst v0;
	v0 =	vadd.f32 v8, v13  }
0x174: {  	v34 =	vld [tilespmem:s9+$0x90];
	[tilespmem:s22+$0xFFFFFE10] =	vst v5  }
0x175: {  	[tilespmem:s22+$0x100] =	vst v0;
	v0 =	vld [tilespmem:s17+$0x90]  }
0x176: {  	v6 =	vld [tilespmem:s9+$0xFFFFFE20]  }
0x177: {  	v9 =	vadd.f32 v31, v30;
	v3 =	vld [tilespmem:s17+$0xFFFFFE20]  }
0x178: {  	v35 =	vld [tilespmem:s9+$0x110]  }
0x179: {  	v7 =	vld [tilespmem:s17+$0x110];
	[tilespmem:s22+$0x1B0] =	vst v9  }
0x17a: {  	v2 =	vadd.f32 v2, v4;
	v9 =	vld [tilespmem:s9+$0x1C0]  }
0x17b: {  	v1 =	vadd.f32 v1, v36;
	v5 =	vld [tilespmem:s17+$0x1C0]  }
0x17c: {  	[tilespmem:s22+$0xFFFFFEA0] =	vst v2;
	v8 =	vld [tilespmem:s17+$0x10];
	v0 =	vadd.f32 v0, v34  }
0x17d: {  	v42 =	vld [tilespmem:s9+$0xFFFFFEB0];
	[tilespmem:s22+$0xFFFFFF20] =	vst v1;
	v3 =	vadd.f32 v3, v6  }
0x17e: {  	v43 =	vld [tilespmem:s9+$0xFFFFFF30];
	[tilespmem:s22+$0x90] =	vst v0  }
0x17f: {  	v0 =	vadd.f32 v7, v35;
	[tilespmem:s22+$0xFFFFFE20] =	vst v3;
	v40 =	vld [tilespmem:s9+$0xA0]  }
0x180: {  	v5 =	vadd.f32 v5, v9;
	v4 =	vld [tilespmem:s9+$0xFFFFFE30]  }
0x181: {  	[tilespmem:s22+$0x110] =	vst v0;
	v0 =	vld [tilespmem:s17+$0xA0]  }
0x182: {  	[tilespmem:s22+$0x1C0] =	vst v5;
	v41 =	vld [tilespmem:s9+$0x120]  }
0x183: {  	v5 =	vadd.f32 v8, v33;
	v8 =	vld [tilespmem:s9+$0x1D0]  }
0x184: {  	v38 =	vld [tilespmem:s17+$0x1D0]  }
0x185: {  	[tilespmem:s22+$0x10] =	vst v5;
	v5 =	vld [tilespmem:s17+$0xFFFFFFA0]  }
0x186: {  	v6 =	vld [tilespmem:s17+$0x120]  }
0x187: {  	v2 =	vld [tilespmem:s17+$0xFFFFFE30]  }
0x188: {  	v39 =	vld [tilespmem:s9+$0x20];
	v0 =	vadd.f32 v0, v40  }
0x189: {  	v7 =	vld [tilespmem:s17+$0x20];
	v8 =	vadd.f32 v38, v8  }
0x18a: {  	[tilespmem:s22+$0xA0] =	vst v0;
	v1 =	vadd.f32 v5, v37;
	v5 =	vld [tilespmem:s17+$0xFFFFFEB0]  }
0x18b: {  	v0 =	vadd.f32 v6, v41;
	v46 =	vld [tilespmem:s9+$0xB0];
	[tilespmem:s22+$0x1D0] =	vst v8  }
0x18c: {  	v8 =	vld [tilespmem:s9+$0x1E0]  }
0x18d: {  	[tilespmem:s22+$0x120] =	vst v0;
	v3 =	vld [tilespmem:s17+$0x1E0]  }
0x18e: {  	v0 =	vadd.f32 v2, v4;
	[tilespmem:s22+$0xFFFFFFA0] =	vst v1;
	v1 =	vld [tilespmem:s17+$0xFFFFFF30]  }
0x18f: {  	v2 =	vld [tilespmem:s17+$0xB0]  }
0x190: {  	v4 =	vld [tilespmem:s9+$0x130];
	[tilespmem:s22+$0xFFFFFE30] =	vst v0  }
0x191: {  	v47 =	vld [tilespmem:s9+$0xFFFFFE40];
	v0 =	vadd.f32 v5, v42  }
0x192: {  	v5 =	vld [tilespmem:s17+$0x130]  }
0x193: {  	v3 =	vadd.f32 v3, v8;
	[tilespmem:s22+$0xFFFFFEB0] =	vst v0;
	v0 =	vadd.f32 v1, v43;
	v1 =	vld [tilespmem:s17+$0xFFFFFE40]  }
0x194: {  	v8 =	vld [tilespmem:s9+$0xFFFFFFB0]  }
0x195: {  	v48 =	vld [tilespmem:s9+$0xFFFFFEC0];
	[tilespmem:s22+$0x1E0] =	vst v3;
	v3 =	vadd.f32 v7, v39  }
0x196: {  	v7 =	vld [tilespmem:s9+$0x1F0]  }
0x197: {  	[tilespmem:s22+$0x20] =	vst v3;
	v3 =	vld [tilespmem:s17+$0xFFFFFFB0]  }
0x198: {  	v45 =	vld [tilespmem:s9+$0x30];
	v1 =	vadd.f32 v1, v47  }
0x199: {  	v6 =	vld [tilespmem:s17+$0x30]  }
0x19a: {  	v44 =	vld [tilespmem:s17+$0x1F0];
	[tilespmem:s22+$0xFFFFFE40] =	vst v1  }
0x19b: {  	v52 =	vld [tilespmem:s9+$0xFFFFFE50]  }
0x19c: {  	[tilespmem:s22+$0xFFFFFF30] =	vst v0;
	v0 =	vadd.f32 v3, v8;
	v3 =	vld [tilespmem:s17+$0xFFFFFEC0]  }
0x19d: {  	v8 =	vld [tilespmem:s9+$0xFFFFFF40]  }
0x19e: {  	[tilespmem:s22+$0xFFFFFFB0] =	vst v0;
	v0 =	vadd.f32 v6, v45;
	v6 =	vld [tilespmem:s17+$0xFFFFFF40]  }
0x19f: {  	v49 =	vld [tilespmem:s9+$0xFFFFFFC0]  }
0x1a0: {  	[tilespmem:s22+$0x30] =	vst v0;
	v0 =	vadd.f32 v2, v46;
	v2 =	vld [tilespmem:s17+$0xFFFFFFC0]  }
0x1a1: {  	v50 =	vld [tilespmem:s9+$0x40]  }
0x1a2: {  	v1 =	vadd.f32 v3, v48;
	[tilespmem:s22+$0xB0] =	vst v0;
	v0 =	vadd.f32 v5, v4;
	v4 =	vld [tilespmem:s17+$0x40]  }
0x1a3: {  	v5 =	vld [tilespmem:s9+$0xC0]  }
0x1a4: {  	[tilespmem:s22+$0xFFFFFEC0] =	vst v1;
	v1 =	vadd.f32 v6, v8;
	v6 =	vld [tilespmem:s17+$0xFFFFFE50]  }
0x1a5: {  	[tilespmem:s22+$0x130] =	vst v0;
	v0 =	vld [tilespmem:s17+$0xC0]  }
0x1a6: {  	v8 =	vld [tilespmem:s9+$0xFFFFFED0]  }
0x1a7: {  	v51 =	vld [tilespmem:s9+$0x140]  }
0x1a8: {  	v3 =	vld [tilespmem:s17+$0x140]  }
0x1a9: {  	[tilespmem:s22+$0xFFFFFF40] =	vst v1;
	v1 =	vadd.f32 v2, v49;
	v2 =	vld [tilespmem:s17+$0xFFFFFED0]  }
0x1aa: {  	v53 =	vld [tilespmem:s9+$0xFFFFFF50]  }
0x1ab: {  	[tilespmem:s22+$0xFFFFFFC0] =	vst v1;
	v1 =	vadd.f32 v4, v50;
	v4 =	vld [tilespmem:s17+$0xFFFFFF50]  }
0x1ac: {  	v54 =	vld [tilespmem:s9+$0xFFFFFFD0];
	v6 =	vadd.f32 v6, v52  }
0x1ad: {  	[tilespmem:s22+$0x40] =	vst v1;
	v0 =	vadd.f32 v0, v5;
	v1 =	vld [tilespmem:s17+$0xFFFFFFD0]  }
0x1ae: {  	v5 =	vld [tilespmem:s9+$0x50];
	[tilespmem:s22+$0xFFFFFE50] =	vst v6  }
0x1af: {  	[tilespmem:s22+$0xC0] =	vst v0;
	v0 =	vadd.f32 v3, v51;
	v3 =	vld [tilespmem:s17+$0x50]  }
0x1b0: {  	v2 =	vadd.f32 v2, v8;
	v8 =	vld [tilespmem:s9+$0xFFFFFE60]  }
0x1b1: {  	v55 =	vld [tilespmem:s9+$0xD0]  }
0x1b2: {  	[tilespmem:s22+$0xFFFFFED0] =	vst v2;
	v2 =	vadd.f32 v4, v53;
	v4 =	vld [tilespmem:s17+$0xFFFFFE60]  }
0x1b3: {  	[tilespmem:s22+$0x140] =	vst v0;
	v0 =	vld [tilespmem:s17+$0xD0]  }
0x1b4: {  	v57 =	vld [tilespmem:s9+$0xFFFFFEE0]  }
0x1b5: {  	v56 =	vld [tilespmem:s9+$0x150]  }
0x1b6: {  	v6 =	vld [tilespmem:s17+$0x150]  }
0x1b7: {  	[tilespmem:s22+$0xFFFFFF50] =	vst v2;
	v1 =	vadd.f32 v1, v54;
	v2 =	vld [tilespmem:s17+$0xFFFFFEE0]  }
0x1b8: {  	v58 =	vld [tilespmem:s9+$0xFFFFFF60]  }
0x1b9: {  	[tilespmem:s22+$0xFFFFFFD0] =	vst v1;
	v1 =	vadd.f32 v3, v5;
	v3 =	vld [tilespmem:s17+$0xFFFFFF60]  }
0x1ba: {  	v5 =	vld [tilespmem:s9+$0xFFFFFFE0];
	v4 =	vadd.f32 v4, v8  }
0x1bb: {  	[tilespmem:s22+$0x50] =	vst v1;
	v0 =	vadd.f32 v0, v55;
	v1 =	vld [tilespmem:s17+$0xFFFFFFE0]  }
0x1bc: {  	v59 =	vld [tilespmem:s9+$0x60];
	[tilespmem:s22+$0xFFFFFE60] =	vst v4  }
0x1bd: {  	[tilespmem:s22+$0xD0] =	vst v0;
	v0 =	vadd.f32 v6, v56;
	v6 =	vld [tilespmem:s17+$0x60]  }
0x1be: {  	v2 =	vadd.f32 v2, v57;
	v61 =	vld [tilespmem:s9+$0xFFFFFE70]  }
0x1bf: {  	v60 =	vld [tilespmem:s9+$0xE0]  }
0x1c0: {  	[tilespmem:s22+$0xFFFFFEE0] =	vst v2;
	v2 =	vadd.f32 v3, v58;
	v3 =	vld [tilespmem:s17+$0xFFFFFE70]  }
0x1c1: {  	[tilespmem:s22+$0x150] =	vst v0;
	v0 =	vld [tilespmem:s17+$0xE0]  }
0x1c2: {  	v62 =	vld [tilespmem:s9+$0xFFFFFEF0]  }
0x1c3: {  	v8 =	vld [tilespmem:s9+$0x160]  }
0x1c4: {  	v4 =	vld [tilespmem:s17+$0x160]  }
0x1c5: {  	[tilespmem:s22+$0xFFFFFF60] =	vst v2;
	v1 =	vadd.f32 v1, v5;
	v5 =	vld [tilespmem:s17+$0xFFFFFEF0]  }
0x1c6: {  	v14 =	vld [tilespmem:s9+$0xFFFFFF70]  }
0x1c7: {  	[tilespmem:s22+$0xFFFFFFE0] =	vst v1;
	v1 =	vadd.f32 v6, v59;
	v6 =	vld [tilespmem:s17+$0xFFFFFF70]  }
0x1c8: {  	v2 =	vadd.f32 v44, v7;
	v7 =	vld [tilespmem:s9+$0xFFFFFFF0]  }
0x1c9: {  	v63 =	vld [tilespmem:s17+$0xFFFFFFF0];
	[tilespmem:s22+$0x60] =	vst v1;
	v1 =	vadd.f32 v0, v60  }
0x1ca: {  	[tilespmem:s22+$0x1F0] =	vst v2;
	v3 =	vadd.f32 v3, v61;
	v0 =	vld [tilespmem:s9+$0x70]  }
0x1cb: {  	v4 =	vadd.f32 v4, v8;
	v2 =	vld [tilespmem:s17+$0x70];
	[tilespmem:s22+$0xE0] =	vst v1  }
0x1cc: {  	[tilespmem:s22+$0xFFFFFE70] =	vst v3;
	v1 =	vld [tilespmem:s9+$0xF0];
	v6 =	vadd.f32 v6, v14  }
0x1cd: {  	v5 =	vadd.f32 v5, v62;
	[tilespmem:s22+$0x160] =	vst v4;
	v4 =	vld [tilespmem:s17+$0xF0]  }
0x1ce: {  	v3 =	vld [tilespmem:s9+$0x170];
	[tilespmem:s22+$0xFFFFFF70] =	vst v6;
	v6 =	vadd.f32 v63, v7  }
0x1cf: {  	s7 =	simm.s32 $0x0;
	[tilespmem:s22+$0xFFFFFEF0] =	vst v5;
	v5 =	vld [tilespmem:s17+$0x170];
	s9 =	simm.s32 $0x7600  }
.LBB2_5:
0x1d0: {  	v7 =	vld [tilespmem:s9+$0x180];
	[tilespmem:s22+$0xFFFFFFF0] =	vst v6;
	v0 =	vadd.f32 v2, v0;
	s17 =	sadd.s32 $0x400, s17  }
0x1d1: {  	v2 =	vld [tilespmem:s17+$0x180]  }
0x1d2: {  	v6 =	vld [tilespmem:s17+$0xFFFFFE00];
	[tilespmem:s22+$0x70] =	vst v0;
	v0 =	vadd.f32 v4, v1  }
0x1d3: {  	v1 =	vld [tilespmem:s9+$0xFFFFFE80]  }
0x1d4: {  	v4 =	vld [tilespmem:s17+$0xFFFFFE80];
	[tilespmem:s22+$0xF0] =	vst v0;
	v0 =	vadd.f32 v5, v3  }
0x1d5: {  	v3 =	vld [tilespmem:s9+$0xFFFFFF00]  }
0x1d6: {  	v5 =	vld [tilespmem:s17+$0xFFFFFF00];
	v2 =	vadd.f32 v2, v7;
	[tilespmem:s22+$0x170] =	vst v0  }
0x1d7: {  	s22 =	sadd.s32 $0x400, s22;
	v0 =	vld [tilespmem:s9+$0xFFFFFF80]  }
0x1d8: {  	s7 =	sadd.s32 $0x8, s7;
	v7 =	vld [tilespmem:s17+$0xFFFFFF80];
	[tilespmem:s22+$0x180] =	vst v2  }
0x1d9: {  	p0 =	slt.u32 s7, $0x18;
	v1 =	vadd.f32 v4, v1;
	v2 =	vld [tilespmem:s9+$0x190]  }
0x1da: {  	v4 =	vld [tilespmem:s17+$0x190]  }
0x1db: {  	[tilespmem:s22+$0xFFFFFE80] =	vst v1;
	v1 =	vadd.f32 v5, v3;
	v3 =	vld [tilespmem:s9+$0x0]  }
0x1dc: {  	v5 =	vld [tilespmem:s17+$0x0]  }
0x1dd: {  	[tilespmem:s22+$0xFFFFFF00] =	vst v1;
	v0 =	vadd.f32 v7, v0;
	v1 =	vld [tilespmem:s9+$0x80]  }
0x1de: {  	v7 =	vld [tilespmem:s17+$0x80]  }
0x1df: {  	[tilespmem:s22+$0xFFFFFF80] =	vst v0;
	v0 =	vld [tilespmem:s9+$0x100];
	v2 =	vadd.f32 v4, v2  }
0x1e0: {  	v4 =	vld [tilespmem:s17+$0x100]  }
0x1e1: {  	v8 =	vld [tilespmem:s9+$0xFFFFFE00];
	v3 =	vadd.f32 v5, v3;
	[tilespmem:s22+$0x190] =	vst v2  }
0x1e2: {  	v2 =	vld [tilespmem:s9+$0x1A0]  }
0x1e3: {  	[tilespmem:s22+$0x0] =	vst v3;
	v1 =	vadd.f32 v7, v1;
	v3 =	vld [tilespmem:s17+$0x1A0]  }
0x1e4: {  	v5 =	vld [tilespmem:s9+$0xFFFFFE90]  }
0x1e5: {  	v7 =	vld [tilespmem:s17+$0xFFFFFE90];
	[tilespmem:s22+$0x80] =	vst v1;
	v0 =	vadd.f32 v4, v0  }
0x1e6: {  	v1 =	vadd.f32 v6, v8;
	v4 =	vld [tilespmem:s9+$0xFFFFFF10]  }
0x1e7: {  	v6 =	vld [tilespmem:s17+$0xFFFFFF10];
	[tilespmem:s22+$0x100] =	vst v0  }
0x1e8: {  	[tilespmem:s22+$0xFFFFFE00] =	vst v1;
	v0 =	vld [tilespmem:s9+$0xFFFFFF90];
	v1 =	vadd.f32 v3, v2  }
0x1e9: {  	v2 =	vld [tilespmem:s9+$0xFFFFFE10]  }
0x1ea: {  	v3 =	vld [tilespmem:s17+$0xFFFFFE10];
	v5 =	vadd.f32 v7, v5;
	[tilespmem:s22+$0x1A0] =	vst v1  }
0x1eb: {  	v1 =	vld [tilespmem:s9+$0x1B0]  }
0x1ec: {  	[tilespmem:s22+$0xFFFFFE90] =	vst v5;
	v4 =	vadd.f32 v6, v4;
	v5 =	vld [tilespmem:s17+$0x1B0]  }
0x1ed: {  	v6 =	vld [tilespmem:s17+$0xFFFFFF90]  }
0x1ee: {  	[tilespmem:s22+$0xFFFFFF10] =	vst v4;
	v4 =	vld [tilespmem:s9+$0x10]  }
0x1ef: {  	v2 =	vadd.f32 v3, v2;
	v3 =	vld [tilespmem:s17+$0x10]  }
0x1f0: {  	v7 =	vld [tilespmem:s9+$0x90]  }
0x1f1: {  	[tilespmem:s22+$0xFFFFFE10] =	vst v2;
	v2 =	vld [tilespmem:s17+$0x90];
	v1 =	vadd.f32 v5, v1  }
0x1f2: {  	v0 =	vadd.f32 v6, v0;
	v5 =	vld [tilespmem:s9+$0x110]  }
0x1f3: {  	v6 =	vld [tilespmem:s17+$0x110];
	[tilespmem:s22+$0x1B0] =	vst v1  }
0x1f4: {  	[tilespmem:s22+$0xFFFFFF90] =	vst v0;
	v0 =	vadd.f32 v3, v4;
	v1 =	vld [tilespmem:s9+$0x1C0]  }
0x1f5: {  	v3 =	vld [tilespmem:s17+$0x1C0]  }
0x1f6: {  	v4 =	vld [tilespmem:s9+$0xFFFFFE20];
	[tilespmem:s22+$0x10] =	vst v0;
	v0 =	vadd.f32 v2, v7  }
0x1f7: {  	v2 =	vld [tilespmem:s17+$0xFFFFFE20]  }
0x1f8: {  	v7 =	vld [tilespmem:s9+$0xFFFFFEA0];
	[tilespmem:s22+$0x90] =	vst v0;
	v0 =	vadd.f32 v6, v5  }
0x1f9: {  	v5 =	vld [tilespmem:s17+$0xFFFFFEA0]  }
0x1fa: {  	v6 =	vld [tilespmem:s9+$0xFFFFFF20];
	[tilespmem:s22+$0x110] =	vst v0;
	v0 =	vadd.f32 v3, v1  }
0x1fb: {  	v1 =	vld [tilespmem:s17+$0xFFFFFF20]  }
0x1fc: {  	v2 =	vadd.f32 v2, v4;
	v3 =	vld [tilespmem:s9+$0xFFFFFFA0];
	[tilespmem:s22+$0x1C0] =	vst v0  }
0x1fd: {  	v0 =	vld [tilespmem:s9+$0x1D0]  }
0x1fe: {  	[tilespmem:s22+$0xFFFFFE20] =	vst v2;
	v2 =	vadd.f32 v5, v7;
	v4 =	vld [tilespmem:s17+$0x1D0]  }
0x1ff: {  	v5 =	vld [tilespmem:s17+$0xFFFFFFA0]  }
0x200: {  	[tilespmem:s22+$0xFFFFFEA0] =	vst v2;
	v1 =	vadd.f32 v1, v6;
	v2 =	vld [tilespmem:s9+$0x20]  }
0x201: {  	v6 =	vld [tilespmem:s17+$0x20]  }
0x202: {  	[tilespmem:s22+$0xFFFFFF20] =	vst v1;
	v1 =	vld [tilespmem:s9+$0xA0]  }
0x203: {  	v7 =	vld [tilespmem:s17+$0xA0];
	v0 =	vadd.f32 v4, v0  }
0x204: {  	v3 =	vadd.f32 v5, v3;
	v4 =	vld [tilespmem:s9+$0x120]  }
0x205: {  	v5 =	vld [tilespmem:s17+$0x120];
	[tilespmem:s22+$0x1D0] =	vst v0  }
0x206: {  	[tilespmem:s22+$0xFFFFFFA0] =	vst v3;
	v0 =	vadd.f32 v6, v2;
	v2 =	vld [tilespmem:s9+$0x1E0]  }
0x207: {  	v3 =	vld [tilespmem:s17+$0x1E0]  }
0x208: {  	v6 =	vld [tilespmem:s9+$0xFFFFFE30];
	[tilespmem:s22+$0x20] =	vst v0;
	v0 =	vadd.f32 v7, v1  }
0x209: {  	v1 =	vld [tilespmem:s17+$0xFFFFFE30]  }
0x20a: {  	v7 =	vld [tilespmem:s9+$0xFFFFFEB0];
	[tilespmem:s22+$0xA0] =	vst v0;
	v0 =	vadd.f32 v5, v4  }
0x20b: {  	v4 =	vld [tilespmem:s17+$0xFFFFFEB0]  }
0x20c: {  	v5 =	vld [tilespmem:s9+$0xFFFFFF30];
	[tilespmem:s22+$0x120] =	vst v0;
	v0 =	vadd.f32 v3, v2  }
0x20d: {  	v2 =	vld [tilespmem:s17+$0xFFFFFF30]  }
0x20e: {  	v1 =	vadd.f32 v1, v6;
	v3 =	vld [tilespmem:s9+$0xFFFFFFB0];
	[tilespmem:s22+$0x1E0] =	vst v0  }
0x20f: {  	v0 =	vld [tilespmem:s9+$0x1F0]  }
0x210: {  	[tilespmem:s22+$0xFFFFFE30] =	vst v1;
	v1 =	vadd.f32 v4, v7;
	v4 =	vld [tilespmem:s17+$0x1F0]  }
0x211: {  	v6 =	vld [tilespmem:s17+$0xFFFFFFB0]  }
0x212: {  	[tilespmem:s22+$0xFFFFFEB0] =	vst v1;
	v1 =	vadd.f32 v2, v5;
	v2 =	vld [tilespmem:s9+$0x30]  }
0x213: {  	v5 =	vld [tilespmem:s17+$0x30]  }
0x214: {  	[tilespmem:s22+$0xFFFFFF30] =	vst v1;
	v1 =	vld [tilespmem:s9+$0xB0]  }
0x215: {  	v7 =	vld [tilespmem:s17+$0xB0];
	v0 =	vadd.f32 v4, v0  }
0x216: {  	v3 =	vadd.f32 v6, v3;
	v4 =	vld [tilespmem:s9+$0x130]  }
0x217: {  	v6 =	vld [tilespmem:s17+$0x130];
	[tilespmem:s22+$0x1F0] =	vst v0  }
0x218: {  	v0 =	vld [tilespmem:s9+$0xFFFFFE40];
	[tilespmem:s22+$0xFFFFFFB0] =	vst v3;
	v2 =	vadd.f32 v5, v2  }
0x219: {  	v3 =	vld [tilespmem:s17+$0xFFFFFE40]  }
0x21a: {  	v5 =	vld [tilespmem:s9+$0xFFFFFEC0];
	[tilespmem:s22+$0x30] =	vst v2;
	v1 =	vadd.f32 v7, v1  }
0x21b: {  	v2 =	vld [tilespmem:s17+$0xFFFFFEC0]  }
0x21c: {  	v7 =	vld [tilespmem:s9+$0xFFFFFF40];
	[tilespmem:s22+$0xB0] =	vst v1;
	v1 =	vadd.f32 v6, v4  }
0x21d: {  	v4 =	vld [tilespmem:s17+$0xFFFFFF40]  }
0x21e: {  	v0 =	vadd.f32 v3, v0;
	v3 =	vld [tilespmem:s9+$0xFFFFFFC0];
	[tilespmem:s22+$0x130] =	vst v1  }
0x21f: {  	v1 =	vld [tilespmem:s17+$0xFFFFFFC0]  }
0x220: {  	[tilespmem:s22+$0xFFFFFE40] =	vst v0;
	v0 =	vadd.f32 v2, v5;
	v2 =	vld [tilespmem:s9+$0x40]  }
0x221: {  	v5 =	vld [tilespmem:s17+$0x40]  }
0x222: {  	[tilespmem:s22+$0xFFFFFEC0] =	vst v0;
	v0 =	vadd.f32 v4, v7;
	v4 =	vld [tilespmem:s9+$0xC0]  }
0x223: {  	v6 =	vld [tilespmem:s17+$0xC0]  }
0x224: {  	[tilespmem:s22+$0xFFFFFF40] =	vst v0;
	v0 =	vadd.f32 v1, v3;
	v1 =	vld [tilespmem:s9+$0x140]  }
0x225: {  	v3 =	vld [tilespmem:s17+$0x140]  }
0x226: {  	v7 =	vld [tilespmem:s9+$0xFFFFFE50];
	[tilespmem:s22+$0xFFFFFFC0] =	vst v0;
	v0 =	vadd.f32 v5, v2  }
0x227: {  	v2 =	vld [tilespmem:s17+$0xFFFFFE50]  }
0x228: {  	v5 =	vld [tilespmem:s9+$0xFFFFFED0];
	[tilespmem:s22+$0x40] =	vst v0;
	v0 =	vadd.f32 v6, v4  }
0x229: {  	v4 =	vld [tilespmem:s17+$0xFFFFFED0]  }
0x22a: {  	v6 =	vld [tilespmem:s9+$0xFFFFFF50];
	[tilespmem:s22+$0xC0] =	vst v0;
	v0 =	vadd.f32 v3, v1  }
0x22b: {  	v1 =	vld [tilespmem:s17+$0xFFFFFF50]  }
0x22c: {  	v2 =	vadd.f32 v2, v7;
	v3 =	vld [tilespmem:s9+$0xFFFFFFD0];
	[tilespmem:s22+$0x140] =	vst v0  }
0x22d: {  	v0 =	vld [tilespmem:s17+$0xFFFFFFD0]  }
0x22e: {  	[tilespmem:s22+$0xFFFFFE50] =	vst v2;
	v2 =	vadd.f32 v4, v5;
	v4 =	vld [tilespmem:s9+$0x50]  }
0x22f: {  	v5 =	vld [tilespmem:s17+$0x50]  }
0x230: {  	[tilespmem:s22+$0xFFFFFED0] =	vst v2;
	v1 =	vadd.f32 v1, v6;
	v2 =	vld [tilespmem:s9+$0xD0]  }
0x231: {  	v6 =	vld [tilespmem:s17+$0xD0]  }
0x232: {  	[tilespmem:s22+$0xFFFFFF50] =	vst v1;
	v0 =	vadd.f32 v0, v3;
	v1 =	vld [tilespmem:s9+$0x150]  }
0x233: {  	v3 =	vld [tilespmem:s17+$0x150]  }
0x234: {  	v7 =	vld [tilespmem:s9+$0xFFFFFE60];
	[tilespmem:s22+$0xFFFFFFD0] =	vst v0;
	v0 =	vadd.f32 v5, v4  }
0x235: {  	v4 =	vld [tilespmem:s17+$0xFFFFFE60]  }
0x236: {  	v5 =	vld [tilespmem:s9+$0xFFFFFEE0];
	[tilespmem:s22+$0x50] =	vst v0;
	v0 =	vadd.f32 v6, v2  }
0x237: {  	v2 =	vld [tilespmem:s17+$0xFFFFFEE0]  }
0x238: {  	v6 =	vld [tilespmem:s9+$0xFFFFFF60];
	[tilespmem:s22+$0xD0] =	vst v0;
	v0 =	vadd.f32 v3, v1  }
0x239: {  	v1 =	vld [tilespmem:s17+$0xFFFFFF60]  }
0x23a: {  	v3 =	vadd.f32 v4, v7;
	v4 =	vld [tilespmem:s9+$0xFFFFFFE0];
	[tilespmem:s22+$0x150] =	vst v0  }
0x23b: {  	v0 =	vld [tilespmem:s17+$0xFFFFFFE0]  }
0x23c: {  	[tilespmem:s22+$0xFFFFFE60] =	vst v3;
	v2 =	vadd.f32 v2, v5;
	v3 =	vld [tilespmem:s9+$0x60]  }
0x23d: {  	v5 =	vld [tilespmem:s17+$0x60]  }
0x23e: {  	[tilespmem:s22+$0xFFFFFEE0] =	vst v2;
	v1 =	vadd.f32 v1, v6;
	v2 =	vld [tilespmem:s9+$0xE0]  }
0x23f: {  	v6 =	vld [tilespmem:s17+$0xE0]  }
0x240: {  	[tilespmem:s22+$0xFFFFFF60] =	vst v1;
	v0 =	vadd.f32 v0, v4;
	v1 =	vld [tilespmem:s9+$0x160]  }
0x241: {  	v4 =	vld [tilespmem:s17+$0x160]  }
0x242: {  	v7 =	vld [tilespmem:s9+$0xFFFFFE70];
	[tilespmem:s22+$0xFFFFFFE0] =	vst v0;
	v0 =	vadd.f32 v5, v3  }
0x243: {  	v3 =	vld [tilespmem:s17+$0xFFFFFE70]  }
0x244: {  	v5 =	vld [tilespmem:s9+$0xFFFFFEF0];
	[tilespmem:s22+$0x60] =	vst v0;
	v0 =	vadd.f32 v6, v2  }
0x245: {  	v2 =	vld [tilespmem:s17+$0xFFFFFEF0]  }
0x246: {  	v6 =	vld [tilespmem:s9+$0xFFFFFF70];
	[tilespmem:s22+$0xE0] =	vst v0;
	v0 =	vadd.f32 v4, v1  }
0x247: {  	v1 =	vld [tilespmem:s17+$0xFFFFFF70]  }
0x248: {  	v3 =	vadd.f32 v3, v7;
	v7 =	vld [tilespmem:s9+$0xFFFFFFF0];
	[tilespmem:s22+$0x160] =	vst v0  }
0x249: {  	v8 =	vld [tilespmem:s17+$0xFFFFFFF0]  }
0x24a: {  	[tilespmem:s22+$0xFFFFFE70] =	vst v3;
	v3 =	vadd.f32 v2, v5;
	v0 =	vld [tilespmem:s9+$0x70]  }
.Ltmp3:
0x24b: {  	v2 =	vld [tilespmem:s17+$0x70];
	(pc) =	sbr.rel @p0 .LBB2_5-.Ltmp3, $4  }
0x24c: {  	[tilespmem:s22+$0xFFFFFEF0] =	vst v3;
	v3 =	vadd.f32 v1, v6;
	v1 =	vld [tilespmem:s9+$0xF0]  }
0x24d: {  	v4 =	vld [tilespmem:s17+$0xF0]  }
0x24e: {  	[tilespmem:s22+$0xFFFFFF70] =	vst v3;
	v6 =	vadd.f32 v8, v7;
	v3 =	vld [tilespmem:s9+$0x170]  }
0x24f: {  	s9 =	sadd.s32 $0x400, s9;
	v5 =	vld [tilespmem:s17+$0x170]  }
0x250: {  	_ =	sdelay $0x1  }
0x251: {  	v0 =	vadd.f32 v2, v0  }
.Ltmp4:
0x252: {  	[tilespmem:s22+$0xFFFFFFF0] =	vst v6;
	s7 =	sadd.s32 s20, s12;
	v1 =	vadd.f32 v4, v1;
	(pc) =	sbr.rel @p1 .LBB2_8-.Ltmp4, $4  }
0x253: {  	s7 =	sshll.u32 s7, $0x9;
	[tilespmem:s22+$0x70] =	vst v0;
	v63 =	vadd.f32 v5, v3  }
0x254: {  	s7 =	sand.u32 $0x1FFFFE00, s7;
	[tilespmem:s22+$0xF0] =	vst v1  }
0x255: {  	s7 =	sadd.s32 s5, s7;
	[tilespmem:s22+$0x170] =	vst v63  }
0x256: {  	[hbm4b:s7+s4] =	stream.linear.scatter [tilespmem:s30], [sflag:$0x6], $0x1000, $0x38;
	[tilespmem:$0x14C80] =	vst v63  }
.Ltmp5:
0x257: {  	s7 =	sshll.u32 s19, $0x8;
	(pc) =	sbr.rel .LBB2_2-.Ltmp5, $4  }
0x258: {  	s9 =	sadd.s32 $0x180, s7  }
0x259: {  	[tilespmem:s21], [sflag:$0x3] =	stream.indirect.gather [spmem:s2], $0x20, s9, s18, $0xb8;
	[tilespmem:$0x14C80] =	vst v63  }
0x25a: {  	s19 =	sadd.s32 $0x1, s19;
	s7 =	sadd.s32 $0x2980, s7  }
0x25b: {  	[tilespmem:s23], [sflag:$0x4] =	stream.indirect.gather [spmem:s3], $0x20, s7, s18, $0xb8;
	[tilespmem:$0x14C80] =	vst v63  }
.LBB2_9:
0x25c: {  	_ =	sfence.sel $0x180000  }
0x25d: {  	[bflag:$0x0] =	sbarrier.arrive $0xFFFF  }
0x25e: {  	_ =	strace $0x90000047  }
0x25f: {  	s0 =	stileid.u32;
	[bflag:$0x2] =	sbarrier.arrive $0xFFFF  }
0x260: {  	p0 =	sne.s32 s0, $0x0;
	s0 =	rddreg [dreg:$0x3]  }
0x261: {  	s0 =	sadd.s32 @!p0 $0x100000, s0  }
0x262: {  	[sflag:s0] =	ssyncadd.tile.s32 @!p0 $0x1;
	_ =	shalt  }
.Lfunc_end2:
_tile_overlayer_lowered:
.L_overlay_start_2:
0x263: {  	(tag) =	ssettag $0x2  }
0x264: {  	s0 =	rddreg [dreg:$0x0];
	s2 =	stileid.u32  }
0x265: {  	s1 =	rddreg [dreg:$0x1];
	p0 =	sne.s32 s2, $0x0  }
0x266: {  	s3 =	rddreg [dreg:$0x2];
	[bflag:$0x3] =	sbarrier.arrive $0xFFFF;
	s2 =	simm.s32 @!p0 $0x1C07  }
0x267: {  	[timem:s3], [sflag:s2] =	dma.local @!p0 [hbm:s0], s1  }
0x268: {  	s0 =	simm.s32 @!p0 $0x7  }
0x269: {  	_ =	swait.ge @!p0 [sflag:s0], s1  }
0x26a: {  	s1 =	ssub.s32 @!p0 $0x0, s1;
	[sflag:s0] =	ssyncset.done @!p0 $0x0  }
0x26b: {  	[sflag:s0] =	ssyncadd.s32 @!p0 s1  }
0x26c: {  	[bflag:$0x3] =	sbarrier.arrive $0xFFFF  }
0x26d: {  	_ =	shalt  }

</sc_bundles>
